<compile_context>
chip_gen: v7x
topology: tpu7x:2x2x1
jax: 0.10.2.dev20260603
libtpu: 0.0.44.dev20260713+nightly
codegen_flags: <defaults>
</compile_context>

<pallas_src>
import functools

import jax
import jax.numpy as jnp
from jax import lax
from jax.experimental import pallas as pl
from jax.experimental.pallas import tpu as pltpu
from jax.experimental.pallas import tpu_sc as plsc

N = 10000
F = 192
E = 320000
LM = 768

NC = 2
NS = 16
NW = NC * NS
CHUNK = 64
NBUF = 4
EPW = 10240
EPAD = NW * EPW
EPS = EPAD // NS
NCH = EPS // CHUNK
NCHP = NCH + NBUF
NPAD = 10240
RPW = NPAD // NS
FH = F // 2
DUMMY = N

R = 1000
R2 = 1024

def _lk(v):
    return jnp.where(v > 0, v, 0.01 * v)


def _dot(a, b):
    return jnp.dot(a, b, preferred_element_type=jnp.float32,
                   precision=jax.lax.Precision.HIGHEST)


def _sc_deg_body(dst_hbm, onehot_hbm, zeros_hbm, out_hbm,
                 didx, ones_v, zrow_v, deg_sh, sem):
    del sem
    cid = lax.axis_index("c")
    sid = lax.axis_index("s")
    wid = cid * NS + sid
    pltpu.sync_copy(onehot_hbm, ones_v)
    pltpu.sync_copy(zeros_hbm, zrow_v)

    def zloop(k, carry):
        pltpu.sync_copy(zrow_v, deg_sh.at[pl.ds(sid * RPW + k * CHUNK, CHUNK)])
        return carry
    lax.fori_loop(0, RPW // CHUNK, zloop, 0)
    plsc.subcore_barrier()

    base = wid * EPW

    def eloop(i, carry):
        pltpu.sync_copy(dst_hbm.at[pl.ds(base + i * CHUNK, CHUNK)], didx)
        pltpu.sync_copy(ones_v, deg_sh.at[didx], add=True)
        return carry
    lax.fori_loop(0, EPW // CHUNK, eloop, 0)
    plsc.subcore_barrier()

    def xloop(k, carry):
        r0 = sid * RPW + k * CHUNK
        pltpu.sync_copy(deg_sh.at[pl.ds(r0, CHUNK)], zrow_v)
        pltpu.sync_copy(zrow_v, out_hbm.at[cid, pl.ds(r0, CHUNK)])
        return carry
    lax.fori_loop(0, RPW // CHUNK, xloop, 0)


@functools.cache
def _sc_calls():
    mesh = plsc.VectorSubcoreMesh(
        core_axis_name="c", subcore_axis_name="s",
        num_cores=NC, num_subcores=NS)
    deg_call = pl.kernel(
        _sc_deg_body,
        out_type=jax.ShapeDtypeStruct((NC, NPAD, 16), jnp.float32),
        mesh=mesh,
        compiler_params=pltpu.CompilerParams(use_tc_tiling_on_sc=False),
        scratch_types=[
            pltpu.VMEM((CHUNK,), jnp.int32),
            pltpu.VMEM((CHUNK, 16), jnp.float32),
            pltpu.VMEM((CHUNK, 16), jnp.float32),
            pltpu.VMEM_SHARED((NPAD, 16), jnp.float32),
            pltpu.SemaphoreType.DMA,
        ],
    )
    agg_call = pl.kernel(
        _sc_agg_body,
        out_type=jax.ShapeDtypeStruct((NC, NPAD, FH), jnp.float32),
        mesh=mesh,
        compiler_params=pltpu.CompilerParams(use_tc_tiling_on_sc=False),
        scratch_types=[
            pltpu.VMEM((NCHP, CHUNK), jnp.int32),
            pltpu.VMEM((NCH, CHUNK), jnp.int32),
            pltpu.VMEM((CHUNK, FH), jnp.float32),
            pltpu.VMEM((CHUNK, FH), jnp.float32),
            pltpu.VMEM((CHUNK, FH), jnp.float32),
            pltpu.VMEM((CHUNK, FH), jnp.float32),
            pltpu.VMEM_SHARED((NPAD, FH), jnp.float32),
            pltpu.SemaphoreType.DMA,
            pltpu.SemaphoreType.DMA,
            pltpu.SemaphoreType.DMA,
            pltpu.SemaphoreType.DMA,
        ],
    )
    return deg_call, agg_call


def _sc_agg_body(tbl_hbm, src_hbm, dst_hbm, zeros_hbm, out_hbm,
                 sidx, didx, rows0, rows1, rows2, rows3, acc_sh,
                 sem0, sem1, sem2, sem3):
    cid = lax.axis_index("c")
    sid = lax.axis_index("s")
    pltpu.sync_copy(zeros_hbm, rows0)

    def zloop(k, carry):
        pltpu.sync_copy(rows0, acc_sh.at[pl.ds(sid * RPW + k * CHUNK, CHUNK)])
        return carry
    lax.fori_loop(0, RPW // CHUNK, zloop, 0)

    pltpu.sync_copy(src_hbm.at[cid, sid], sidx)
    pltpu.sync_copy(dst_hbm.at[sid], didx)
    plsc.subcore_barrier()

    rows = (rows0, rows1, rows2, rows3)
    sems = (sem0, sem1, sem2, sem3)
    for b in range(NBUF):
        pltpu.async_copy(tbl_hbm.at[sidx.at[b]], rows[b], sems[b])

    def eloop(j, carry):
        for b in range(NBUF):
            i = NBUF * j + b
            pltpu.make_async_copy(tbl_hbm.at[sidx.at[i]], rows[b],
                                  sems[b]).wait()
            pltpu.sync_copy(rows[b], acc_sh.at[didx.at[i]], add=True)
            pltpu.async_copy(tbl_hbm.at[sidx.at[i + NBUF]], rows[b], sems[b])
        return carry
    lax.fori_loop(0, NCH // NBUF, eloop, 0)
    for b in range(NBUF):
        pltpu.make_async_copy(tbl_hbm.at[sidx.at[NCH + b]], rows[b],
                              sems[b]).wait()
    plsc.subcore_barrier()

    def xloop(k, carry):
        r0 = sid * RPW + k * CHUNK
        pltpu.sync_copy(acc_sh.at[pl.ds(r0, CHUNK)], rows0)
        pltpu.sync_copy(rows0, out_hbm.at[cid, pl.ds(r0, CHUNK)])
        return carry
    lax.fori_loop(0, RPW // CHUNK, xloop, 0)


def _enc_body(np_ref, nc_ref, des_ref, tw_ref, pre_ref, x_ref,
              Wnp, bnp, Wnc, bnc, Wd, bd, Wtx, btx, Wt, bt, Wtr, btr,
              Wi, bi, h_ref):
    def enc(a_ref, w_ref, b_ref):
        return _lk(_dot(a_ref[...], w_ref[...]) + b_ref[...])

    h = jnp.concatenate([
        enc(np_ref, Wnp, bnp),
        enc(nc_ref, Wnc, bnc),
        enc(des_ref, Wd, bd),
        enc(tw_ref, Wtx, btx),
        enc(pre_ref, Wt, bt),
        enc(x_ref, Wtr, btr),
    ], axis=1)
    h_ref[...] = _lk(_dot(h, Wi[...]) + bi[...])


def _encoder(num_prop, num_category, des, tweet, pre_x, x, p):
    row = lambda i: (i, 0)
    rep2 = lambda i: (0, 0)
    rep1 = lambda i: (0,)

    def wspec(w):
        return pl.BlockSpec(w.shape, rep2 if w.ndim == 2 else rep1)

    ws = [p["W_np"], p["b_np"], p["W_nc"], p["b_nc"], p["W_des"], p["b_des"],
          p["W_text"], p["b_text"], p["W_tweet"], p["b_tweet"],
          p["W_tweet_tr"], p["b_tweet_tr"], p["W_in"], p["b_in"]]
    return pl.pallas_call(
        _enc_body,
        grid=(N // R,),
        in_specs=[
            pl.BlockSpec((R, 5), row),
            pl.BlockSpec((R, 1), row),
            pl.BlockSpec((R, LM), row),
            pl.BlockSpec((R, LM), row),
            pl.BlockSpec((R, LM), row),
            pl.BlockSpec((R, LM), row),
        ] + [wspec(w) for w in ws],
        out_specs=pl.BlockSpec((R, F), row),
        out_shape=jax.ShapeDtypeStruct((N, F), jnp.float32),
    )(num_prop, num_category, des, tweet, pre_x, x, *ws)


def _prep_body(h_ref, degp_ref, W_ref, o_ref):
    dinv = lax.rsqrt(degp_ref[0, :] + degp_ref[1, :] + 1.0)
    o_ref[...] = _dot(h_ref[...], W_ref[...]) * dinv[:, None]


def _prep(h_pad, degp, W):
    row = lambda i: (i, 0)
    return pl.pallas_call(
        _prep_body,
        grid=(NPAD // R2,),
        in_specs=[
            pl.BlockSpec((R2, F), row),
            pl.BlockSpec((NC, R2), lambda i: (0, i)),
            pl.BlockSpec((F, F), lambda i: (0, 0)),
        ],
        out_specs=pl.BlockSpec((R2, F), row),
        out_shape=jax.ShapeDtypeStruct((NPAD, F), jnp.float32),
    )(h_pad, degp, W)


def _mid_body(acc_ref, t1_ref, degp_ref, b1_ref, W2_ref, o_ref):
    dinv = lax.rsqrt(degp_ref[0, :] + degp_ref[1, :] + 1.0)
    accc = jnp.concatenate([acc_ref[0], acc_ref[1]], axis=1)
    h1 = (accc + t1_ref[...]) * dinv[:, None] + b1_ref[...]
    o_ref[...] = _dot(h1, W2_ref[...]) * dinv[:, None]


def _mid(acc, t1, degp, b1, W2):
    row = lambda i: (i, 0)
    return pl.pallas_call(
        _mid_body,
        grid=(NPAD // R2,),
        in_specs=[
            pl.BlockSpec((NC, R2, FH), lambda i: (0, i, 0)),
            pl.BlockSpec((R2, F), row),
            pl.BlockSpec((NC, R2), lambda i: (0, i)),
            pl.BlockSpec((F,), lambda i: (0,)),
            pl.BlockSpec((F, F), lambda i: (0, 0)),
        ],
        out_specs=pl.BlockSpec((R2, F), row),
        out_shape=jax.ShapeDtypeStruct((NPAD, F), jnp.float32),
    )(acc, t1, degp, b1, W2)


def _final_body(acc_ref, t2_ref, degp_ref, b2_ref, Wo1_ref, bo1_ref,
                Wo2_ref, bo2_ref, em_ref, out_ref):
    dinv = lax.rsqrt(degp_ref[0, :] + degp_ref[1, :] + 1.0)
    accc = jnp.concatenate([acc_ref[0], acc_ref[1]], axis=1)
    h2 = (accc + t2_ref[...]) * dinv[:, None] + b2_ref[...]
    em = _lk(_dot(h2, Wo1_ref[...]) + bo1_ref[...])
    em_ref[...] = em
    out_ref[...] = _dot(em, Wo2_ref[...]) + bo2_ref[...]


def _final(acc, t2, degp, b2, Wo1, bo1, Wo2, bo2):
    row = lambda i: (i, 0)
    return pl.pallas_call(
        _final_body,
        grid=(NPAD // R2,),
        in_specs=[
            pl.BlockSpec((NC, R2, FH), lambda i: (0, i, 0)),
            pl.BlockSpec((R2, F), row),
            pl.BlockSpec((NC, R2), lambda i: (0, i)),
            pl.BlockSpec((F,), lambda i: (0,)),
            pl.BlockSpec((F, 96), lambda i: (0, 0)),
            pl.BlockSpec((96,), lambda i: (0,)),
            pl.BlockSpec((96, 2), lambda i: (0, 0)),
            pl.BlockSpec((2,), lambda i: (0,)),
        ],
        out_specs=[
            pl.BlockSpec((R2, 96), row),
            pl.BlockSpec((R2, 2), row),
        ],
        out_shape=[
            jax.ShapeDtypeStruct((NPAD, 96), jnp.float32),
            jax.ShapeDtypeStruct((NPAD, 2), jnp.float32),
        ],
    )(acc, t2, degp, b2, Wo1, bo1, Wo2, bo2)


def kernel(pre_x, x, edge_index, edge_type, num_prop, num_category,
           des_tensor, tweet_tensor, params):
    del edge_type
    p = params
    pad = jnp.full((EPAD - E,), DUMMY, jnp.int32)
    srcp = jnp.concatenate([edge_index[0], pad])
    dstp = jnp.concatenate([edge_index[1], pad])
    src3 = jnp.concatenate(
        [srcp.reshape(NS, NCH, CHUNK),
         jnp.full((NS, NBUF, CHUNK), DUMMY, jnp.int32)], axis=1)
    src4 = jnp.stack([src3, src3 + NPAD])
    dst3 = dstp.reshape(NS, NCH, CHUNK)
    zeros_f = jnp.zeros((CHUNK, FH), jnp.float32)
    zeros16 = jnp.zeros((CHUNK, 16), jnp.float32)
    onehot = zeros16.at[:, 0].set(1.0)

    deg_call, agg_call = _sc_calls()
    h = _encoder(num_prop, num_category, des_tensor, tweet_tensor,
                 pre_x, x, p)
    degp = deg_call(dstp, onehot, zeros16)[:, :, 0]
    h_pad = jnp.pad(h, ((0, NPAD - N), (0, 0)))

    t1 = _prep(h_pad, degp, p["W_c1"])
    tbl1 = jnp.concatenate([t1[:, :FH], t1[:, FH:]], axis=0)
    acc1 = agg_call(tbl1, src4, dst3, zeros_f)
    t2 = _mid(acc1, t1, degp, p["b_c1"], p["W_c2"])
    tbl2 = jnp.concatenate([t2[:, :FH], t2[:, FH:]], axis=0)
    acc2 = agg_call(tbl2, src4, dst3, zeros_f)
    em_p, out_p = _final(acc2, t2, degp, p["b_c2"],
                         p["W_o1"], p["b_o1"], p["W_o2"], p["b_o2"])
    return out_p[:N], em_p[:N]

# --- scband reference (transcript-rebuilt; emitter-appended) ---
"""Pipeline reference for scband-gcn-28432683499972 (READ-ONLY COPY).

The authoritative reference and input builder live on the scoring server;
editing this copy changes nothing except your own understanding.
"""

import jax, jax.numpy as jnp
import numpy as np

N = 10000
E = 320000
LM = 768


def _leaky(v):
    return jnp.where(v > 0, v, 0.01 * v)


def _gcn_conv(h, edge_index, W, b):
    n = h.shape[0]
    loop = jnp.arange(n, dtype=edge_index.dtype)
    src = jnp.concatenate([edge_index[0], loop])
    dst = jnp.concatenate([edge_index[1], loop])
    hw = h @ W
    deg = jnp.zeros((n,), dtype=hw.dtype).at[dst].add(1.0)
    dinv = jnp.where(deg > 0, deg ** -0.5, 0.0)
    norm = dinv[src] * dinv[dst]
    out = jnp.zeros_like(hw).at[dst].add(hw[src] * norm[:, None])
    return out + b


def _make_params(key):
    ks = iter(jax.random.split(key, 30))
    def w(shape, scale=0.05):
        return jax.random.normal(next(ks), shape, dtype=jnp.float32) * scale
    z = lambda n: jnp.zeros((n,), jnp.float32)
    return {
        "W_tweet": w((LM, 32)), "b_tweet": z(32),
        "W_tweet_tr": w((LM, 32)), "b_tweet_tr": z(32),
        "W_np": w((5, 32)), "b_np": z(32),
        "W_nc": w((1, 32)), "b_nc": z(32),
        "W_des": w((LM, 32)), "b_des": z(32),
        "W_text": w((LM, 32)), "b_text": z(32),
        "W_in": w((192, 192)), "b_in": z(192),
        "W_c1": w((192, 192)), "b_c1": z(192),
        "W_c2": w((192, 192)), "b_c2": z(192),
        "W_o1": w((192, 96)), "b_o1": z(96),
        "W_o2": w((96, 2)), "b_o2": z(2),
    }


def _forward(pre_x, x, num_prop, num_category, des_tensor, tweet_tensor, p, edge_index):
    d = _leaky(des_tensor @ p["W_des"] + p["b_des"])
    pre_t = _leaky(pre_x @ p["W_tweet"] + p["b_tweet"])
    t = _leaky(x @ p["W_tweet_tr"] + p["b_tweet_tr"])
    n = _leaky(num_prop @ p["W_np"] + p["b_np"])
    c = _leaky(num_category @ p["W_nc"] + p["b_nc"])
    tw = _leaky(tweet_tensor @ p["W_text"] + p["b_text"])
    h = jnp.concatenate((n, c, d, tw, pre_t, t), axis=1)
    h = _leaky(h @ p["W_in"] + p["b_in"])
    h = _gcn_conv(h, edge_index, p["W_c1"], p["b_c1"])
    h = _gcn_conv(h, edge_index, p["W_c2"], p["b_c2"])
    em = _leaky(h @ p["W_o1"] + p["b_o1"])
    out = em @ p["W_o2"] + p["b_o2"]
    return out, em


def setup_inputs(seed: int = 0):
    key = jax.random.key(seed)
    k = jax.random.split(key, 10)
    return {
        "pre_x": jax.random.normal(k[0], (N, LM), dtype=jnp.float32),
        "x": jax.random.normal(k[1], (N, LM), dtype=jnp.float32),
        "edge_index": jax.random.randint(k[2], (2, E), 0, N, dtype=jnp.int32),
        "edge_type": jax.random.randint(k[3], (E,), 0, 2, dtype=jnp.int32),
        "num_prop": jax.random.normal(k[4], (N, 5), dtype=jnp.float32),
        "num_category": jax.random.normal(k[5], (N, 1), dtype=jnp.float32),
        "des_tensor": jax.random.normal(k[6], (N, LM), dtype=jnp.float32),
        "tweet_tensor": jax.random.normal(k[7], (N, LM), dtype=jnp.float32),
        "params": _make_params(k[8]),
    }


def reference(pre_x, x, edge_index, edge_type, num_prop, num_category, des_tensor, tweet_tensor, params):
    # edge_type is accepted but unused, matching the torch forward.
    # Dropout layers are identity in eval mode.
    return _forward(pre_x, x, num_prop, num_category, des_tensor, tweet_tensor, params, edge_index)

if __name__ == "__main__":
    import jax
    _d = setup_inputs()
    print(jax.jit(kernel)(*tuple(_d.values())))

</pallas_src>

<mosaic_0001>
#map = affine_map<(d0, d1) -> (0)>
#map1 = affine_map<(d0, d1) -> (0, 0)>
#map2 = affine_map<(d0, d1) -> (0, 0, 0)>
module attributes {stable_mosaic.version = 14 : i64} {
  func.func @_sc_deg_body(%arg0: i32, %arg1: i32, %arg2: memref<327680xi32, #tpu.memory_space<hbm>>, %arg3: memref<64x16xf32, #tpu.memory_space<hbm>>, %arg4: memref<64x16xf32, #tpu.memory_space<hbm>>, %arg5: memref<2x10240x16xf32, #tpu.memory_space<hbm>>, %arg6: memref<64xi32, #tpu.memory_space<vmem>>, %arg7: memref<64x16xf32, #tpu.memory_space<vmem>>, %arg8: memref<64x16xf32, #tpu.memory_space<vmem>>, %arg9: memref<10240x16xf32, #tpu.memory_space<vmem_shared>>, %arg10: memref<!tpu.dma_semaphore, #tpu.memory_space<semaphore_mem>>) attributes {dimension_semantics = [#tpu.dimension_semantics<core_parallel>, #tpu.dimension_semantics<subcore_parallel>], iteration_bounds = array<i64: 2, 16>, scalar_prefetch = 0 : i64, scratch_operands = 5 : i64, tpu.core_type = #tpu.core_type<sc_vector_subcore>, window_params = [{transform_indices = #map}, {transform_indices = #map1}, {transform_indices = #map1}, {transform_indices = #map2}]} {
    %mul3A = arith.constant 16 : i32
    %mul3A_0 = arith.muli %arg0, %mul3A : i32
    %add3A = arith.addi %mul3A_0, %arg1 : i32
    "tpu.region"() ({
      %run_scoped3A = tpu.sem_alloc : memref<!tpu.dma_semaphore, #tpu.memory_space<semaphore_mem>>
      tpu.enqueue_dma source(%arg3 : memref<64x16xf32, #tpu.memory_space<hbm>>) target(%arg7 : memref<64x16xf32, #tpu.memory_space<vmem>>) target_semaphore(%run_scoped3A : memref<!tpu.dma_semaphore, #tpu.memory_space<semaphore_mem>>)
      tpu.wait_dma2 semaphore(%run_scoped3A : memref<!tpu.dma_semaphore, #tpu.memory_space<semaphore_mem>>) src(%arg3 : memref<64x16xf32, #tpu.memory_space<hbm>>) dst(%arg7 : memref<64x16xf32, #tpu.memory_space<vmem>>)
      tpu.yield
    }) : () -> ()
    "tpu.region"() ({
      %run_scoped3A = tpu.sem_alloc : memref<!tpu.dma_semaphore, #tpu.memory_space<semaphore_mem>>
      tpu.enqueue_dma source(%arg4 : memref<64x16xf32, #tpu.memory_space<hbm>>) target(%arg8 : memref<64x16xf32, #tpu.memory_space<vmem>>) target_semaphore(%run_scoped3A : memref<!tpu.dma_semaphore, #tpu.memory_space<semaphore_mem>>)
      tpu.wait_dma2 semaphore(%run_scoped3A : memref<!tpu.dma_semaphore, #tpu.memory_space<semaphore_mem>>) src(%arg4 : memref<64x16xf32, #tpu.memory_space<hbm>>) dst(%arg8 : memref<64x16xf32, #tpu.memory_space<vmem>>)
      tpu.yield
    }) : () -> ()
    %scan3A = arith.constant 0 : i32
    %scan3A_1 = arith.constant 0 : i32
    %scan3A_2 = arith.constant 10 : i32
    %scan3A_3 = arith.addi %scan3A_1, %scan3A_2 : i32
    %scan3A_4 = arith.constant 1 : i32
    scf.for %scan3A_21 = %scan3A_1 to %scan3A_3 step %scan3A_4  : i32 {
      %mul3A_22 = arith.constant 640 : i32
      %mul3A_23 = arith.muli %arg1, %mul3A_22 : i32
      %mul3A_24 = arith.constant 64 : i32
      %mul3A_25 = arith.muli %scan3A_21, %mul3A_24 : i32
      %add3A_26 = arith.addi %mul3A_23, %mul3A_25 : i32
      "tpu.region"() ({
        %run_scoped3A = tpu.sem_alloc : memref<!tpu.dma_semaphore, #tpu.memory_space<semaphore_mem>>
        %dma_start3A = arith.constant 0 : i32
        %dma_start3A_27 = tpu.memref_slice %arg9[%add3A_26, %dma_start3A] : memref<10240x16xf32, #tpu.memory_space<vmem_shared>> -> memref<64x16xf32, #tpu.memory_space<vmem_shared>>
        %dma_start3A_28 = arith.constant 0 : i32
        %dma_start3A_29 = tpu.memref_slice %arg9[%add3A_26, %dma_start3A_28] : memref<10240x16xf32, #tpu.memory_space<vmem_shared>> -> memref<64x16xf32, #tpu.memory_space<vmem_shared>>
        tpu.enqueue_dma source(%arg8 : memref<64x16xf32, #tpu.memory_space<vmem>>) target(%dma_start3A_29 : memref<64x16xf32, #tpu.memory_space<vmem_shared>>) target_semaphore(%run_scoped3A : memref<!tpu.dma_semaphore, #tpu.memory_space<semaphore_mem>>)
        %dma_wait3A = arith.constant 0 : i32
        %dma_wait3A_30 = tpu.memref_slice %arg9[%add3A_26, %dma_wait3A] : memref<10240x16xf32, #tpu.memory_space<vmem_shared>> -> memref<64x16xf32, #tpu.memory_space<vmem_shared>>
        %dma_wait3A_31 = arith.constant 0 : i32
        %dma_wait3A_32 = tpu.memref_slice %arg9[%add3A_26, %dma_wait3A_31] : memref<10240x16xf32, #tpu.memory_space<vmem_shared>> -> memref<64x16xf32, #tpu.memory_space<vmem_shared>>
        tpu.wait_dma2 semaphore(%run_scoped3A : memref<!tpu.dma_semaphore, #tpu.memory_space<semaphore_mem>>) src(%arg8 : memref<64x16xf32, #tpu.memory_space<vmem>>) dst(%dma_wait3A_32 : memref<64x16xf32, #tpu.memory_space<vmem_shared>>)
        tpu.yield
      }) : () -> ()
    }
    %scan3A_5 = arith.constant 10 : i32
    %barrier3A = arith.constant 0 : index
    tpu.barrier barrier_id(%barrier3A)
    %mul3A_6 = arith.constant 10240 : i32
    %mul3A_7 = arith.muli %add3A, %mul3A_6 : i32
    %scan3A_8 = arith.constant 0 : i32
    %scan3A_9 = arith.constant 0 : i32
    %scan3A_10 = arith.constant 160 : i32
    %scan3A_11 = arith.addi %scan3A_9, %scan3A_10 : i32
    %scan3A_12 = arith.constant 1 : i32
    scf.for %scan3A_21 = %scan3A_9 to %scan3A_11 step %scan3A_12  : i32 {
      %mul3A_22 = arith.constant 64 : i32
      %mul3A_23 = arith.muli %scan3A_21, %mul3A_22 : i32
      %add3A_24 = arith.addi %mul3A_7, %mul3A_23 : i32
      "tpu.region"() ({
        %run_scoped3A = tpu.sem_alloc : memref<!tpu.dma_semaphore, #tpu.memory_space<semaphore_mem>>
        %dma_start3A = tpu.memref_slice %arg2[%add3A_24] : memref<327680xi32, #tpu.memory_space<hbm>> -> memref<64xi32, #tpu.memory_space<hbm>>
        %dma_start3A_25 = tpu.memref_slice %arg2[%add3A_24] : memref<327680xi32, #tpu.memory_space<hbm>> -> memref<64xi32, #tpu.memory_space<hbm>>
        tpu.enqueue_dma source(%dma_start3A_25 : memref<64xi32, #tpu.memory_space<hbm>>) target(%arg6 : memref<64xi32, #tpu.memory_space<vmem>>) target_semaphore(%run_scoped3A : memref<!tpu.dma_semaphore, #tpu.memory_space<semaphore_mem>>)
        %dma_wait3A = tpu.memref_slice %arg2[%add3A_24] : memref<327680xi32, #tpu.memory_space<hbm>> -> memref<64xi32, #tpu.memory_space<hbm>>
        %dma_wait3A_26 = tpu.memref_slice %arg2[%add3A_24] : memref<327680xi32, #tpu.memory_space<hbm>> -> memref<64xi32, #tpu.memory_space<hbm>>
        tpu.wait_dma2 semaphore(%run_scoped3A : memref<!tpu.dma_semaphore, #tpu.memory_space<semaphore_mem>>) src(%dma_wait3A_26 : memref<64xi32, #tpu.memory_space<hbm>>) dst(%arg6 : memref<64xi32, #tpu.memory_space<vmem>>)
        tpu.yield
      }) : () -> ()
      "tpu.region"() ({
        %run_scoped3A = tpu.sem_alloc : memref<!tpu.dma_semaphore, #tpu.memory_space<semaphore_mem>>
        %dma_start3A = arith.constant 0 : i32
        %dma_start3A_25 = arith.constant 0 : i32
        %dma_start3A_26 = tpu.memref_slice %arg9[%dma_start3A, %dma_start3A_25] : memref<10240x16xf32, #tpu.memory_space<vmem_shared>> -> memref<10240x16xf32, #tpu.memory_space<vmem_shared>>
        tpu.enqueue_indirect_dma source(%arg7 : memref<64x16xf32, #tpu.memory_space<vmem>>) target(%dma_start3A_26 : memref<10240x16xf32, #tpu.memory_space<vmem_shared>>) offsets(%arg6 : memref<64xi32, #tpu.memory_space<vmem>>) semaphore(%run_scoped3A : memref<!tpu.dma_semaphore, #tpu.memory_space<semaphore_mem>>) {add = true}
        %dma_wait3A = arith.constant 0 : i32
        %dma_wait3A_27 = arith.constant 0 : i32
        %dma_wait3A_28 = tpu.memref_slice %arg9[%dma_wait3A, %dma_wait3A_27] : memref<10240x16xf32, #tpu.memory_space<vmem_shared>> -> memref<10240x16xf32, #tpu.memory_space<vmem_shared>>
        tpu.wait_indirect_dma semaphore(%run_scoped3A : memref<!tpu.dma_semaphore, #tpu.memory_space<semaphore_mem>>) src(%arg7 : memref<64x16xf32, #tpu.memory_space<vmem>>) dst(%dma_wait3A_28 : memref<10240x16xf32, #tpu.memory_space<vmem_shared>>)
        tpu.yield
      }) : () -> ()
    }
    %scan3A_13 = arith.constant 160 : i32
    %barrier3A_14 = arith.constant 0 : index
    tpu.barrier barrier_id(%barrier3A_14)
    %scan3A_15 = arith.constant 0 : i32
    %scan3A_16 = arith.constant 0 : i32
    %scan3A_17 = arith.constant 10 : i32
    %scan3A_18 = arith.addi %scan3A_16, %scan3A_17 : i32
    %scan3A_19 = arith.constant 1 : i32
    scf.for %scan3A_21 = %scan3A_16 to %scan3A_18 step %scan3A_19  : i32 {
      %mul3A_22 = arith.constant 640 : i32
      %mul3A_23 = arith.muli %arg1, %mul3A_22 : i32
      %mul3A_24 = arith.constant 64 : i32
      %mul3A_25 = arith.muli %scan3A_21, %mul3A_24 : i32
      %add3A_26 = arith.addi %mul3A_23, %mul3A_25 : i32
      "tpu.region"() ({
        %run_scoped3A = tpu.sem_alloc : memref<!tpu.dma_semaphore, #tpu.memory_space<semaphore_mem>>
        %dma_start3A = arith.constant 0 : i32
        %dma_start3A_27 = tpu.memref_slice %arg9[%add3A_26, %dma_start3A] : memref<10240x16xf32, #tpu.memory_space<vmem_shared>> -> memref<64x16xf32, #tpu.memory_space<vmem_shared>>
        %dma_start3A_28 = arith.constant 0 : i32
        %dma_start3A_29 = tpu.memref_slice %arg9[%add3A_26, %dma_start3A_28] : memref<10240x16xf32, #tpu.memory_space<vmem_shared>> -> memref<64x16xf32, #tpu.memory_space<vmem_shared>>
        tpu.enqueue_dma source(%dma_start3A_29 : memref<64x16xf32, #tpu.memory_space<vmem_shared>>) target(%arg8 : memref<64x16xf32, #tpu.memory_space<vmem>>) target_semaphore(%run_scoped3A : memref<!tpu.dma_semaphore, #tpu.memory_space<semaphore_mem>>)
        %dma_wait3A = arith.constant 0 : i32
        %dma_wait3A_30 = tpu.memref_slice %arg9[%add3A_26, %dma_wait3A] : memref<10240x16xf32, #tpu.memory_space<vmem_shared>> -> memref<64x16xf32, #tpu.memory_space<vmem_shared>>
        %dma_wait3A_31 = arith.constant 0 : i32
        %dma_wait3A_32 = tpu.memref_slice %arg9[%add3A_26, %dma_wait3A_31] : memref<10240x16xf32, #tpu.memory_space<vmem_shared>> -> memref<64x16xf32, #tpu.memory_space<vmem_shared>>
        tpu.wait_dma2 semaphore(%run_scoped3A : memref<!tpu.dma_semaphore, #tpu.memory_space<semaphore_mem>>) src(%dma_wait3A_32 : memref<64x16xf32, #tpu.memory_space<vmem_shared>>) dst(%arg8 : memref<64x16xf32, #tpu.memory_space<vmem>>)
        tpu.yield
      }) : () -> ()
      "tpu.region"() ({
        %run_scoped3A = tpu.sem_alloc : memref<!tpu.dma_semaphore, #tpu.memory_space<semaphore_mem>>
        %dma_start3A = arith.constant 0 : i32
        %dma_start3A_27 = tpu.memref_slice %arg5[%arg0, %add3A_26, %dma_start3A] : memref<2x10240x16xf32, #tpu.memory_space<hbm>> -> memref<1x64x16xf32, #tpu.memory_space<hbm>>
        %dma_start3A_28 = tpu.memref_squeeze %dma_start3A_27 : memref<1x64x16xf32, #tpu.memory_space<hbm>> -> memref<64x16xf32, #tpu.memory_space<hbm>>
        %dma_start3A_29 = arith.constant 0 : i32
        %dma_start3A_30 = tpu.memref_slice %arg5[%arg0, %add3A_26, %dma_start3A_29] : memref<2x10240x16xf32, #tpu.memory_space<hbm>> -> memref<1x64x16xf32, #tpu.memory_space<hbm>>
        %dma_start3A_31 = tpu.memref_squeeze %dma_start3A_30 : memref<1x64x16xf32, #tpu.memory_space<hbm>> -> memref<64x16xf32, #tpu.memory_space<hbm>>
        tpu.enqueue_dma source(%arg8 : memref<64x16xf32, #tpu.memory_space<vmem>>) target(%dma_start3A_31 : memref<64x16xf32, #tpu.memory_space<hbm>>) target_semaphore(%run_scoped3A : memref<!tpu.dma_semaphore, #tpu.memory_space<semaphore_mem>>)
        %dma_wait3A = arith.constant 0 : i32
        %dma_wait3A_32 = tpu.memref_slice %arg5[%arg0, %add3A_26, %dma_wait3A] : memref<2x10240x16xf32, #tpu.memory_space<hbm>> -> memref<1x64x16xf32, #tpu.memory_space<hbm>>
        %dma_wait3A_33 = tpu.memref_squeeze %dma_wait3A_32 : memref<1x64x16xf32, #tpu.memory_space<hbm>> -> memref<64x16xf32, #tpu.memory_space<hbm>>
        %dma_wait3A_34 = arith.constant 0 : i32
        %dma_wait3A_35 = tpu.memref_slice %arg5[%arg0, %add3A_26, %dma_wait3A_34] : memref<2x10240x16xf32, #tpu.memory_space<hbm>> -> memref<1x64x16xf32, #tpu.memory_space<hbm>>
        %dma_wait3A_36 = tpu.memref_squeeze %dma_wait3A_35 : memref<1x64x16xf32, #tpu.memory_space<hbm>> -> memref<64x16xf32, #tpu.memory_space<hbm>>
        tpu.wait_dma2 semaphore(%run_scoped3A : memref<!tpu.dma_semaphore, #tpu.memory_space<semaphore_mem>>) src(%arg8 : memref<64x16xf32, #tpu.memory_space<vmem>>) dst(%dma_wait3A_36 : memref<64x16xf32, #tpu.memory_space<hbm>>)
        tpu.yield
      }) : () -> ()
    }
    %scan3A_20 = arith.constant 10 : i32
    return
  }
}

#map = affine_map<(d0, d1) -> (0, 0)>
#map1 = affine_map<(d0, d1) -> (0, 0, 0, 0)>
#map2 = affine_map<(d0, d1) -> (0, 0, 0)>
module attributes {stable_mosaic.version = 14 : i64} {
  func.func @_sc_agg_body(%arg0: i32, %arg1: i32, %arg2: memref<20480x96xf32, #tpu.memory_space<hbm>>, %arg3: memref<2x16x324x64xi32, #tpu.memory_space<hbm>>, %arg4: memref<16x320x64xi32, #tpu.memory_space<hbm>>, %arg5: memref<64x96xf32, #tpu.memory_space<hbm>>, %arg6: memref<2x10240x96xf32, #tpu.memory_space<hbm>>, %arg7: memref<324x64xi32, #tpu.memory_space<vmem>>, %arg8: memref<320x64xi32, #tpu.memory_space<vmem>>, %arg9: memref<64x96xf32, #tpu.memory_space<vmem>>, %arg10: memref<64x96xf32, #tpu.memory_space<vmem>>, %arg11: memref<64x96xf32, #tpu.memory_space<vmem>>, %arg12: memref<64x96xf32, #tpu.memory_space<vmem>>, %arg13: memref<10240x96xf32, #tpu.memory_space<vmem_shared>>, %arg14: memref<!tpu.dma_semaphore, #tpu.memory_space<semaphore_mem>>, %arg15: memref<!tpu.dma_semaphore, #tpu.memory_space<semaphore_mem>>, %arg16: memref<!tpu.dma_semaphore, #tpu.memory_space<semaphore_mem>>, %arg17: memref<!tpu.dma_semaphore, #tpu.memory_space<semaphore_mem>>) attributes {dimension_semantics = [#tpu.dimension_semantics<core_parallel>, #tpu.dimension_semantics<subcore_parallel>], iteration_bounds = array<i64: 2, 16>, scalar_prefetch = 0 : i64, scratch_operands = 11 : i64, tpu.core_type = #tpu.core_type<sc_vector_subcore>, window_params = [{transform_indices = #map}, {transform_indices = #map1}, {transform_indices = #map2}, {transform_indices = #map}, {transform_indices = #map2}]} {
    "tpu.region"() ({
      %run_scoped3A = tpu.sem_alloc : memref<!tpu.dma_semaphore, #tpu.memory_space<semaphore_mem>>
      tpu.enqueue_dma source(%arg5 : memref<64x96xf32, #tpu.memory_space<hbm>>) target(%arg9 : memref<64x96xf32, #tpu.memory_space<vmem>>) target_semaphore(%run_scoped3A : memref<!tpu.dma_semaphore, #tpu.memory_space<semaphore_mem>>)
      tpu.wait_dma2 semaphore(%run_scoped3A : memref<!tpu.dma_semaphore, #tpu.memory_space<semaphore_mem>>) src(%arg5 : memref<64x96xf32, #tpu.memory_space<hbm>>) dst(%arg9 : memref<64x96xf32, #tpu.memory_space<vmem>>)
      tpu.yield
    }) : () -> ()
    %scan3A = arith.constant 0 : i32
    %scan3A_0 = arith.constant 0 : i32
    %scan3A_1 = arith.constant 10 : i32
    %scan3A_2 = arith.addi %scan3A_0, %scan3A_1 : i32
    %scan3A_3 = arith.constant 1 : i32
    scf.for %scan3A_72 = %scan3A_0 to %scan3A_2 step %scan3A_3  : i32 {
      %mul3A = arith.constant 640 : i32
      %mul3A_73 = arith.muli %arg1, %mul3A : i32
      %mul3A_74 = arith.constant 64 : i32
      %mul3A_75 = arith.muli %scan3A_72, %mul3A_74 : i32
      %add3A = arith.addi %mul3A_73, %mul3A_75 : i32
      "tpu.region"() ({
        %run_scoped3A = tpu.sem_alloc : memref<!tpu.dma_semaphore, #tpu.memory_space<semaphore_mem>>
        %dma_start3A_76 = arith.constant 0 : i32
        %dma_start3A_77 = tpu.memref_slice %arg13[%add3A, %dma_start3A_76] : memref<10240x96xf32, #tpu.memory_space<vmem_shared>> -> memref<64x96xf32, #tpu.memory_space<vmem_shared>>
        %dma_start3A_78 = arith.constant 0 : i32
        %dma_start3A_79 = tpu.memref_slice %arg13[%add3A, %dma_start3A_78] : memref<10240x96xf32, #tpu.memory_space<vmem_shared>> -> memref<64x96xf32, #tpu.memory_space<vmem_shared>>
        tpu.enqueue_dma source(%arg9 : memref<64x96xf32, #tpu.memory_space<vmem>>) target(%dma_start3A_79 : memref<64x96xf32, #tpu.memory_space<vmem_shared>>) target_semaphore(%run_scoped3A : memref<!tpu.dma_semaphore, #tpu.memory_space<semaphore_mem>>)
        %dma_wait3A_80 = arith.constant 0 : i32
        %dma_wait3A_81 = tpu.memref_slice %arg13[%add3A, %dma_wait3A_80] : memref<10240x96xf32, #tpu.memory_space<vmem_shared>> -> memref<64x96xf32, #tpu.memory_space<vmem_shared>>
        %dma_wait3A_82 = arith.constant 0 : i32
        %dma_wait3A_83 = tpu.memref_slice %arg13[%add3A, %dma_wait3A_82] : memref<10240x96xf32, #tpu.memory_space<vmem_shared>> -> memref<64x96xf32, #tpu.memory_space<vmem_shared>>
        tpu.wait_dma2 semaphore(%run_scoped3A : memref<!tpu.dma_semaphore, #tpu.memory_space<semaphore_mem>>) src(%arg9 : memref<64x96xf32, #tpu.memory_space<vmem>>) dst(%dma_wait3A_83 : memref<64x96xf32, #tpu.memory_space<vmem_shared>>)
        tpu.yield
      }) : () -> ()
    }
    %scan3A_4 = arith.constant 10 : i32
    "tpu.region"() ({
      %run_scoped3A = tpu.sem_alloc : memref<!tpu.dma_semaphore, #tpu.memory_space<semaphore_mem>>
      %dma_start3A_72 = arith.constant 0 : i32
      %dma_start3A_73 = arith.constant 0 : i32
      %dma_start3A_74 = tpu.memref_slice %arg3[%arg0, %arg1, %dma_start3A_72, %dma_start3A_73] : memref<2x16x324x64xi32, #tpu.memory_space<hbm>> -> memref<1x1x324x64xi32, #tpu.memory_space<hbm>>
      %dma_start3A_75 = tpu.memref_squeeze %dma_start3A_74 : memref<1x1x324x64xi32, #tpu.memory_space<hbm>> -> memref<324x64xi32, #tpu.memory_space<hbm>>
      %dma_start3A_76 = arith.constant 0 : i32
      %dma_start3A_77 = arith.constant 0 : i32
      %dma_start3A_78 = tpu.memref_slice %arg3[%arg0, %arg1, %dma_start3A_76, %dma_start3A_77] : memref<2x16x324x64xi32, #tpu.memory_space<hbm>> -> memref<1x1x324x64xi32, #tpu.memory_space<hbm>>
      %dma_start3A_79 = tpu.memref_squeeze %dma_start3A_78 : memref<1x1x324x64xi32, #tpu.memory_space<hbm>> -> memref<324x64xi32, #tpu.memory_space<hbm>>
      tpu.enqueue_dma source(%dma_start3A_79 : memref<324x64xi32, #tpu.memory_space<hbm>>) target(%arg7 : memref<324x64xi32, #tpu.memory_space<vmem>>) target_semaphore(%run_scoped3A : memref<!tpu.dma_semaphore, #tpu.memory_space<semaphore_mem>>)
      %dma_wait3A_80 = arith.constant 0 : i32
      %dma_wait3A_81 = arith.constant 0 : i32
      %dma_wait3A_82 = tpu.memref_slice %arg3[%arg0, %arg1, %dma_wait3A_80, %dma_wait3A_81] : memref<2x16x324x64xi32, #tpu.memory_space<hbm>> -> memref<1x1x324x64xi32, #tpu.memory_space<hbm>>
      %dma_wait3A_83 = tpu.memref_squeeze %dma_wait3A_82 : memref<1x1x324x64xi32, #tpu.memory_space<hbm>> -> memref<324x64xi32, #tpu.memory_space<hbm>>
      %dma_wait3A_84 = arith.constant 0 : i32
      %dma_wait3A_85 = arith.constant 0 : i32
      %dma_wait3A_86 = tpu.memref_slice %arg3[%arg0, %arg1, %dma_wait3A_84, %dma_wait3A_85] : memref<2x16x324x64xi32, #tpu.memory_space<hbm>> -> memref<1x1x324x64xi32, #tpu.memory_space<hbm>>
      %dma_wait3A_87 = tpu.memref_squeeze %dma_wait3A_86 : memref<1x1x324x64xi32, #tpu.memory_space<hbm>> -> memref<324x64xi32, #tpu.memory_space<hbm>>
      tpu.wait_dma2 semaphore(%run_scoped3A : memref<!tpu.dma_semaphore, #tpu.memory_space<semaphore_mem>>) src(%dma_wait3A_87 : memref<324x64xi32, #tpu.memory_space<hbm>>) dst(%arg7 : memref<324x64xi32, #tpu.memory_space<vmem>>)
      tpu.yield
    }) : () -> ()
    "tpu.region"() ({
      %run_scoped3A = tpu.sem_alloc : memref<!tpu.dma_semaphore, #tpu.memory_space<semaphore_mem>>
      %dma_start3A_72 = arith.constant 0 : i32
      %dma_start3A_73 = arith.constant 0 : i32
      %dma_start3A_74 = tpu.memref_slice %arg4[%arg1, %dma_start3A_72, %dma_start3A_73] : memref<16x320x64xi32, #tpu.memory_space<hbm>> -> memref<1x320x64xi32, #tpu.memory_space<hbm>>
      %dma_start3A_75 = tpu.memref_squeeze %dma_start3A_74 : memref<1x320x64xi32, #tpu.memory_space<hbm>> -> memref<320x64xi32, #tpu.memory_space<hbm>>
      %dma_start3A_76 = arith.constant 0 : i32
      %dma_start3A_77 = arith.constant 0 : i32
      %dma_start3A_78 = tpu.memref_slice %arg4[%arg1, %dma_start3A_76, %dma_start3A_77] : memref<16x320x64xi32, #tpu.memory_space<hbm>> -> memref<1x320x64xi32, #tpu.memory_space<hbm>>
      %dma_start3A_79 = tpu.memref_squeeze %dma_start3A_78 : memref<1x320x64xi32, #tpu.memory_space<hbm>> -> memref<320x64xi32, #tpu.memory_space<hbm>>
      tpu.enqueue_dma source(%dma_start3A_79 : memref<320x64xi32, #tpu.memory_space<hbm>>) target(%arg8 : memref<320x64xi32, #tpu.memory_space<vmem>>) target_semaphore(%run_scoped3A : memref<!tpu.dma_semaphore, #tpu.memory_space<semaphore_mem>>)
      %dma_wait3A_80 = arith.constant 0 : i32
      %dma_wait3A_81 = arith.constant 0 : i32
      %dma_wait3A_82 = tpu.memref_slice %arg4[%arg1, %dma_wait3A_80, %dma_wait3A_81] : memref<16x320x64xi32, #tpu.memory_space<hbm>> -> memref<1x320x64xi32, #tpu.memory_space<hbm>>
      %dma_wait3A_83 = tpu.memref_squeeze %dma_wait3A_82 : memref<1x320x64xi32, #tpu.memory_space<hbm>> -> memref<320x64xi32, #tpu.memory_space<hbm>>
      %dma_wait3A_84 = arith.constant 0 : i32
      %dma_wait3A_85 = arith.constant 0 : i32
      %dma_wait3A_86 = tpu.memref_slice %arg4[%arg1, %dma_wait3A_84, %dma_wait3A_85] : memref<16x320x64xi32, #tpu.memory_space<hbm>> -> memref<1x320x64xi32, #tpu.memory_space<hbm>>
      %dma_wait3A_87 = tpu.memref_squeeze %dma_wait3A_86 : memref<1x320x64xi32, #tpu.memory_space<hbm>> -> memref<320x64xi32, #tpu.memory_space<hbm>>
      tpu.wait_dma2 semaphore(%run_scoped3A : memref<!tpu.dma_semaphore, #tpu.memory_space<semaphore_mem>>) src(%dma_wait3A_87 : memref<320x64xi32, #tpu.memory_space<hbm>>) dst(%arg8 : memref<320x64xi32, #tpu.memory_space<vmem>>)
      tpu.yield
    }) : () -> ()
    %barrier3A = arith.constant 0 : index
    tpu.barrier barrier_id(%barrier3A)
    %dma_start3A = arith.constant 0 : i32
    %dma_start3A_5 = arith.constant 0 : i32
    %dma_start3A_6 = tpu.memref_slice %arg7[%dma_start3A, %dma_start3A_5] : memref<324x64xi32, #tpu.memory_space<vmem>> -> memref<1x64xi32, #tpu.memory_space<vmem>>
    %dma_start3A_7 = tpu.memref_squeeze %dma_start3A_6 : memref<1x64xi32, #tpu.memory_space<vmem>> -> memref<64xi32, #tpu.memory_space<vmem>>
    %dma_start3A_8 = arith.constant 0 : i32
    %dma_start3A_9 = arith.constant 0 : i32
    %dma_start3A_10 = tpu.memref_slice %arg2[%dma_start3A_8, %dma_start3A_9] : memref<20480x96xf32, #tpu.memory_space<hbm>> -> memref<20480x96xf32, #tpu.memory_space<hbm>>
    tpu.enqueue_indirect_dma source(%dma_start3A_10 : memref<20480x96xf32, #tpu.memory_space<hbm>>) target(%arg9 : memref<64x96xf32, #tpu.memory_space<vmem>>) offsets(%dma_start3A_7 : memref<64xi32, #tpu.memory_space<vmem>>) semaphore(%arg14 : memref<!tpu.dma_semaphore, #tpu.memory_space<semaphore_mem>>)
    %dma_start3A_11 = arith.constant 1 : i32
    %dma_start3A_12 = arith.constant 0 : i32
    %dma_start3A_13 = tpu.memref_slice %arg7[%dma_start3A_11, %dma_start3A_12] : memref<324x64xi32, #tpu.memory_space<vmem>> -> memref<1x64xi32, #tpu.memory_space<vmem>>
    %dma_start3A_14 = tpu.memref_squeeze %dma_start3A_13 : memref<1x64xi32, #tpu.memory_space<vmem>> -> memref<64xi32, #tpu.memory_space<vmem>>
    %dma_start3A_15 = arith.constant 0 : i32
    %dma_start3A_16 = arith.constant 0 : i32
    %dma_start3A_17 = tpu.memref_slice %arg2[%dma_start3A_15, %dma_start3A_16] : memref<20480x96xf32, #tpu.memory_space<hbm>> -> memref<20480x96xf32, #tpu.memory_space<hbm>>
    tpu.enqueue_indirect_dma source(%dma_start3A_17 : memref<20480x96xf32, #tpu.memory_space<hbm>>) target(%arg10 : memref<64x96xf32, #tpu.memory_space<vmem>>) offsets(%dma_start3A_14 : memref<64xi32, #tpu.memory_space<vmem>>) semaphore(%arg15 : memref<!tpu.dma_semaphore, #tpu.memory_space<semaphore_mem>>)
    %dma_start3A_18 = arith.constant 2 : i32
    %dma_start3A_19 = arith.constant 0 : i32
    %dma_start3A_20 = tpu.memref_slice %arg7[%dma_start3A_18, %dma_start3A_19] : memref<324x64xi32, #tpu.memory_space<vmem>> -> memref<1x64xi32, #tpu.memory_space<vmem>>
    %dma_start3A_21 = tpu.memref_squeeze %dma_start3A_20 : memref<1x64xi32, #tpu.memory_space<vmem>> -> memref<64xi32, #tpu.memory_space<vmem>>
    %dma_start3A_22 = arith.constant 0 : i32
    %dma_start3A_23 = arith.constant 0 : i32
    %dma_start3A_24 = tpu.memref_slice %arg2[%dma_start3A_22, %dma_start3A_23] : memref<20480x96xf32, #tpu.memory_space<hbm>> -> memref<20480x96xf32, #tpu.memory_space<hbm>>
    tpu.enqueue_indirect_dma source(%dma_start3A_24 : memref<20480x96xf32, #tpu.memory_space<hbm>>) target(%arg11 : memref<64x96xf32, #tpu.memory_space<vmem>>) offsets(%dma_start3A_21 : memref<64xi32, #tpu.memory_space<vmem>>) semaphore(%arg16 : memref<!tpu.dma_semaphore, #tpu.memory_space<semaphore_mem>>)
    %dma_start3A_25 = arith.constant 3 : i32
    %dma_start3A_26 = arith.constant 0 : i32
    %dma_start3A_27 = tpu.memref_slice %arg7[%dma_start3A_25, %dma_start3A_26] : memref<324x64xi32, #tpu.memory_space<vmem>> -> memref<1x64xi32, #tpu.memory_space<vmem>>
    %dma_start3A_28 = tpu.memref_squeeze %dma_start3A_27 : memref<1x64xi32, #tpu.memory_space<vmem>> -> memref<64xi32, #tpu.memory_space<vmem>>
    %dma_start3A_29 = arith.constant 0 : i32
    %dma_start3A_30 = arith.constant 0 : i32
    %dma_start3A_31 = tpu.memref_slice %arg2[%dma_start3A_29, %dma_start3A_30] : memref<20480x96xf32, #tpu.memory_space<hbm>> -> memref<20480x96xf32, #tpu.memory_space<hbm>>
    tpu.enqueue_indirect_dma source(%dma_start3A_31 : memref<20480x96xf32, #tpu.memory_space<hbm>>) target(%arg12 : memref<64x96xf32, #tpu.memory_space<vmem>>) offsets(%dma_start3A_28 : memref<64xi32, #tpu.memory_space<vmem>>) semaphore(%arg17 : memref<!tpu.dma_semaphore, #tpu.memory_space<semaphore_mem>>)
    %scan3A_32 = arith.constant 0 : i32
    %scan3A_33 = arith.constant 0 : i32
    %scan3A_34 = arith.constant 80 : i32
    %scan3A_35 = arith.addi %scan3A_33, %scan3A_34 : i32
    %scan3A_36 = arith.constant 1 : i32
    scf.for %scan3A_72 = %scan3A_33 to %scan3A_35 step %scan3A_36  : i32 {
      %mul3A = arith.constant 4 : i32
      %mul3A_73 = arith.muli %mul3A, %scan3A_72 : i32
      %add3A = arith.constant 0 : i32
      %add3A_74 = arith.addi %mul3A_73, %add3A : i32
      %dma_wait3A_75 = arith.constant 0 : i32
      %dma_wait3A_76 = tpu.memref_slice %arg7[%add3A_74, %dma_wait3A_75] : memref<324x64xi32, #tpu.memory_space<vmem>> -> memref<1x64xi32, #tpu.memory_space<vmem>>
      %dma_wait3A_77 = tpu.memref_squeeze %dma_wait3A_76 : memref<1x64xi32, #tpu.memory_space<vmem>> -> memref<64xi32, #tpu.memory_space<vmem>>
      %dma_wait3A_78 = arith.constant 0 : i32
      %dma_wait3A_79 = arith.constant 0 : i32
      %dma_wait3A_80 = tpu.memref_slice %arg2[%dma_wait3A_78, %dma_wait3A_79] : memref<20480x96xf32, #tpu.memory_space<hbm>> -> memref<20480x96xf32, #tpu.memory_space<hbm>>
      tpu.wait_indirect_dma semaphore(%arg14 : memref<!tpu.dma_semaphore, #tpu.memory_space<semaphore_mem>>) src(%dma_wait3A_80 : memref<20480x96xf32, #tpu.memory_space<hbm>>) dst(%arg9 : memref<64x96xf32, #tpu.memory_space<vmem>>)
      "tpu.region"() ({
        %run_scoped3A = tpu.sem_alloc : memref<!tpu.dma_semaphore, #tpu.memory_space<semaphore_mem>>
        %dma_start3A_143 = arith.constant 0 : i32
        %dma_start3A_144 = tpu.memref_slice %arg8[%add3A_74, %dma_start3A_143] : memref<320x64xi32, #tpu.memory_space<vmem>> -> memref<1x64xi32, #tpu.memory_space<vmem>>
        %dma_start3A_145 = tpu.memref_squeeze %dma_start3A_144 : memref<1x64xi32, #tpu.memory_space<vmem>> -> memref<64xi32, #tpu.memory_space<vmem>>
        %dma_start3A_146 = arith.constant 0 : i32
        %dma_start3A_147 = arith.constant 0 : i32
        %dma_start3A_148 = tpu.memref_slice %arg13[%dma_start3A_146, %dma_start3A_147] : memref<10240x96xf32, #tpu.memory_space<vmem_shared>> -> memref<10240x96xf32, #tpu.memory_space<vmem_shared>>
        tpu.enqueue_indirect_dma source(%arg9 : memref<64x96xf32, #tpu.memory_space<vmem>>) target(%dma_start3A_148 : memref<10240x96xf32, #tpu.memory_space<vmem_shared>>) offsets(%dma_start3A_145 : memref<64xi32, #tpu.memory_space<vmem>>) semaphore(%run_scoped3A : memref<!tpu.dma_semaphore, #tpu.memory_space<semaphore_mem>>) {add = true}
        %dma_wait3A_149 = arith.constant 0 : i32
        %dma_wait3A_150 = tpu.memref_slice %arg8[%add3A_74, %dma_wait3A_149] : memref<320x64xi32, #tpu.memory_space<vmem>> -> memref<1x64xi32, #tpu.memory_space<vmem>>
        %dma_wait3A_151 = tpu.memref_squeeze %dma_wait3A_150 : memref<1x64xi32, #tpu.memory_space<vmem>> -> memref<64xi32, #tpu.memory_space<vmem>>
        %dma_wait3A_152 = arith.constant 0 : i32
        %dma_wait3A_153 = arith.constant 0 : i32
        %dma_wait3A_154 = tpu.memref_slice %arg13[%dma_wait3A_152, %dma_wait3A_153] : memref<10240x96xf32, #tpu.memory_space<vmem_shared>> -> memref<10240x96xf32, #tpu.memory_space<vmem_shared>>
        tpu.wait_indirect_dma semaphore(%run_scoped3A : memref<!tpu.dma_semaphore, #tpu.memory_space<semaphore_mem>>) src(%arg9 : memref<64x96xf32, #tpu.memory_space<vmem>>) dst(%dma_wait3A_154 : memref<10240x96xf32, #tpu.memory_space<vmem_shared>>)
        tpu.yield
      }) : () -> ()
      %add3A_81 = arith.constant 4 : i32
      %add3A_82 = arith.addi %add3A_74, %add3A_81 : i32
      %dma_start3A_83 = arith.constant 0 : i32
      %dma_start3A_84 = tpu.memref_slice %arg7[%add3A_82, %dma_start3A_83] : memref<324x64xi32, #tpu.memory_space<vmem>> -> memref<1x64xi32, #tpu.memory_space<vmem>>
      %dma_start3A_85 = tpu.memref_squeeze %dma_start3A_84 : memref<1x64xi32, #tpu.memory_space<vmem>> -> memref<64xi32, #tpu.memory_space<vmem>>
      %dma_start3A_86 = arith.constant 0 : i32
      %dma_start3A_87 = arith.constant 0 : i32
      %dma_start3A_88 = tpu.memref_slice %arg2[%dma_start3A_86, %dma_start3A_87] : memref<20480x96xf32, #tpu.memory_space<hbm>> -> memref<20480x96xf32, #tpu.memory_space<hbm>>
      tpu.enqueue_indirect_dma source(%dma_start3A_88 : memref<20480x96xf32, #tpu.memory_space<hbm>>) target(%arg9 : memref<64x96xf32, #tpu.memory_space<vmem>>) offsets(%dma_start3A_85 : memref<64xi32, #tpu.memory_space<vmem>>) semaphore(%arg14 : memref<!tpu.dma_semaphore, #tpu.memory_space<semaphore_mem>>)
      %mul3A_89 = arith.constant 4 : i32
      %mul3A_90 = arith.muli %mul3A_89, %scan3A_72 : i32
      %add3A_91 = arith.constant 1 : i32
      %add3A_92 = arith.addi %mul3A_90, %add3A_91 : i32
      %dma_wait3A_93 = arith.constant 0 : i32
      %dma_wait3A_94 = tpu.memref_slice %arg7[%add3A_92, %dma_wait3A_93] : memref<324x64xi32, #tpu.memory_space<vmem>> -> memref<1x64xi32, #tpu.memory_space<vmem>>
      %dma_wait3A_95 = tpu.memref_squeeze %dma_wait3A_94 : memref<1x64xi32, #tpu.memory_space<vmem>> -> memref<64xi32, #tpu.memory_space<vmem>>
      %dma_wait3A_96 = arith.constant 0 : i32
      %dma_wait3A_97 = arith.constant 0 : i32
      %dma_wait3A_98 = tpu.memref_slice %arg2[%dma_wait3A_96, %dma_wait3A_97] : memref<20480x96xf32, #tpu.memory_space<hbm>> -> memref<20480x96xf32, #tpu.memory_space<hbm>>
      tpu.wait_indirect_dma semaphore(%arg15 : memref<!tpu.dma_semaphore, #tpu.memory_space<semaphore_mem>>) src(%dma_wait3A_98 : memref<20480x96xf32, #tpu.memory_space<hbm>>) dst(%arg10 : memref<64x96xf32, #tpu.memory_space<vmem>>)
      "tpu.region"() ({
        %run_scoped3A = tpu.sem_alloc : memref<!tpu.dma_semaphore, #tpu.memory_space<semaphore_mem>>
        %dma_start3A_143 = arith.constant 0 : i32
        %dma_start3A_144 = tpu.memref_slice %arg8[%add3A_92, %dma_start3A_143] : memref<320x64xi32, #tpu.memory_space<vmem>> -> memref<1x64xi32, #tpu.memory_space<vmem>>
        %dma_start3A_145 = tpu.memref_squeeze %dma_start3A_144 : memref<1x64xi32, #tpu.memory_space<vmem>> -> memref<64xi32, #tpu.memory_space<vmem>>
        %dma_start3A_146 = arith.constant 0 : i32
        %dma_start3A_147 = arith.constant 0 : i32
        %dma_start3A_148 = tpu.memref_slice %arg13[%dma_start3A_146, %dma_start3A_147] : memref<10240x96xf32, #tpu.memory_space<vmem_shared>> -> memref<10240x96xf32, #tpu.memory_space<vmem_shared>>
        tpu.enqueue_indirect_dma source(%arg10 : memref<64x96xf32, #tpu.memory_space<vmem>>) target(%dma_start3A_148 : memref<10240x96xf32, #tpu.memory_space<vmem_shared>>) offsets(%dma_start3A_145 : memref<64xi32, #tpu.memory_space<vmem>>) semaphore(%run_scoped3A : memref<!tpu.dma_semaphore, #tpu.memory_space<semaphore_mem>>) {add = true}
        %dma_wait3A_149 = arith.constant 0 : i32
        %dma_wait3A_150 = tpu.memref_slice %arg8[%add3A_92, %dma_wait3A_149] : memref<320x64xi32, #tpu.memory_space<vmem>> -> memref<1x64xi32, #tpu.memory_space<vmem>>
        %dma_wait3A_151 = tpu.memref_squeeze %dma_wait3A_150 : memref<1x64xi32, #tpu.memory_space<vmem>> -> memref<64xi32, #tpu.memory_space<vmem>>
        %dma_wait3A_152 = arith.constant 0 : i32
        %dma_wait3A_153 = arith.constant 0 : i32
        %dma_wait3A_154 = tpu.memref_slice %arg13[%dma_wait3A_152, %dma_wait3A_153] : memref<10240x96xf32, #tpu.memory_space<vmem_shared>> -> memref<10240x96xf32, #tpu.memory_space<vmem_shared>>
        tpu.wait_indirect_dma semaphore(%run_scoped3A : memref<!tpu.dma_semaphore, #tpu.memory_space<semaphore_mem>>) src(%arg10 : memref<64x96xf32, #tpu.memory_space<vmem>>) dst(%dma_wait3A_154 : memref<10240x96xf32, #tpu.memory_space<vmem_shared>>)
        tpu.yield
      }) : () -> ()
      %add3A_99 = arith.constant 4 : i32
      %add3A_100 = arith.addi %add3A_92, %add3A_99 : i32
      %dma_start3A_101 = arith.constant 0 : i32
      %dma_start3A_102 = tpu.memref_slice %arg7[%add3A_100, %dma_start3A_101] : memref<324x64xi32, #tpu.memory_space<vmem>> -> memref<1x64xi32, #tpu.memory_space<vmem>>
      %dma_start3A_103 = tpu.memref_squeeze %dma_start3A_102 : memref<1x64xi32, #tpu.memory_space<vmem>> -> memref<64xi32, #tpu.memory_space<vmem>>
      %dma_start3A_104 = arith.constant 0 : i32
      %dma_start3A_105 = arith.constant 0 : i32
      %dma_start3A_106 = tpu.memref_slice %arg2[%dma_start3A_104, %dma_start3A_105] : memref<20480x96xf32, #tpu.memory_space<hbm>> -> memref<20480x96xf32, #tpu.memory_space<hbm>>
      tpu.enqueue_indirect_dma source(%dma_start3A_106 : memref<20480x96xf32, #tpu.memory_space<hbm>>) target(%arg10 : memref<64x96xf32, #tpu.memory_space<vmem>>) offsets(%dma_start3A_103 : memref<64xi32, #tpu.memory_space<vmem>>) semaphore(%arg15 : memref<!tpu.dma_semaphore, #tpu.memory_space<semaphore_mem>>)
      %mul3A_107 = arith.constant 4 : i32
      %mul3A_108 = arith.muli %mul3A_107, %scan3A_72 : i32
      %add3A_109 = arith.constant 2 : i32
      %add3A_110 = arith.addi %mul3A_108, %add3A_109 : i32
      %dma_wait3A_111 = arith.constant 0 : i32
      %dma_wait3A_112 = tpu.memref_slice %arg7[%add3A_110, %dma_wait3A_111] : memref<324x64xi32, #tpu.memory_space<vmem>> -> memref<1x64xi32, #tpu.memory_space<vmem>>
      %dma_wait3A_113 = tpu.memref_squeeze %dma_wait3A_112 : memref<1x64xi32, #tpu.memory_space<vmem>> -> memref<64xi32, #tpu.memory_space<vmem>>
      %dma_wait3A_114 = arith.constant 0 : i32
      %dma_wait3A_115 = arith.constant 0 : i32
      %dma_wait3A_116 = tpu.memref_slice %arg2[%dma_wait3A_114, %dma_wait3A_115] : memref<20480x96xf32, #tpu.memory_space<hbm>> -> memref<20480x96xf32, #tpu.memory_space<hbm>>
      tpu.wait_indirect_dma semaphore(%arg16 : memref<!tpu.dma_semaphore, #tpu.memory_space<semaphore_mem>>) src(%dma_wait3A_116 : memref<20480x96xf32, #tpu.memory_space<hbm>>) dst(%arg11 : memref<64x96xf32, #tpu.memory_space<vmem>>)
      "tpu.region"() ({
        %run_scoped3A = tpu.sem_alloc : memref<!tpu.dma_semaphore, #tpu.memory_space<semaphore_mem>>
        %dma_start3A_143 = arith.constant 0 : i32
        %dma_start3A_144 = tpu.memref_slice %arg8[%add3A_110, %dma_start3A_143] : memref<320x64xi32, #tpu.memory_space<vmem>> -> memref<1x64xi32, #tpu.memory_space<vmem>>
        %dma_start3A_145 = tpu.memref_squeeze %dma_start3A_144 : memref<1x64xi32, #tpu.memory_space<vmem>> -> memref<64xi32, #tpu.memory_space<vmem>>
        %dma_start3A_146 = arith.constant 0 : i32
        %dma_start3A_147 = arith.constant 0 : i32
        %dma_start3A_148 = tpu.memref_slice %arg13[%dma_start3A_146, %dma_start3A_147] : memref<10240x96xf32, #tpu.memory_space<vmem_shared>> -> memref<10240x96xf32, #tpu.memory_space<vmem_shared>>
        tpu.enqueue_indirect_dma source(%arg11 : memref<64x96xf32, #tpu.memory_space<vmem>>) target(%dma_start3A_148 : memref<10240x96xf32, #tpu.memory_space<vmem_shared>>) offsets(%dma_start3A_145 : memref<64xi32, #tpu.memory_space<vmem>>) semaphore(%run_scoped3A : memref<!tpu.dma_semaphore, #tpu.memory_space<semaphore_mem>>) {add = true}
        %dma_wait3A_149 = arith.constant 0 : i32
        %dma_wait3A_150 = tpu.memref_slice %arg8[%add3A_110, %dma_wait3A_149] : memref<320x64xi32, #tpu.memory_space<vmem>> -> memref<1x64xi32, #tpu.memory_space<vmem>>
        %dma_wait3A_151 = tpu.memref_squeeze %dma_wait3A_150 : memref<1x64xi32, #tpu.memory_space<vmem>> -> memref<64xi32, #tpu.memory_space<vmem>>
        %dma_wait3A_152 = arith.constant 0 : i32
        %dma_wait3A_153 = arith.constant 0 : i32
        %dma_wait3A_154 = tpu.memref_slice %arg13[%dma_wait3A_152, %dma_wait3A_153] : memref<10240x96xf32, #tpu.memory_space<vmem_shared>> -> memref<10240x96xf32, #tpu.memory_space<vmem_shared>>
        tpu.wait_indirect_dma semaphore(%run_scoped3A : memref<!tpu.dma_semaphore, #tpu.memory_space<semaphore_mem>>) src(%arg11 : memref<64x96xf32, #tpu.memory_space<vmem>>) dst(%dma_wait3A_154 : memref<10240x96xf32, #tpu.memory_space<vmem_shared>>)
        tpu.yield
      }) : () -> ()
      %add3A_117 = arith.constant 4 : i32
      %add3A_118 = arith.addi %add3A_110, %add3A_117 : i32
      %dma_start3A_119 = arith.constant 0 : i32
      %dma_start3A_120 = tpu.memref_slice %arg7[%add3A_118, %dma_start3A_119] : memref<324x64xi32, #tpu.memory_space<vmem>> -> memref<1x64xi32, #tpu.memory_space<vmem>>
      %dma_start3A_121 = tpu.memref_squeeze %dma_start3A_120 : memref<1x64xi32, #tpu.memory_space<vmem>> -> memref<64xi32, #tpu.memory_space<vmem>>
      %dma_start3A_122 = arith.constant 0 : i32
      %dma_start3A_123 = arith.constant 0 : i32
      %dma_start3A_124 = tpu.memref_slice %arg2[%dma_start3A_122, %dma_start3A_123] : memref<20480x96xf32, #tpu.memory_space<hbm>> -> memref<20480x96xf32, #tpu.memory_space<hbm>>
      tpu.enqueue_indirect_dma source(%dma_start3A_124 : memref<20480x96xf32, #tpu.memory_space<hbm>>) target(%arg11 : memref<64x96xf32, #tpu.memory_space<vmem>>) offsets(%dma_start3A_121 : memref<64xi32, #tpu.memory_space<vmem>>) semaphore(%arg16 : memref<!tpu.dma_semaphore, #tpu.memory_space<semaphore_mem>>)
      %mul3A_125 = arith.constant 4 : i32
      %mul3A_126 = arith.muli %mul3A_125, %scan3A_72 : i32
      %add3A_127 = arith.constant 3 : i32
      %add3A_128 = arith.addi %mul3A_126, %add3A_127 : i32
      %dma_wait3A_129 = arith.constant 0 : i32
      %dma_wait3A_130 = tpu.memref_slice %arg7[%add3A_128, %dma_wait3A_129] : memref<324x64xi32, #tpu.memory_space<vmem>> -> memref<1x64xi32, #tpu.memory_space<vmem>>
      %dma_wait3A_131 = tpu.memref_squeeze %dma_wait3A_130 : memref<1x64xi32, #tpu.memory_space<vmem>> -> memref<64xi32, #tpu.memory_space<vmem>>
      %dma_wait3A_132 = arith.constant 0 : i32
      %dma_wait3A_133 = arith.constant 0 : i32
      %dma_wait3A_134 = tpu.memref_slice %arg2[%dma_wait3A_132, %dma_wait3A_133] : memref<20480x96xf32, #tpu.memory_space<hbm>> -> memref<20480x96xf32, #tpu.memory_space<hbm>>
      tpu.wait_indirect_dma semaphore(%arg17 : memref<!tpu.dma_semaphore, #tpu.memory_space<semaphore_mem>>) src(%dma_wait3A_134 : memref<20480x96xf32, #tpu.memory_space<hbm>>) dst(%arg12 : memref<64x96xf32, #tpu.memory_space<vmem>>)
      "tpu.region"() ({
        %run_scoped3A = tpu.sem_alloc : memref<!tpu.dma_semaphore, #tpu.memory_space<semaphore_mem>>
        %dma_start3A_143 = arith.constant 0 : i32
        %dma_start3A_144 = tpu.memref_slice %arg8[%add3A_128, %dma_start3A_143] : memref<320x64xi32, #tpu.memory_space<vmem>> -> memref<1x64xi32, #tpu.memory_space<vmem>>
        %dma_start3A_145 = tpu.memref_squeeze %dma_start3A_144 : memref<1x64xi32, #tpu.memory_space<vmem>> -> memref<64xi32, #tpu.memory_space<vmem>>
        %dma_start3A_146 = arith.constant 0 : i32
        %dma_start3A_147 = arith.constant 0 : i32
        %dma_start3A_148 = tpu.memref_slice %arg13[%dma_start3A_146, %dma_start3A_147] : memref<10240x96xf32, #tpu.memory_space<vmem_shared>> -> memref<10240x96xf32, #tpu.memory_space<vmem_shared>>
        tpu.enqueue_indirect_dma source(%arg12 : memref<64x96xf32, #tpu.memory_space<vmem>>) target(%dma_start3A_148 : memref<10240x96xf32, #tpu.memory_space<vmem_shared>>) offsets(%dma_start3A_145 : memref<64xi32, #tpu.memory_space<vmem>>) semaphore(%run_scoped3A : memref<!tpu.dma_semaphore, #tpu.memory_space<semaphore_mem>>) {add = true}
        %dma_wait3A_149 = arith.constant 0 : i32
        %dma_wait3A_150 = tpu.memref_slice %arg8[%add3A_128, %dma_wait3A_149] : memref<320x64xi32, #tpu.memory_space<vmem>> -> memref<1x64xi32, #tpu.memory_space<vmem>>
        %dma_wait3A_151 = tpu.memref_squeeze %dma_wait3A_150 : memref<1x64xi32, #tpu.memory_space<vmem>> -> memref<64xi32, #tpu.memory_space<vmem>>
        %dma_wait3A_152 = arith.constant 0 : i32
        %dma_wait3A_153 = arith.constant 0 : i32
        %dma_wait3A_154 = tpu.memref_slice %arg13[%dma_wait3A_152, %dma_wait3A_153] : memref<10240x96xf32, #tpu.memory_space<vmem_shared>> -> memref<10240x96xf32, #tpu.memory_space<vmem_shared>>
        tpu.wait_indirect_dma semaphore(%run_scoped3A : memref<!tpu.dma_semaphore, #tpu.memory_space<semaphore_mem>>) src(%arg12 : memref<64x96xf32, #tpu.memory_space<vmem>>) dst(%dma_wait3A_154 : memref<10240x96xf32, #tpu.memory_space<vmem_shared>>)
        tpu.yield
      }) : () -> ()
      %add3A_135 = arith.constant 4 : i32
      %add3A_136 = arith.addi %add3A_128, %add3A_135 : i32
      %dma_start3A_137 = arith.constant 0 : i32
      %dma_start3A_138 = tpu.memref_slice %arg7[%add3A_136, %dma_start3A_137] : memref<324x64xi32, #tpu.memory_space<vmem>> -> memref<1x64xi32, #tpu.memory_space<vmem>>
      %dma_start3A_139 = tpu.memref_squeeze %dma_start3A_138 : memref<1x64xi32, #tpu.memory_space<vmem>> -> memref<64xi32, #tpu.memory_space<vmem>>
      %dma_start3A_140 = arith.constant 0 : i32
      %dma_start3A_141 = arith.constant 0 : i32
      %dma_start3A_142 = tpu.memref_slice %arg2[%dma_start3A_140, %dma_start3A_141] : memref<20480x96xf32, #tpu.memory_space<hbm>> -> memref<20480x96xf32, #tpu.memory_space<hbm>>
      tpu.enqueue_indirect_dma source(%dma_start3A_142 : memref<20480x96xf32, #tpu.memory_space<hbm>>) target(%arg12 : memref<64x96xf32, #tpu.memory_space<vmem>>) offsets(%dma_start3A_139 : memref<64xi32, #tpu.memory_space<vmem>>) semaphore(%arg17 : memref<!tpu.dma_semaphore, #tpu.memory_space<semaphore_mem>>)
    }
    %scan3A_37 = arith.constant 80 : i32
    %dma_wait3A = arith.constant 320 : i32
    %dma_wait3A_38 = arith.constant 0 : i32
    %dma_wait3A_39 = tpu.memref_slice %arg7[%dma_wait3A, %dma_wait3A_38] : memref<324x64xi32, #tpu.memory_space<vmem>> -> memref<1x64xi32, #tpu.memory_space<vmem>>
    %dma_wait3A_40 = tpu.memref_squeeze %dma_wait3A_39 : memref<1x64xi32, #tpu.memory_space<vmem>> -> memref<64xi32, #tpu.memory_space<vmem>>
    %dma_wait3A_41 = arith.constant 0 : i32
    %dma_wait3A_42 = arith.constant 0 : i32
    %dma_wait3A_43 = tpu.memref_slice %arg2[%dma_wait3A_41, %dma_wait3A_42] : memref<20480x96xf32, #tpu.memory_space<hbm>> -> memref<20480x96xf32, #tpu.memory_space<hbm>>
    tpu.wait_indirect_dma semaphore(%arg14 : memref<!tpu.dma_semaphore, #tpu.memory_space<semaphore_mem>>) src(%dma_wait3A_43 : memref<20480x96xf32, #tpu.memory_space<hbm>>) dst(%arg9 : memref<64x96xf32, #tpu.memory_space<vmem>>)
    %dma_wait3A_44 = arith.constant 321 : i32
    %dma_wait3A_45 = arith.constant 0 : i32
    %dma_wait3A_46 = tpu.memref_slice %arg7[%dma_wait3A_44, %dma_wait3A_45] : memref<324x64xi32, #tpu.memory_space<vmem>> -> memref<1x64xi32, #tpu.memory_space<vmem>>
    %dma_wait3A_47 = tpu.memref_squeeze %dma_wait3A_46 : memref<1x64xi32, #tpu.memory_space<vmem>> -> memref<64xi32, #tpu.memory_space<vmem>>
    %dma_wait3A_48 = arith.constant 0 : i32
    %dma_wait3A_49 = arith.constant 0 : i32
    %dma_wait3A_50 = tpu.memref_slice %arg2[%dma_wait3A_48, %dma_wait3A_49] : memref<20480x96xf32, #tpu.memory_space<hbm>> -> memref<20480x96xf32, #tpu.memory_space<hbm>>
    tpu.wait_indirect_dma semaphore(%arg15 : memref<!tpu.dma_semaphore, #tpu.memory_space<semaphore_mem>>) src(%dma_wait3A_50 : memref<20480x96xf32, #tpu.memory_space<hbm>>) dst(%arg10 : memref<64x96xf32, #tpu.memory_space<vmem>>)
    %dma_wait3A_51 = arith.constant 322 : i32
    %dma_wait3A_52 = arith.constant 0 : i32
    %dma_wait3A_53 = tpu.memref_slice %arg7[%dma_wait3A_51, %dma_wait3A_52] : memref<324x64xi32, #tpu.memory_space<vmem>> -> memref<1x64xi32, #tpu.memory_space<vmem>>
    %dma_wait3A_54 = tpu.memref_squeeze %dma_wait3A_53 : memref<1x64xi32, #tpu.memory_space<vmem>> -> memref<64xi32, #tpu.memory_space<vmem>>
    %dma_wait3A_55 = arith.constant 0 : i32
    %dma_wait3A_56 = arith.constant 0 : i32
    %dma_wait3A_57 = tpu.memref_slice %arg2[%dma_wait3A_55, %dma_wait3A_56] : memref<20480x96xf32, #tpu.memory_space<hbm>> -> memref<20480x96xf32, #tpu.memory_space<hbm>>
    tpu.wait_indirect_dma semaphore(%arg16 : memref<!tpu.dma_semaphore, #tpu.memory_space<semaphore_mem>>) src(%dma_wait3A_57 : memref<20480x96xf32, #tpu.memory_space<hbm>>) dst(%arg11 : memref<64x96xf32, #tpu.memory_space<vmem>>)
    %dma_wait3A_58 = arith.constant 323 : i32
    %dma_wait3A_59 = arith.constant 0 : i32
    %dma_wait3A_60 = tpu.memref_slice %arg7[%dma_wait3A_58, %dma_wait3A_59] : memref<324x64xi32, #tpu.memory_space<vmem>> -> memref<1x64xi32, #tpu.memory_space<vmem>>
    %dma_wait3A_61 = tpu.memref_squeeze %dma_wait3A_60 : memref<1x64xi32, #tpu.memory_space<vmem>> -> memref<64xi32, #tpu.memory_space<vmem>>
    %dma_wait3A_62 = arith.constant 0 : i32
    %dma_wait3A_63 = arith.constant 0 : i32
    %dma_wait3A_64 = tpu.memref_slice %arg2[%dma_wait3A_62, %dma_wait3A_63] : memref<20480x96xf32, #tpu.memory_space<hbm>> -> memref<20480x96xf32, #tpu.memory_space<hbm>>
    tpu.wait_indirect_dma semaphore(%arg17 : memref<!tpu.dma_semaphore, #tpu.memory_space<semaphore_mem>>) src(%dma_wait3A_64 : memref<20480x96xf32, #tpu.memory_space<hbm>>) dst(%arg12 : memref<64x96xf32, #tpu.memory_space<vmem>>)
    %barrier3A_65 = arith.constant 0 : index
    tpu.barrier barrier_id(%barrier3A_65)
    %scan3A_66 = arith.constant 0 : i32
    %scan3A_67 = arith.constant 0 : i32
    %scan3A_68 = arith.constant 10 : i32
    %scan3A_69 = arith.addi %scan3A_67, %scan3A_68 : i32
    %scan3A_70 = arith.constant 1 : i32
    scf.for %scan3A_72 = %scan3A_67 to %scan3A_69 step %scan3A_70  : i32 {
      %mul3A = arith.constant 640 : i32
      %mul3A_73 = arith.muli %arg1, %mul3A : i32
      %mul3A_74 = arith.constant 64 : i32
      %mul3A_75 = arith.muli %scan3A_72, %mul3A_74 : i32
      %add3A = arith.addi %mul3A_73, %mul3A_75 : i32
      "tpu.region"() ({
        %run_scoped3A = tpu.sem_alloc : memref<!tpu.dma_semaphore, #tpu.memory_space<semaphore_mem>>
        %dma_start3A_76 = arith.constant 0 : i32
        %dma_start3A_77 = tpu.memref_slice %arg13[%add3A, %dma_start3A_76] : memref<10240x96xf32, #tpu.memory_space<vmem_shared>> -> memref<64x96xf32, #tpu.memory_space<vmem_shared>>
        %dma_start3A_78 = arith.constant 0 : i32
        %dma_start3A_79 = tpu.memref_slice %arg13[%add3A, %dma_start3A_78] : memref<10240x96xf32, #tpu.memory_space<vmem_shared>> -> memref<64x96xf32, #tpu.memory_space<vmem_shared>>
        tpu.enqueue_dma source(%dma_start3A_79 : memref<64x96xf32, #tpu.memory_space<vmem_shared>>) target(%arg9 : memref<64x96xf32, #tpu.memory_space<vmem>>) target_semaphore(%run_scoped3A : memref<!tpu.dma_semaphore, #tpu.memory_space<semaphore_mem>>)
        %dma_wait3A_80 = arith.constant 0 : i32
        %dma_wait3A_81 = tpu.memref_slice %arg13[%add3A, %dma_wait3A_80] : memref<10240x96xf32, #tpu.memory_space<vmem_shared>> -> memref<64x96xf32, #tpu.memory_space<vmem_shared>>
        %dma_wait3A_82 = arith.constant 0 : i32
        %dma_wait3A_83 = tpu.memref_slice %arg13[%add3A, %dma_wait3A_82] : memref<10240x96xf32, #tpu.memory_space<vmem_shared>> -> memref<64x96xf32, #tpu.memory_space<vmem_shared>>
        tpu.wait_dma2 semaphore(%run_scoped3A : memref<!tpu.dma_semaphore, #tpu.memory_space<semaphore_mem>>) src(%dma_wait3A_83 : memref<64x96xf32, #tpu.memory_space<vmem_shared>>) dst(%arg9 : memref<64x96xf32, #tpu.memory_space<vmem>>)
        tpu.yield
      }) : () -> ()
      "tpu.region"() ({
        %run_scoped3A = tpu.sem_alloc : memref<!tpu.dma_semaphore, #tpu.memory_space<semaphore_mem>>
        %dma_start3A_76 = arith.constant 0 : i32
        %dma_start3A_77 = tpu.memref_slice %arg6[%arg0, %add3A, %dma_start3A_76] : memref<2x10240x96xf32, #tpu.memory_space<hbm>> -> memref<1x64x96xf32, #tpu.memory_space<hbm>>
        %dma_start3A_78 = tpu.memref_squeeze %dma_start3A_77 : memref<1x64x96xf32, #tpu.memory_space<hbm>> -> memref<64x96xf32, #tpu.memory_space<hbm>>
        %dma_start3A_79 = arith.constant 0 : i32
        %dma_start3A_80 = tpu.memref_slice %arg6[%arg0, %add3A, %dma_start3A_79] : memref<2x10240x96xf32, #tpu.memory_space<hbm>> -> memref<1x64x96xf32, #tpu.memory_space<hbm>>
        %dma_start3A_81 = tpu.memref_squeeze %dma_start3A_80 : memref<1x64x96xf32, #tpu.memory_space<hbm>> -> memref<64x96xf32, #tpu.memory_space<hbm>>
        tpu.enqueue_dma source(%arg9 : memref<64x96xf32, #tpu.memory_space<vmem>>) target(%dma_start3A_81 : memref<64x96xf32, #tpu.memory_space<hbm>>) target_semaphore(%run_scoped3A : memref<!tpu.dma_semaphore, #tpu.memory_space<semaphore_mem>>)
        %dma_wait3A_82 = arith.constant 0 : i32
        %dma_wait3A_83 = tpu.memref_slice %arg6[%arg0, %add3A, %dma_wait3A_82] : memref<2x10240x96xf32, #tpu.memory_space<hbm>> -> memref<1x64x96xf32, #tpu.memory_space<hbm>>
        %dma_wait3A_84 = tpu.memref_squeeze %dma_wait3A_83 : memref<1x64x96xf32, #tpu.memory_space<hbm>> -> memref<64x96xf32, #tpu.memory_space<hbm>>
        %dma_wait3A_85 = arith.constant 0 : i32
        %dma_wait3A_86 = tpu.memref_slice %arg6[%arg0, %add3A, %dma_wait3A_85] : memref<2x10240x96xf32, #tpu.memory_space<hbm>> -> memref<1x64x96xf32, #tpu.memory_space<hbm>>
        %dma_wait3A_87 = tpu.memref_squeeze %dma_wait3A_86 : memref<1x64x96xf32, #tpu.memory_space<hbm>> -> memref<64x96xf32, #tpu.memory_space<hbm>>
        tpu.wait_dma2 semaphore(%run_scoped3A : memref<!tpu.dma_semaphore, #tpu.memory_space<semaphore_mem>>) src(%arg9 : memref<64x96xf32, #tpu.memory_space<vmem>>) dst(%dma_wait3A_87 : memref<64x96xf32, #tpu.memory_space<hbm>>)
        tpu.yield
      }) : () -> ()
    }
    %scan3A_71 = arith.constant 10 : i32
    return
  }
}

#map = affine_map<(d0, d1) -> (0, 0)>
#map1 = affine_map<(d0, d1) -> (0, 0, 0, 0)>
#map2 = affine_map<(d0, d1) -> (0, 0, 0)>
module attributes {stable_mosaic.version = 14 : i64} {
  func.func @_sc_agg_body(%arg0: i32, %arg1: i32, %arg2: memref<20480x96xf32, #tpu.memory_space<hbm>>, %arg3: memref<2x16x324x64xi32, #tpu.memory_space<hbm>>, %arg4: memref<16x320x64xi32, #tpu.memory_space<hbm>>, %arg5: memref<64x96xf32, #tpu.memory_space<hbm>>, %arg6: memref<2x10240x96xf32, #tpu.memory_space<hbm>>, %arg7: memref<324x64xi32, #tpu.memory_space<vmem>>, %arg8: memref<320x64xi32, #tpu.memory_space<vmem>>, %arg9: memref<64x96xf32, #tpu.memory_space<vmem>>, %arg10: memref<64x96xf32, #tpu.memory_space<vmem>>, %arg11: memref<64x96xf32, #tpu.memory_space<vmem>>, %arg12: memref<64x96xf32, #tpu.memory_space<vmem>>, %arg13: memref<10240x96xf32, #tpu.memory_space<vmem_shared>>, %arg14: memref<!tpu.dma_semaphore, #tpu.memory_space<semaphore_mem>>, %arg15: memref<!tpu.dma_semaphore, #tpu.memory_space<semaphore_mem>>, %arg16: memref<!tpu.dma_semaphore, #tpu.memory_space<semaphore_mem>>, %arg17: memref<!tpu.dma_semaphore, #tpu.memory_space<semaphore_mem>>) attributes {dimension_semantics = [#tpu.dimension_semantics<core_parallel>, #tpu.dimension_semantics<subcore_parallel>], iteration_bounds = array<i64: 2, 16>, scalar_prefetch = 0 : i64, scratch_operands = 11 : i64, tpu.core_type = #tpu.core_type<sc_vector_subcore>, window_params = [{transform_indices = #map}, {transform_indices = #map1}, {transform_indices = #map2}, {transform_indices = #map}, {transform_indices = #map2}]} {
    "tpu.region"() ({
      %run_scoped3A = tpu.sem_alloc : memref<!tpu.dma_semaphore, #tpu.memory_space<semaphore_mem>>
      tpu.enqueue_dma source(%arg5 : memref<64x96xf32, #tpu.memory_space<hbm>>) target(%arg9 : memref<64x96xf32, #tpu.memory_space<vmem>>) target_semaphore(%run_scoped3A : memref<!tpu.dma_semaphore, #tpu.memory_space<semaphore_mem>>)
      tpu.wait_dma2 semaphore(%run_scoped3A : memref<!tpu.dma_semaphore, #tpu.memory_space<semaphore_mem>>) src(%arg5 : memref<64x96xf32, #tpu.memory_space<hbm>>) dst(%arg9 : memref<64x96xf32, #tpu.memory_space<vmem>>)
      tpu.yield
    }) : () -> ()
    %scan3A = arith.constant 0 : i32
    %scan3A_0 = arith.constant 0 : i32
    %scan3A_1 = arith.constant 10 : i32
    %scan3A_2 = arith.addi %scan3A_0, %scan3A_1 : i32
    %scan3A_3 = arith.constant 1 : i32
    scf.for %scan3A_72 = %scan3A_0 to %scan3A_2 step %scan3A_3  : i32 {
      %mul3A = arith.constant 640 : i32
      %mul3A_73 = arith.muli %arg1, %mul3A : i32
      %mul3A_74 = arith.constant 64 : i32
      %mul3A_75 = arith.muli %scan3A_72, %mul3A_74 : i32
      %add3A = arith.addi %mul3A_73, %mul3A_75 : i32
      "tpu.region"() ({
        %run_scoped3A = tpu.sem_alloc : memref<!tpu.dma_semaphore, #tpu.memory_space<semaphore_mem>>
        %dma_start3A_76 = arith.constant 0 : i32
        %dma_start3A_77 = tpu.memref_slice %arg13[%add3A, %dma_start3A_76] : memref<10240x96xf32, #tpu.memory_space<vmem_shared>> -> memref<64x96xf32, #tpu.memory_space<vmem_shared>>
        %dma_start3A_78 = arith.constant 0 : i32
        %dma_start3A_79 = tpu.memref_slice %arg13[%add3A, %dma_start3A_78] : memref<10240x96xf32, #tpu.memory_space<vmem_shared>> -> memref<64x96xf32, #tpu.memory_space<vmem_shared>>
        tpu.enqueue_dma source(%arg9 : memref<64x96xf32, #tpu.memory_space<vmem>>) target(%dma_start3A_79 : memref<64x96xf32, #tpu.memory_space<vmem_shared>>) target_semaphore(%run_scoped3A : memref<!tpu.dma_semaphore, #tpu.memory_space<semaphore_mem>>)
        %dma_wait3A_80 = arith.constant 0 : i32
        %dma_wait3A_81 = tpu.memref_slice %arg13[%add3A, %dma_wait3A_80] : memref<10240x96xf32, #tpu.memory_space<vmem_shared>> -> memref<64x96xf32, #tpu.memory_space<vmem_shared>>
        %dma_wait3A_82 = arith.constant 0 : i32
        %dma_wait3A_83 = tpu.memref_slice %arg13[%add3A, %dma_wait3A_82] : memref<10240x96xf32, #tpu.memory_space<vmem_shared>> -> memref<64x96xf32, #tpu.memory_space<vmem_shared>>
        tpu.wait_dma2 semaphore(%run_scoped3A : memref<!tpu.dma_semaphore, #tpu.memory_space<semaphore_mem>>) src(%arg9 : memref<64x96xf32, #tpu.memory_space<vmem>>) dst(%dma_wait3A_83 : memref<64x96xf32, #tpu.memory_space<vmem_shared>>)
        tpu.yield
      }) : () -> ()
    }
    %scan3A_4 = arith.constant 10 : i32
    "tpu.region"() ({
      %run_scoped3A = tpu.sem_alloc : memref<!tpu.dma_semaphore, #tpu.memory_space<semaphore_mem>>
      %dma_start3A_72 = arith.constant 0 : i32
      %dma_start3A_73 = arith.constant 0 : i32
      %dma_start3A_74 = tpu.memref_slice %arg3[%arg0, %arg1, %dma_start3A_72, %dma_start3A_73] : memref<2x16x324x64xi32, #tpu.memory_space<hbm>> -> memref<1x1x324x64xi32, #tpu.memory_space<hbm>>
      %dma_start3A_75 = tpu.memref_squeeze %dma_start3A_74 : memref<1x1x324x64xi32, #tpu.memory_space<hbm>> -> memref<324x64xi32, #tpu.memory_space<hbm>>
      %dma_start3A_76 = arith.constant 0 : i32
      %dma_start3A_77 = arith.constant 0 : i32
      %dma_start3A_78 = tpu.memref_slice %arg3[%arg0, %arg1, %dma_start3A_76, %dma_start3A_77] : memref<2x16x324x64xi32, #tpu.memory_space<hbm>> -> memref<1x1x324x64xi32, #tpu.memory_space<hbm>>
      %dma_start3A_79 = tpu.memref_squeeze %dma_start3A_78 : memref<1x1x324x64xi32, #tpu.memory_space<hbm>> -> memref<324x64xi32, #tpu.memory_space<hbm>>
      tpu.enqueue_dma source(%dma_start3A_79 : memref<324x64xi32, #tpu.memory_space<hbm>>) target(%arg7 : memref<324x64xi32, #tpu.memory_space<vmem>>) target_semaphore(%run_scoped3A : memref<!tpu.dma_semaphore, #tpu.memory_space<semaphore_mem>>)
      %dma_wait3A_80 = arith.constant 0 : i32
      %dma_wait3A_81 = arith.constant 0 : i32
      %dma_wait3A_82 = tpu.memref_slice %arg3[%arg0, %arg1, %dma_wait3A_80, %dma_wait3A_81] : memref<2x16x324x64xi32, #tpu.memory_space<hbm>> -> memref<1x1x324x64xi32, #tpu.memory_space<hbm>>
      %dma_wait3A_83 = tpu.memref_squeeze %dma_wait3A_82 : memref<1x1x324x64xi32, #tpu.memory_space<hbm>> -> memref<324x64xi32, #tpu.memory_space<hbm>>
      %dma_wait3A_84 = arith.constant 0 : i32
      %dma_wait3A_85 = arith.constant 0 : i32
      %dma_wait3A_86 = tpu.memref_slice %arg3[%arg0, %arg1, %dma_wait3A_84, %dma_wait3A_85] : memref<2x16x324x64xi32, #tpu.memory_space<hbm>> -> memref<1x1x324x64xi32, #tpu.memory_space<hbm>>
      %dma_wait3A_87 = tpu.memref_squeeze %dma_wait3A_86 : memref<1x1x324x64xi32, #tpu.memory_space<hbm>> -> memref<324x64xi32, #tpu.memory_space<hbm>>
      tpu.wait_dma2 semaphore(%run_scoped3A : memref<!tpu.dma_semaphore, #tpu.memory_space<semaphore_mem>>) src(%dma_wait3A_87 : memref<324x64xi32, #tpu.memory_space<hbm>>) dst(%arg7 : memref<324x64xi32, #tpu.memory_space<vmem>>)
      tpu.yield
    }) : () -> ()
    "tpu.region"() ({
      %run_scoped3A = tpu.sem_alloc : memref<!tpu.dma_semaphore, #tpu.memory_space<semaphore_mem>>
      %dma_start3A_72 = arith.constant 0 : i32
      %dma_start3A_73 = arith.constant 0 : i32
      %dma_start3A_74 = tpu.memref_slice %arg4[%arg1, %dma_start3A_72, %dma_start3A_73] : memref<16x320x64xi32, #tpu.memory_space<hbm>> -> memref<1x320x64xi32, #tpu.memory_space<hbm>>
      %dma_start3A_75 = tpu.memref_squeeze %dma_start3A_74 : memref<1x320x64xi32, #tpu.memory_space<hbm>> -> memref<320x64xi32, #tpu.memory_space<hbm>>
      %dma_start3A_76 = arith.constant 0 : i32
      %dma_start3A_77 = arith.constant 0 : i32
      %dma_start3A_78 = tpu.memref_slice %arg4[%arg1, %dma_start3A_76, %dma_start3A_77] : memref<16x320x64xi32, #tpu.memory_space<hbm>> -> memref<1x320x64xi32, #tpu.memory_space<hbm>>
      %dma_start3A_79 = tpu.memref_squeeze %dma_start3A_78 : memref<1x320x64xi32, #tpu.memory_space<hbm>> -> memref<320x64xi32, #tpu.memory_space<hbm>>
      tpu.enqueue_dma source(%dma_start3A_79 : memref<320x64xi32, #tpu.memory_space<hbm>>) target(%arg8 : memref<320x64xi32, #tpu.memory_space<vmem>>) target_semaphore(%run_scoped3A : memref<!tpu.dma_semaphore, #tpu.memory_space<semaphore_mem>>)
      %dma_wait3A_80 = arith.constant 0 : i32
      %dma_wait3A_81 = arith.constant 0 : i32
      %dma_wait3A_82 = tpu.memref_slice %arg4[%arg1, %dma_wait3A_80, %dma_wait3A_81] : memref<16x320x64xi32, #tpu.memory_space<hbm>> -> memref<1x320x64xi32, #tpu.memory_space<hbm>>
      %dma_wait3A_83 = tpu.memref_squeeze %dma_wait3A_82 : memref<1x320x64xi32, #tpu.memory_space<hbm>> -> memref<320x64xi32, #tpu.memory_space<hbm>>
      %dma_wait3A_84 = arith.constant 0 : i32
      %dma_wait3A_85 = arith.constant 0 : i32
      %dma_wait3A_86 = tpu.memref_slice %arg4[%arg1, %dma_wait3A_84, %dma_wait3A_85] : memref<16x320x64xi32, #tpu.memory_space<hbm>> -> memref<1x320x64xi32, #tpu.memory_space<hbm>>
      %dma_wait3A_87 = tpu.memref_squeeze %dma_wait3A_86 : memref<1x320x64xi32, #tpu.memory_space<hbm>> -> memref<320x64xi32, #tpu.memory_space<hbm>>
      tpu.wait_dma2 semaphore(%run_scoped3A : memref<!tpu.dma_semaphore, #tpu.memory_space<semaphore_mem>>) src(%dma_wait3A_87 : memref<320x64xi32, #tpu.memory_space<hbm>>) dst(%arg8 : memref<320x64xi32, #tpu.memory_space<vmem>>)
      tpu.yield
    }) : () -> ()
    %barrier3A = arith.constant 0 : index
    tpu.barrier barrier_id(%barrier3A)
    %dma_start3A = arith.constant 0 : i32
    %dma_start3A_5 = arith.constant 0 : i32
    %dma_start3A_6 = tpu.memref_slice %arg7[%dma_start3A, %dma_start3A_5] : memref<324x64xi32, #tpu.memory_space<vmem>> -> memref<1x64xi32, #tpu.memory_space<vmem>>
    %dma_start3A_7 = tpu.memref_squeeze %dma_start3A_6 : memref<1x64xi32, #tpu.memory_space<vmem>> -> memref<64xi32, #tpu.memory_space<vmem>>
    %dma_start3A_8 = arith.constant 0 : i32
    %dma_start3A_9 = arith.constant 0 : i32
    %dma_start3A_10 = tpu.memref_slice %arg2[%dma_start3A_8, %dma_start3A_9] : memref<20480x96xf32, #tpu.memory_space<hbm>> -> memref<20480x96xf32, #tpu.memory_space<hbm>>
    tpu.enqueue_indirect_dma source(%dma_start3A_10 : memref<20480x96xf32, #tpu.memory_space<hbm>>) target(%arg9 : memref<64x96xf32, #tpu.memory_space<vmem>>) offsets(%dma_start3A_7 : memref<64xi32, #tpu.memory_space<vmem>>) semaphore(%arg14 : memref<!tpu.dma_semaphore, #tpu.memory_space<semaphore_mem>>)
    %dma_start3A_11 = arith.constant 1 : i32
    %dma_start3A_12 = arith.constant 0 : i32
    %dma_start3A_13 = tpu.memref_slice %arg7[%dma_start3A_11, %dma_start3A_12] : memref<324x64xi32, #tpu.memory_space<vmem>> -> memref<1x64xi32, #tpu.memory_space<vmem>>
    %dma_start3A_14 = tpu.memref_squeeze %dma_start3A_13 : memref<1x64xi32, #tpu.memory_space<vmem>> -> memref<64xi32, #tpu.memory_space<vmem>>
    %dma_start3A_15 = arith.constant 0 : i32
    %dma_start3A_16 = arith.constant 0 : i32
    %dma_start3A_17 = tpu.memref_slice %arg2[%dma_start3A_15, %dma_start3A_16] : memref<20480x96xf32, #tpu.memory_space<hbm>> -> memref<20480x96xf32, #tpu.memory_space<hbm>>
    tpu.enqueue_indirect_dma source(%dma_start3A_17 : memref<20480x96xf32, #tpu.memory_space<hbm>>) target(%arg10 : memref<64x96xf32, #tpu.memory_space<vmem>>) offsets(%dma_start3A_14 : memref<64xi32, #tpu.memory_space<vmem>>) semaphore(%arg15 : memref<!tpu.dma_semaphore, #tpu.memory_space<semaphore_mem>>)
    %dma_start3A_18 = arith.constant 2 : i32
    %dma_start3A_19 = arith.constant 0 : i32
    %dma_start3A_20 = tpu.memref_slice %arg7[%dma_start3A_18, %dma_start3A_19] : memref<324x64xi32, #tpu.memory_space<vmem>> -> memref<1x64xi32, #tpu.memory_space<vmem>>
    %dma_start3A_21 = tpu.memref_squeeze %dma_start3A_20 : memref<1x64xi32, #tpu.memory_space<vmem>> -> memref<64xi32, #tpu.memory_space<vmem>>
    %dma_start3A_22 = arith.constant 0 : i32
    %dma_start3A_23 = arith.constant 0 : i32
    %dma_start3A_24 = tpu.memref_slice %arg2[%dma_start3A_22, %dma_start3A_23] : memref<20480x96xf32, #tpu.memory_space<hbm>> -> memref<20480x96xf32, #tpu.memory_space<hbm>>
    tpu.enqueue_indirect_dma source(%dma_start3A_24 : memref<20480x96xf32, #tpu.memory_space<hbm>>) target(%arg11 : memref<64x96xf32, #tpu.memory_space<vmem>>) offsets(%dma_start3A_21 : memref<64xi32, #tpu.memory_space<vmem>>) semaphore(%arg16 : memref<!tpu.dma_semaphore, #tpu.memory_space<semaphore_mem>>)
    %dma_start3A_25 = arith.constant 3 : i32
    %dma_start3A_26 = arith.constant 0 : i32
    %dma_start3A_27 = tpu.memref_slice %arg7[%dma_start3A_25, %dma_start3A_26] : memref<324x64xi32, #tpu.memory_space<vmem>> -> memref<1x64xi32, #tpu.memory_space<vmem>>
    %dma_start3A_28 = tpu.memref_squeeze %dma_start3A_27 : memref<1x64xi32, #tpu.memory_space<vmem>> -> memref<64xi32, #tpu.memory_space<vmem>>
    %dma_start3A_29 = arith.constant 0 : i32
    %dma_start3A_30 = arith.constant 0 : i32
    %dma_start3A_31 = tpu.memref_slice %arg2[%dma_start3A_29, %dma_start3A_30] : memref<20480x96xf32, #tpu.memory_space<hbm>> -> memref<20480x96xf32, #tpu.memory_space<hbm>>
    tpu.enqueue_indirect_dma source(%dma_start3A_31 : memref<20480x96xf32, #tpu.memory_space<hbm>>) target(%arg12 : memref<64x96xf32, #tpu.memory_space<vmem>>) offsets(%dma_start3A_28 : memref<64xi32, #tpu.memory_space<vmem>>) semaphore(%arg17 : memref<!tpu.dma_semaphore, #tpu.memory_space<semaphore_mem>>)
    %scan3A_32 = arith.constant 0 : i32
    %scan3A_33 = arith.constant 0 : i32
    %scan3A_34 = arith.constant 80 : i32
    %scan3A_35 = arith.addi %scan3A_33, %scan3A_34 : i32
    %scan3A_36 = arith.constant 1 : i32
    scf.for %scan3A_72 = %scan3A_33 to %scan3A_35 step %scan3A_36  : i32 {
      %mul3A = arith.constant 4 : i32
      %mul3A_73 = arith.muli %mul3A, %scan3A_72 : i32
      %add3A = arith.constant 0 : i32
      %add3A_74 = arith.addi %mul3A_73, %add3A : i32
      %dma_wait3A_75 = arith.constant 0 : i32
      %dma_wait3A_76 = tpu.memref_slice %arg7[%add3A_74, %dma_wait3A_75] : memref<324x64xi32, #tpu.memory_space<vmem>> -> memref<1x64xi32, #tpu.memory_space<vmem>>
      %dma_wait3A_77 = tpu.memref_squeeze %dma_wait3A_76 : memref<1x64xi32, #tpu.memory_space<vmem>> -> memref<64xi32, #tpu.memory_space<vmem>>
      %dma_wait3A_78 = arith.constant 0 : i32
      %dma_wait3A_79 = arith.constant 0 : i32
      %dma_wait3A_80 = tpu.memref_slice %arg2[%dma_wait3A_78, %dma_wait3A_79] : memref<20480x96xf32, #tpu.memory_space<hbm>> -> memref<20480x96xf32, #tpu.memory_space<hbm>>
      tpu.wait_indirect_dma semaphore(%arg14 : memref<!tpu.dma_semaphore, #tpu.memory_space<semaphore_mem>>) src(%dma_wait3A_80 : memref<20480x96xf32, #tpu.memory_space<hbm>>) dst(%arg9 : memref<64x96xf32, #tpu.memory_space<vmem>>)
      "tpu.region"() ({
        %run_scoped3A = tpu.sem_alloc : memref<!tpu.dma_semaphore, #tpu.memory_space<semaphore_mem>>
        %dma_start3A_143 = arith.constant 0 : i32
        %dma_start3A_144 = tpu.memref_slice %arg8[%add3A_74, %dma_start3A_143] : memref<320x64xi32, #tpu.memory_space<vmem>> -> memref<1x64xi32, #tpu.memory_space<vmem>>
        %dma_start3A_145 = tpu.memref_squeeze %dma_start3A_144 : memref<1x64xi32, #tpu.memory_space<vmem>> -> memref<64xi32, #tpu.memory_space<vmem>>
        %dma_start3A_146 = arith.constant 0 : i32
        %dma_start3A_147 = arith.constant 0 : i32
        %dma_start3A_148 = tpu.memref_slice %arg13[%dma_start3A_146, %dma_start3A_147] : memref<10240x96xf32, #tpu.memory_space<vmem_shared>> -> memref<10240x96xf32, #tpu.memory_space<vmem_shared>>
        tpu.enqueue_indirect_dma source(%arg9 : memref<64x96xf32, #tpu.memory_space<vmem>>) target(%dma_start3A_148 : memref<10240x96xf32, #tpu.memory_space<vmem_shared>>) offsets(%dma_start3A_145 : memref<64xi32, #tpu.memory_space<vmem>>) semaphore(%run_scoped3A : memref<!tpu.dma_semaphore, #tpu.memory_space<semaphore_mem>>) {add = true}
        %dma_wait3A_149 = arith.constant 0 : i32
        %dma_wait3A_150 = tpu.memref_slice %arg8[%add3A_74, %dma_wait3A_149] : memref<320x64xi32, #tpu.memory_space<vmem>> -> memref<1x64xi32, #tpu.memory_space<vmem>>
        %dma_wait3A_151 = tpu.memref_squeeze %dma_wait3A_150 : memref<1x64xi32, #tpu.memory_space<vmem>> -> memref<64xi32, #tpu.memory_space<vmem>>
        %dma_wait3A_152 = arith.constant 0 : i32
        %dma_wait3A_153 = arith.constant 0 : i32
        %dma_wait3A_154 = tpu.memref_slice %arg13[%dma_wait3A_152, %dma_wait3A_153] : memref<10240x96xf32, #tpu.memory_space<vmem_shared>> -> memref<10240x96xf32, #tpu.memory_space<vmem_shared>>
        tpu.wait_indirect_dma semaphore(%run_scoped3A : memref<!tpu.dma_semaphore, #tpu.memory_space<semaphore_mem>>) src(%arg9 : memref<64x96xf32, #tpu.memory_space<vmem>>) dst(%dma_wait3A_154 : memref<10240x96xf32, #tpu.memory_space<vmem_shared>>)
        tpu.yield
      }) : () -> ()
      %add3A_81 = arith.constant 4 : i32
      %add3A_82 = arith.addi %add3A_74, %add3A_81 : i32
      %dma_start3A_83 = arith.constant 0 : i32
      %dma_start3A_84 = tpu.memref_slice %arg7[%add3A_82, %dma_start3A_83] : memref<324x64xi32, #tpu.memory_space<vmem>> -> memref<1x64xi32, #tpu.memory_space<vmem>>
      %dma_start3A_85 = tpu.memref_squeeze %dma_start3A_84 : memref<1x64xi32, #tpu.memory_space<vmem>> -> memref<64xi32, #tpu.memory_space<vmem>>
      %dma_start3A_86 = arith.constant 0 : i32
      %dma_start3A_87 = arith.constant 0 : i32
      %dma_start3A_88 = tpu.memref_slice %arg2[%dma_start3A_86, %dma_start3A_87] : memref<20480x96xf32, #tpu.memory_space<hbm>> -> memref<20480x96xf32, #tpu.memory_space<hbm>>
      tpu.enqueue_indirect_dma source(%dma_start3A_88 : memref<20480x96xf32, #tpu.memory_space<hbm>>) target(%arg9 : memref<64x96xf32, #tpu.memory_space<vmem>>) offsets(%dma_start3A_85 : memref<64xi32, #tpu.memory_space<vmem>>) semaphore(%arg14 : memref<!tpu.dma_semaphore, #tpu.memory_space<semaphore_mem>>)
      %mul3A_89 = arith.constant 4 : i32
      %mul3A_90 = arith.muli %mul3A_89, %scan3A_72 : i32
      %add3A_91 = arith.constant 1 : i32
      %add3A_92 = arith.addi %mul3A_90, %add3A_91 : i32
      %dma_wait3A_93 = arith.constant 0 : i32
      %dma_wait3A_94 = tpu.memref_slice %arg7[%add3A_92, %dma_wait3A_93] : memref<324x64xi32, #tpu.memory_space<vmem>> -> memref<1x64xi32, #tpu.memory_space<vmem>>
      %dma_wait3A_95 = tpu.memref_squeeze %dma_wait3A_94 : memref<1x64xi32, #tpu.memory_space<vmem>> -> memref<64xi32, #tpu.memory_space<vmem>>
      %dma_wait3A_96 = arith.constant 0 : i32
      %dma_wait3A_97 = arith.constant 0 : i32
      %dma_wait3A_98 = tpu.memref_slice %arg2[%dma_wait3A_96, %dma_wait3A_97] : memref<20480x96xf32, #tpu.memory_space<hbm>> -> memref<20480x96xf32, #tpu.memory_space<hbm>>
      tpu.wait_indirect_dma semaphore(%arg15 : memref<!tpu.dma_semaphore, #tpu.memory_space<semaphore_mem>>) src(%dma_wait3A_98 : memref<20480x96xf32, #tpu.memory_space<hbm>>) dst(%arg10 : memref<64x96xf32, #tpu.memory_space<vmem>>)
      "tpu.region"() ({
        %run_scoped3A = tpu.sem_alloc : memref<!tpu.dma_semaphore, #tpu.memory_space<semaphore_mem>>
        %dma_start3A_143 = arith.constant 0 : i32
        %dma_start3A_144 = tpu.memref_slice %arg8[%add3A_92, %dma_start3A_143] : memref<320x64xi32, #tpu.memory_space<vmem>> -> memref<1x64xi32, #tpu.memory_space<vmem>>
        %dma_start3A_145 = tpu.memref_squeeze %dma_start3A_144 : memref<1x64xi32, #tpu.memory_space<vmem>> -> memref<64xi32, #tpu.memory_space<vmem>>
        %dma_start3A_146 = arith.constant 0 : i32
        %dma_start3A_147 = arith.constant 0 : i32
        %dma_start3A_148 = tpu.memref_slice %arg13[%dma_start3A_146, %dma_start3A_147] : memref<10240x96xf32, #tpu.memory_space<vmem_shared>> -> memref<10240x96xf32, #tpu.memory_space<vmem_shared>>
        tpu.enqueue_indirect_dma source(%arg10 : memref<64x96xf32, #tpu.memory_space<vmem>>) target(%dma_start3A_148 : memref<10240x96xf32, #tpu.memory_space<vmem_shared>>) offsets(%dma_start3A_145 : memref<64xi32, #tpu.memory_space<vmem>>) semaphore(%run_scoped3A : memref<!tpu.dma_semaphore, #tpu.memory_space<semaphore_mem>>) {add = true}
        %dma_wait3A_149 = arith.constant 0 : i32
        %dma_wait3A_150 = tpu.memref_slice %arg8[%add3A_92, %dma_wait3A_149] : memref<320x64xi32, #tpu.memory_space<vmem>> -> memref<1x64xi32, #tpu.memory_space<vmem>>
        %dma_wait3A_151 = tpu.memref_squeeze %dma_wait3A_150 : memref<1x64xi32, #tpu.memory_space<vmem>> -> memref<64xi32, #tpu.memory_space<vmem>>
        %dma_wait3A_152 = arith.constant 0 : i32
        %dma_wait3A_153 = arith.constant 0 : i32
        %dma_wait3A_154 = tpu.memref_slice %arg13[%dma_wait3A_152, %dma_wait3A_153] : memref<10240x96xf32, #tpu.memory_space<vmem_shared>> -> memref<10240x96xf32, #tpu.memory_space<vmem_shared>>
        tpu.wait_indirect_dma semaphore(%run_scoped3A : memref<!tpu.dma_semaphore, #tpu.memory_space<semaphore_mem>>) src(%arg10 : memref<64x96xf32, #tpu.memory_space<vmem>>) dst(%dma_wait3A_154 : memref<10240x96xf32, #tpu.memory_space<vmem_shared>>)
        tpu.yield
      }) : () -> ()
      %add3A_99 = arith.constant 4 : i32
      %add3A_100 = arith.addi %add3A_92, %add3A_99 : i32
      %dma_start3A_101 = arith.constant 0 : i32
      %dma_start3A_102 = tpu.memref_slice %arg7[%add3A_100, %dma_start3A_101] : memref<324x64xi32, #tpu.memory_space<vmem>> -> memref<1x64xi32, #tpu.memory_space<vmem>>
      %dma_start3A_103 = tpu.memref_squeeze %dma_start3A_102 : memref<1x64xi32, #tpu.memory_space<vmem>> -> memref<64xi32, #tpu.memory_space<vmem>>
      %dma_start3A_104 = arith.constant 0 : i32
      %dma_start3A_105 = arith.constant 0 : i32
      %dma_start3A_106 = tpu.memref_slice %arg2[%dma_start3A_104, %dma_start3A_105] : memref<20480x96xf32, #tpu.memory_space<hbm>> -> memref<20480x96xf32, #tpu.memory_space<hbm>>
      tpu.enqueue_indirect_dma source(%dma_start3A_106 : memref<20480x96xf32, #tpu.memory_space<hbm>>) target(%arg10 : memref<64x96xf32, #tpu.memory_space<vmem>>) offsets(%dma_start3A_103 : memref<64xi32, #tpu.memory_space<vmem>>) semaphore(%arg15 : memref<!tpu.dma_semaphore, #tpu.memory_space<semaphore_mem>>)
      %mul3A_107 = arith.constant 4 : i32
      %mul3A_108 = arith.muli %mul3A_107, %scan3A_72 : i32
      %add3A_109 = arith.constant 2 : i32
      %add3A_110 = arith.addi %mul3A_108, %add3A_109 : i32
      %dma_wait3A_111 = arith.constant 0 : i32
      %dma_wait3A_112 = tpu.memref_slice %arg7[%add3A_110, %dma_wait3A_111] : memref<324x64xi32, #tpu.memory_space<vmem>> -> memref<1x64xi32, #tpu.memory_space<vmem>>
      %dma_wait3A_113 = tpu.memref_squeeze %dma_wait3A_112 : memref<1x64xi32, #tpu.memory_space<vmem>> -> memref<64xi32, #tpu.memory_space<vmem>>
      %dma_wait3A_114 = arith.constant 0 : i32
      %dma_wait3A_115 = arith.constant 0 : i32
      %dma_wait3A_116 = tpu.memref_slice %arg2[%dma_wait3A_114, %dma_wait3A_115] : memref<20480x96xf32, #tpu.memory_space<hbm>> -> memref<20480x96xf32, #tpu.memory_space<hbm>>
      tpu.wait_indirect_dma semaphore(%arg16 : memref<!tpu.dma_semaphore, #tpu.memory_space<semaphore_mem>>) src(%dma_wait3A_116 : memref<20480x96xf32, #tpu.memory_space<hbm>>) dst(%arg11 : memref<64x96xf32, #tpu.memory_space<vmem>>)
      "tpu.region"() ({
        %run_scoped3A = tpu.sem_alloc : memref<!tpu.dma_semaphore, #tpu.memory_space<semaphore_mem>>
        %dma_start3A_143 = arith.constant 0 : i32
        %dma_start3A_144 = tpu.memref_slice %arg8[%add3A_110, %dma_start3A_143] : memref<320x64xi32, #tpu.memory_space<vmem>> -> memref<1x64xi32, #tpu.memory_space<vmem>>
        %dma_start3A_145 = tpu.memref_squeeze %dma_start3A_144 : memref<1x64xi32, #tpu.memory_space<vmem>> -> memref<64xi32, #tpu.memory_space<vmem>>
        %dma_start3A_146 = arith.constant 0 : i32
        %dma_start3A_147 = arith.constant 0 : i32
        %dma_start3A_148 = tpu.memref_slice %arg13[%dma_start3A_146, %dma_start3A_147] : memref<10240x96xf32, #tpu.memory_space<vmem_shared>> -> memref<10240x96xf32, #tpu.memory_space<vmem_shared>>
        tpu.enqueue_indirect_dma source(%arg11 : memref<64x96xf32, #tpu.memory_space<vmem>>) target(%dma_start3A_148 : memref<10240x96xf32, #tpu.memory_space<vmem_shared>>) offsets(%dma_start3A_145 : memref<64xi32, #tpu.memory_space<vmem>>) semaphore(%run_scoped3A : memref<!tpu.dma_semaphore, #tpu.memory_space<semaphore_mem>>) {add = true}
        %dma_wait3A_149 = arith.constant 0 : i32
        %dma_wait3A_150 = tpu.memref_slice %arg8[%add3A_110, %dma_wait3A_149] : memref<320x64xi32, #tpu.memory_space<vmem>> -> memref<1x64xi32, #tpu.memory_space<vmem>>
        %dma_wait3A_151 = tpu.memref_squeeze %dma_wait3A_150 : memref<1x64xi32, #tpu.memory_space<vmem>> -> memref<64xi32, #tpu.memory_space<vmem>>
        %dma_wait3A_152 = arith.constant 0 : i32
        %dma_wait3A_153 = arith.constant 0 : i32
        %dma_wait3A_154 = tpu.memref_slice %arg13[%dma_wait3A_152, %dma_wait3A_153] : memref<10240x96xf32, #tpu.memory_space<vmem_shared>> -> memref<10240x96xf32, #tpu.memory_space<vmem_shared>>
        tpu.wait_indirect_dma semaphore(%run_scoped3A : memref<!tpu.dma_semaphore, #tpu.memory_space<semaphore_mem>>) src(%arg11 : memref<64x96xf32, #tpu.memory_space<vmem>>) dst(%dma_wait3A_154 : memref<10240x96xf32, #tpu.memory_space<vmem_shared>>)
        tpu.yield
      }) : () -> ()
      %add3A_117 = arith.constant 4 : i32
      %add3A_118 = arith.addi %add3A_110, %add3A_117 : i32
      %dma_start3A_119 = arith.constant 0 : i32
      %dma_start3A_120 = tpu.memref_slice %arg7[%add3A_118, %dma_start3A_119] : memref<324x64xi32, #tpu.memory_space<vmem>> -> memref<1x64xi32, #tpu.memory_space<vmem>>
      %dma_start3A_121 = tpu.memref_squeeze %dma_start3A_120 : memref<1x64xi32, #tpu.memory_space<vmem>> -> memref<64xi32, #tpu.memory_space<vmem>>
      %dma_start3A_122 = arith.constant 0 : i32
      %dma_start3A_123 = arith.constant 0 : i32
      %dma_start3A_124 = tpu.memref_slice %arg2[%dma_start3A_122, %dma_start3A_123] : memref<20480x96xf32, #tpu.memory_space<hbm>> -> memref<20480x96xf32, #tpu.memory_space<hbm>>
      tpu.enqueue_indirect_dma source(%dma_start3A_124 : memref<20480x96xf32, #tpu.memory_space<hbm>>) target(%arg11 : memref<64x96xf32, #tpu.memory_space<vmem>>) offsets(%dma_start3A_121 : memref<64xi32, #tpu.memory_space<vmem>>) semaphore(%arg16 : memref<!tpu.dma_semaphore, #tpu.memory_space<semaphore_mem>>)
      %mul3A_125 = arith.constant 4 : i32
      %mul3A_126 = arith.muli %mul3A_125, %scan3A_72 : i32
      %add3A_127 = arith.constant 3 : i32
      %add3A_128 = arith.addi %mul3A_126, %add3A_127 : i32
      %dma_wait3A_129 = arith.constant 0 : i32
      %dma_wait3A_130 = tpu.memref_slice %arg7[%add3A_128, %dma_wait3A_129] : memref<324x64xi32, #tpu.memory_space<vmem>> -> memref<1x64xi32, #tpu.memory_space<vmem>>
      %dma_wait3A_131 = tpu.memref_squeeze %dma_wait3A_130 : memref<1x64xi32, #tpu.memory_space<vmem>> -> memref<64xi32, #tpu.memory_space<vmem>>
      %dma_wait3A_132 = arith.constant 0 : i32
      %dma_wait3A_133 = arith.constant 0 : i32
      %dma_wait3A_134 = tpu.memref_slice %arg2[%dma_wait3A_132, %dma_wait3A_133] : memref<20480x96xf32, #tpu.memory_space<hbm>> -> memref<20480x96xf32, #tpu.memory_space<hbm>>
      tpu.wait_indirect_dma semaphore(%arg17 : memref<!tpu.dma_semaphore, #tpu.memory_space<semaphore_mem>>) src(%dma_wait3A_134 : memref<20480x96xf32, #tpu.memory_space<hbm>>) dst(%arg12 : memref<64x96xf32, #tpu.memory_space<vmem>>)
      "tpu.region"() ({
        %run_scoped3A = tpu.sem_alloc : memref<!tpu.dma_semaphore, #tpu.memory_space<semaphore_mem>>
        %dma_start3A_143 = arith.constant 0 : i32
        %dma_start3A_144 = tpu.memref_slice %arg8[%add3A_128, %dma_start3A_143] : memref<320x64xi32, #tpu.memory_space<vmem>> -> memref<1x64xi32, #tpu.memory_space<vmem>>
        %dma_start3A_145 = tpu.memref_squeeze %dma_start3A_144 : memref<1x64xi32, #tpu.memory_space<vmem>> -> memref<64xi32, #tpu.memory_space<vmem>>
        %dma_start3A_146 = arith.constant 0 : i32
        %dma_start3A_147 = arith.constant 0 : i32
        %dma_start3A_148 = tpu.memref_slice %arg13[%dma_start3A_146, %dma_start3A_147] : memref<10240x96xf32, #tpu.memory_space<vmem_shared>> -> memref<10240x96xf32, #tpu.memory_space<vmem_shared>>
        tpu.enqueue_indirect_dma source(%arg12 : memref<64x96xf32, #tpu.memory_space<vmem>>) target(%dma_start3A_148 : memref<10240x96xf32, #tpu.memory_space<vmem_shared>>) offsets(%dma_start3A_145 : memref<64xi32, #tpu.memory_space<vmem>>) semaphore(%run_scoped3A : memref<!tpu.dma_semaphore, #tpu.memory_space<semaphore_mem>>) {add = true}
        %dma_wait3A_149 = arith.constant 0 : i32
        %dma_wait3A_150 = tpu.memref_slice %arg8[%add3A_128, %dma_wait3A_149] : memref<320x64xi32, #tpu.memory_space<vmem>> -> memref<1x64xi32, #tpu.memory_space<vmem>>
        %dma_wait3A_151 = tpu.memref_squeeze %dma_wait3A_150 : memref<1x64xi32, #tpu.memory_space<vmem>> -> memref<64xi32, #tpu.memory_space<vmem>>
        %dma_wait3A_152 = arith.constant 0 : i32
        %dma_wait3A_153 = arith.constant 0 : i32
        %dma_wait3A_154 = tpu.memref_slice %arg13[%dma_wait3A_152, %dma_wait3A_153] : memref<10240x96xf32, #tpu.memory_space<vmem_shared>> -> memref<10240x96xf32, #tpu.memory_space<vmem_shared>>
        tpu.wait_indirect_dma semaphore(%run_scoped3A : memref<!tpu.dma_semaphore, #tpu.memory_space<semaphore_mem>>) src(%arg12 : memref<64x96xf32, #tpu.memory_space<vmem>>) dst(%dma_wait3A_154 : memref<10240x96xf32, #tpu.memory_space<vmem_shared>>)
        tpu.yield
      }) : () -> ()
      %add3A_135 = arith.constant 4 : i32
      %add3A_136 = arith.addi %add3A_128, %add3A_135 : i32
      %dma_start3A_137 = arith.constant 0 : i32
      %dma_start3A_138 = tpu.memref_slice %arg7[%add3A_136, %dma_start3A_137] : memref<324x64xi32, #tpu.memory_space<vmem>> -> memref<1x64xi32, #tpu.memory_space<vmem>>
      %dma_start3A_139 = tpu.memref_squeeze %dma_start3A_138 : memref<1x64xi32, #tpu.memory_space<vmem>> -> memref<64xi32, #tpu.memory_space<vmem>>
      %dma_start3A_140 = arith.constant 0 : i32
      %dma_start3A_141 = arith.constant 0 : i32
      %dma_start3A_142 = tpu.memref_slice %arg2[%dma_start3A_140, %dma_start3A_141] : memref<20480x96xf32, #tpu.memory_space<hbm>> -> memref<20480x96xf32, #tpu.memory_space<hbm>>
      tpu.enqueue_indirect_dma source(%dma_start3A_142 : memref<20480x96xf32, #tpu.memory_space<hbm>>) target(%arg12 : memref<64x96xf32, #tpu.memory_space<vmem>>) offsets(%dma_start3A_139 : memref<64xi32, #tpu.memory_space<vmem>>) semaphore(%arg17 : memref<!tpu.dma_semaphore, #tpu.memory_space<semaphore_mem>>)
    }
    %scan3A_37 = arith.constant 80 : i32
    %dma_wait3A = arith.constant 320 : i32
    %dma_wait3A_38 = arith.constant 0 : i32
    %dma_wait3A_39 = tpu.memref_slice %arg7[%dma_wait3A, %dma_wait3A_38] : memref<324x64xi32, #tpu.memory_space<vmem>> -> memref<1x64xi32, #tpu.memory_space<vmem>>
    %dma_wait3A_40 = tpu.memref_squeeze %dma_wait3A_39 : memref<1x64xi32, #tpu.memory_space<vmem>> -> memref<64xi32, #tpu.memory_space<vmem>>
    %dma_wait3A_41 = arith.constant 0 : i32
    %dma_wait3A_42 = arith.constant 0 : i32
    %dma_wait3A_43 = tpu.memref_slice %arg2[%dma_wait3A_41, %dma_wait3A_42] : memref<20480x96xf32, #tpu.memory_space<hbm>> -> memref<20480x96xf32, #tpu.memory_space<hbm>>
    tpu.wait_indirect_dma semaphore(%arg14 : memref<!tpu.dma_semaphore, #tpu.memory_space<semaphore_mem>>) src(%dma_wait3A_43 : memref<20480x96xf32, #tpu.memory_space<hbm>>) dst(%arg9 : memref<64x96xf32, #tpu.memory_space<vmem>>)
    %dma_wait3A_44 = arith.constant 321 : i32
    %dma_wait3A_45 = arith.constant 0 : i32
    %dma_wait3A_46 = tpu.memref_slice %arg7[%dma_wait3A_44, %dma_wait3A_45] : memref<324x64xi32, #tpu.memory_space<vmem>> -> memref<1x64xi32, #tpu.memory_space<vmem>>
    %dma_wait3A_47 = tpu.memref_squeeze %dma_wait3A_46 : memref<1x64xi32, #tpu.memory_space<vmem>> -> memref<64xi32, #tpu.memory_space<vmem>>
    %dma_wait3A_48 = arith.constant 0 : i32
    %dma_wait3A_49 = arith.constant 0 : i32
    %dma_wait3A_50 = tpu.memref_slice %arg2[%dma_wait3A_48, %dma_wait3A_49] : memref<20480x96xf32, #tpu.memory_space<hbm>> -> memref<20480x96xf32, #tpu.memory_space<hbm>>
    tpu.wait_indirect_dma semaphore(%arg15 : memref<!tpu.dma_semaphore, #tpu.memory_space<semaphore_mem>>) src(%dma_wait3A_50 : memref<20480x96xf32, #tpu.memory_space<hbm>>) dst(%arg10 : memref<64x96xf32, #tpu.memory_space<vmem>>)
    %dma_wait3A_51 = arith.constant 322 : i32
    %dma_wait3A_52 = arith.constant 0 : i32
    %dma_wait3A_53 = tpu.memref_slice %arg7[%dma_wait3A_51, %dma_wait3A_52] : memref<324x64xi32, #tpu.memory_space<vmem>> -> memref<1x64xi32, #tpu.memory_space<vmem>>
    %dma_wait3A_54 = tpu.memref_squeeze %dma_wait3A_53 : memref<1x64xi32, #tpu.memory_space<vmem>> -> memref<64xi32, #tpu.memory_space<vmem>>
    %dma_wait3A_55 = arith.constant 0 : i32
    %dma_wait3A_56 = arith.constant 0 : i32
    %dma_wait3A_57 = tpu.memref_slice %arg2[%dma_wait3A_55, %dma_wait3A_56] : memref<20480x96xf32, #tpu.memory_space<hbm>> -> memref<20480x96xf32, #tpu.memory_space<hbm>>
    tpu.wait_indirect_dma semaphore(%arg16 : memref<!tpu.dma_semaphore, #tpu.memory_space<semaphore_mem>>) src(%dma_wait3A_57 : memref<20480x96xf32, #tpu.memory_space<hbm>>) dst(%arg11 : memref<64x96xf32, #tpu.memory_space<vmem>>)
    %dma_wait3A_58 = arith.constant 323 : i32
    %dma_wait3A_59 = arith.constant 0 : i32
    %dma_wait3A_60 = tpu.memref_slice %arg7[%dma_wait3A_58, %dma_wait3A_59] : memref<324x64xi32, #tpu.memory_space<vmem>> -> memref<1x64xi32, #tpu.memory_space<vmem>>
    %dma_wait3A_61 = tpu.memref_squeeze %dma_wait3A_60 : memref<1x64xi32, #tpu.memory_space<vmem>> -> memref<64xi32, #tpu.memory_space<vmem>>
    %dma_wait3A_62 = arith.constant 0 : i32
    %dma_wait3A_63 = arith.constant 0 : i32
    %dma_wait3A_64 = tpu.memref_slice %arg2[%dma_wait3A_62, %dma_wait3A_63] : memref<20480x96xf32, #tpu.memory_space<hbm>> -> memref<20480x96xf32, #tpu.memory_space<hbm>>
    tpu.wait_indirect_dma semaphore(%arg17 : memref<!tpu.dma_semaphore, #tpu.memory_space<semaphore_mem>>) src(%dma_wait3A_64 : memref<20480x96xf32, #tpu.memory_space<hbm>>) dst(%arg12 : memref<64x96xf32, #tpu.memory_space<vmem>>)
    %barrier3A_65 = arith.constant 0 : index
    tpu.barrier barrier_id(%barrier3A_65)
    %scan3A_66 = arith.constant 0 : i32
    %scan3A_67 = arith.constant 0 : i32
    %scan3A_68 = arith.constant 10 : i32
    %scan3A_69 = arith.addi %scan3A_67, %scan3A_68 : i32
    %scan3A_70 = arith.constant 1 : i32
    scf.for %scan3A_72 = %scan3A_67 to %scan3A_69 step %scan3A_70  : i32 {
      %mul3A = arith.constant 640 : i32
      %mul3A_73 = arith.muli %arg1, %mul3A : i32
      %mul3A_74 = arith.constant 64 : i32
      %mul3A_75 = arith.muli %scan3A_72, %mul3A_74 : i32
      %add3A = arith.addi %mul3A_73, %mul3A_75 : i32
      "tpu.region"() ({
        %run_scoped3A = tpu.sem_alloc : memref<!tpu.dma_semaphore, #tpu.memory_space<semaphore_mem>>
        %dma_start3A_76 = arith.constant 0 : i32
        %dma_start3A_77 = tpu.memref_slice %arg13[%add3A, %dma_start3A_76] : memref<10240x96xf32, #tpu.memory_space<vmem_shared>> -> memref<64x96xf32, #tpu.memory_space<vmem_shared>>
        %dma_start3A_78 = arith.constant 0 : i32
        %dma_start3A_79 = tpu.memref_slice %arg13[%add3A, %dma_start3A_78] : memref<10240x96xf32, #tpu.memory_space<vmem_shared>> -> memref<64x96xf32, #tpu.memory_space<vmem_shared>>
        tpu.enqueue_dma source(%dma_start3A_79 : memref<64x96xf32, #tpu.memory_space<vmem_shared>>) target(%arg9 : memref<64x96xf32, #tpu.memory_space<vmem>>) target_semaphore(%run_scoped3A : memref<!tpu.dma_semaphore, #tpu.memory_space<semaphore_mem>>)
        %dma_wait3A_80 = arith.constant 0 : i32
        %dma_wait3A_81 = tpu.memref_slice %arg13[%add3A, %dma_wait3A_80] : memref<10240x96xf32, #tpu.memory_space<vmem_shared>> -> memref<64x96xf32, #tpu.memory_space<vmem_shared>>
        %dma_wait3A_82 = arith.constant 0 : i32
        %dma_wait3A_83 = tpu.memref_slice %arg13[%add3A, %dma_wait3A_82] : memref<10240x96xf32, #tpu.memory_space<vmem_shared>> -> memref<64x96xf32, #tpu.memory_space<vmem_shared>>
        tpu.wait_dma2 semaphore(%run_scoped3A : memref<!tpu.dma_semaphore, #tpu.memory_space<semaphore_mem>>) src(%dma_wait3A_83 : memref<64x96xf32, #tpu.memory_space<vmem_shared>>) dst(%arg9 : memref<64x96xf32, #tpu.memory_space<vmem>>)
        tpu.yield
      }) : () -> ()
      "tpu.region"() ({
        %run_scoped3A = tpu.sem_alloc : memref<!tpu.dma_semaphore, #tpu.memory_space<semaphore_mem>>
        %dma_start3A_76 = arith.constant 0 : i32
        %dma_start3A_77 = tpu.memref_slice %arg6[%arg0, %add3A, %dma_start3A_76] : memref<2x10240x96xf32, #tpu.memory_space<hbm>> -> memref<1x64x96xf32, #tpu.memory_space<hbm>>
        %dma_start3A_78 = tpu.memref_squeeze %dma_start3A_77 : memref<1x64x96xf32, #tpu.memory_space<hbm>> -> memref<64x96xf32, #tpu.memory_space<hbm>>
        %dma_start3A_79 = arith.constant 0 : i32
        %dma_start3A_80 = tpu.memref_slice %arg6[%arg0, %add3A, %dma_start3A_79] : memref<2x10240x96xf32, #tpu.memory_space<hbm>> -> memref<1x64x96xf32, #tpu.memory_space<hbm>>
        %dma_start3A_81 = tpu.memref_squeeze %dma_start3A_80 : memref<1x64x96xf32, #tpu.memory_space<hbm>> -> memref<64x96xf32, #tpu.memory_space<hbm>>
        tpu.enqueue_dma source(%arg9 : memref<64x96xf32, #tpu.memory_space<vmem>>) target(%dma_start3A_81 : memref<64x96xf32, #tpu.memory_space<hbm>>) target_semaphore(%run_scoped3A : memref<!tpu.dma_semaphore, #tpu.memory_space<semaphore_mem>>)
        %dma_wait3A_82 = arith.constant 0 : i32
        %dma_wait3A_83 = tpu.memref_slice %arg6[%arg0, %add3A, %dma_wait3A_82] : memref<2x10240x96xf32, #tpu.memory_space<hbm>> -> memref<1x64x96xf32, #tpu.memory_space<hbm>>
        %dma_wait3A_84 = tpu.memref_squeeze %dma_wait3A_83 : memref<1x64x96xf32, #tpu.memory_space<hbm>> -> memref<64x96xf32, #tpu.memory_space<hbm>>
        %dma_wait3A_85 = arith.constant 0 : i32
        %dma_wait3A_86 = tpu.memref_slice %arg6[%arg0, %add3A, %dma_wait3A_85] : memref<2x10240x96xf32, #tpu.memory_space<hbm>> -> memref<1x64x96xf32, #tpu.memory_space<hbm>>
        %dma_wait3A_87 = tpu.memref_squeeze %dma_wait3A_86 : memref<1x64x96xf32, #tpu.memory_space<hbm>> -> memref<64x96xf32, #tpu.memory_space<hbm>>
        tpu.wait_dma2 semaphore(%run_scoped3A : memref<!tpu.dma_semaphore, #tpu.memory_space<semaphore_mem>>) src(%arg9 : memref<64x96xf32, #tpu.memory_space<vmem>>) dst(%dma_wait3A_87 : memref<64x96xf32, #tpu.memory_space<hbm>>)
        tpu.yield
      }) : () -> ()
    }
    %scan3A_71 = arith.constant 10 : i32
    return
  }
}

module attributes {stable_mosaic.version = 14 : i64} {
  func.func @_enc_body(%arg0: i32, %arg1: memref<1000x5xf32, #tpu.memory_space<vmem>>, %arg2: memref<1000x1xf32, #tpu.memory_space<vmem>>, %arg3: memref<1000x768xf32, #tpu.memory_space<vmem>>, %arg4: memref<1000x768xf32, #tpu.memory_space<vmem>>, %arg5: memref<1000x768xf32, #tpu.memory_space<vmem>>, %arg6: memref<1000x768xf32, #tpu.memory_space<vmem>>, %arg7: memref<5x32xf32, #tpu.memory_space<vmem>>, %arg8: memref<32xf32, #tpu.memory_space<vmem>>, %arg9: memref<1x32xf32, #tpu.memory_space<vmem>>, %arg10: memref<32xf32, #tpu.memory_space<vmem>>, %arg11: memref<768x32xf32, #tpu.memory_space<vmem>>, %arg12: memref<32xf32, #tpu.memory_space<vmem>>, %arg13: memref<768x32xf32, #tpu.memory_space<vmem>>, %arg14: memref<32xf32, #tpu.memory_space<vmem>>, %arg15: memref<768x32xf32, #tpu.memory_space<vmem>>, %arg16: memref<32xf32, #tpu.memory_space<vmem>>, %arg17: memref<768x32xf32, #tpu.memory_space<vmem>>, %arg18: memref<32xf32, #tpu.memory_space<vmem>>, %arg19: memref<192x192xf32, #tpu.memory_space<vmem>>, %arg20: memref<192xf32, #tpu.memory_space<vmem>>, %arg21: memref<1000x192xf32, #tpu.memory_space<vmem>>) attributes {dimension_semantics = [#tpu.dimension_semantics<arbitrary>], iteration_bounds = array<i64: 10>, scalar_prefetch = 0 : i64, scratch_operands = 0 : i64, tpu.core_type = #tpu.core_type<tc>, window_params = [{transform_indices = @transform_0, window_bounds = array<i64: 1000, 5>}, {transform_indices = @transform_1, window_bounds = array<i64: 1000, 1>}, {transform_indices = @transform_2, window_bounds = array<i64: 1000, 768>}, {transform_indices = @transform_3, window_bounds = array<i64: 1000, 768>}, {transform_indices = @transform_4, window_bounds = array<i64: 1000, 768>}, {transform_indices = @transform_5, window_bounds = array<i64: 1000, 768>}, {pipeline_mode = #tpu.pipeline_mode<synchronous>, transform_indices = @transform_6, window_bounds = array<i64: 5, 32>}, {pipeline_mode = #tpu.pipeline_mode<synchronous>, transform_indices = @transform_7, window_bounds = array<i64: 32>}, {pipeline_mode = #tpu.pipeline_mode<synchronous>, transform_indices = @transform_8, window_bounds = array<i64: 1, 32>}, {pipeline_mode = #tpu.pipeline_mode<synchronous>, transform_indices = @transform_9, window_bounds = array<i64: 32>}, {pipeline_mode = #tpu.pipeline_mode<synchronous>, transform_indices = @transform_10, window_bounds = array<i64: 768, 32>}, {pipeline_mode = #tpu.pipeline_mode<synchronous>, transform_indices = @transform_11, window_bounds = array<i64: 32>}, {pipeline_mode = #tpu.pipeline_mode<synchronous>, transform_indices = @transform_12, window_bounds = array<i64: 768, 32>}, {pipeline_mode = #tpu.pipeline_mode<synchronous>, transform_indices = @transform_13, window_bounds = array<i64: 32>}, {pipeline_mode = #tpu.pipeline_mode<synchronous>, transform_indices = @transform_14, window_bounds = array<i64: 768, 32>}, {pipeline_mode = #tpu.pipeline_mode<synchronous>, transform_indices = @transform_15, window_bounds = array<i64: 32>}, {pipeline_mode = #tpu.pipeline_mode<synchronous>, transform_indices = @transform_16, window_bounds = array<i64: 768, 32>}, {pipeline_mode = #tpu.pipeline_mode<synchronous>, transform_indices = @transform_17, window_bounds = array<i64: 32>}, {pipeline_mode = #tpu.pipeline_mode<synchronous>, transform_indices = @transform_18, window_bounds = array<i64: 192, 192>}, {pipeline_mode = #tpu.pipeline_mode<synchronous>, transform_indices = @transform_19, window_bounds = array<i64: 192>}, {transform_indices = @transform_20, window_bounds = array<i64: 1000, 192>}]} {
    %get3A = arith.constant 0 : index
    %get3A_0 = arith.constant 0 : index
    %get3A_1 = vector.load %arg1[%get3A, %get3A_0] : memref<1000x5xf32, #tpu.memory_space<vmem>>, vector<1000x5xf32>
    %get3A_2 = arith.constant 0 : index
    %get3A_3 = arith.constant 0 : index
    %get3A_4 = vector.load %arg7[%get3A_2, %get3A_3] : memref<5x32xf32, #tpu.memory_space<vmem>>, vector<5x32xf32>
    %dot_general3A = arith.constant dense<0.000000e+00> : vector<1000x32xf32>
    %dot_general3A_5 = tpu.matmul %get3A_1, %get3A_4, %dot_general3A {dimension_numbers = #tpu.dot_dimension_numbers<[1], [0], [0], [1], [0, 0, 1, 1], [], []>, precision = #tpu.contract_precision<fp32>, transpose_lhs_hint = false} : vector<1000x5xf32>, vector<5x32xf32>, vector<1000x32xf32> -> vector<1000x32xf32>
    %get3A_6 = arith.constant 0 : index
    %get3A_7 = vector.load %arg8[%get3A_6] : memref<32xf32, #tpu.memory_space<vmem>>, vector<32xf32>
    %broadcast_in_dim3A = vector.shape_cast %get3A_7 : vector<32xf32> to vector<1x32xf32>
    %add3A = vector.broadcast %broadcast_in_dim3A : vector<1x32xf32> to vector<1000x32xf32>
    %add3A_8 = arith.addf %dot_general3A_5, %add3A : vector<1000x32xf32>
    %gt3A = arith.constant 0.000000e+00 : f32
    %gt3A_9 = vector.broadcast %gt3A : f32 to vector<1000x32xf32>
    %gt3A_10 = arith.cmpf ogt, %add3A_8, %gt3A_9 : vector<1000x32xf32>
    %mul3A = arith.constant 0.00999999977 : f32
    %mul3A_11 = vector.broadcast %mul3A : f32 to vector<1000x32xf32>
    %mul3A_12 = arith.mulf %mul3A_11, %add3A_8 : vector<1000x32xf32>
    %select_n3A = arith.select %gt3A_10, %add3A_8, %mul3A_12 : vector<1000x32xi1>, vector<1000x32xf32>
    %get3A_13 = arith.constant 0 : index
    %get3A_14 = arith.constant 0 : index
    %get3A_15 = vector.load %arg2[%get3A_13, %get3A_14] : memref<1000x1xf32, #tpu.memory_space<vmem>>, vector<1000x1xf32>
    %get3A_16 = arith.constant 0 : index
    %get3A_17 = arith.constant 0 : index
    %get3A_18 = vector.load %arg9[%get3A_16, %get3A_17] : memref<1x32xf32, #tpu.memory_space<vmem>>, vector<1x32xf32>
    %dot_general3A_19 = arith.constant dense<0.000000e+00> : vector<1000x32xf32>
    %dot_general3A_20 = tpu.matmul %get3A_15, %get3A_18, %dot_general3A_19 {dimension_numbers = #tpu.dot_dimension_numbers<[1], [0], [0], [1], [0, 0, 1, 1], [], []>, precision = #tpu.contract_precision<fp32>, transpose_lhs_hint = false} : vector<1000x1xf32>, vector<1x32xf32>, vector<1000x32xf32> -> vector<1000x32xf32>
    %get3A_21 = arith.constant 0 : index
    %get3A_22 = vector.load %arg10[%get3A_21] : memref<32xf32, #tpu.memory_space<vmem>>, vector<32xf32>
    %broadcast_in_dim3A_23 = vector.shape_cast %get3A_22 : vector<32xf32> to vector<1x32xf32>
    %add3A_24 = vector.broadcast %broadcast_in_dim3A_23 : vector<1x32xf32> to vector<1000x32xf32>
    %add3A_25 = arith.addf %dot_general3A_20, %add3A_24 : vector<1000x32xf32>
    %gt3A_26 = arith.constant 0.000000e+00 : f32
    %gt3A_27 = vector.broadcast %gt3A_26 : f32 to vector<1000x32xf32>
    %gt3A_28 = arith.cmpf ogt, %add3A_25, %gt3A_27 : vector<1000x32xf32>
    %mul3A_29 = arith.constant 0.00999999977 : f32
    %mul3A_30 = vector.broadcast %mul3A_29 : f32 to vector<1000x32xf32>
    %mul3A_31 = arith.mulf %mul3A_30, %add3A_25 : vector<1000x32xf32>
    %select_n3A_32 = arith.select %gt3A_28, %add3A_25, %mul3A_31 : vector<1000x32xi1>, vector<1000x32xf32>
    %get3A_33 = arith.constant 0 : index
    %get3A_34 = arith.constant 0 : index
    %get3A_35 = vector.load %arg3[%get3A_33, %get3A_34] : memref<1000x768xf32, #tpu.memory_space<vmem>>, vector<1000x768xf32>
    %get3A_36 = arith.constant 0 : index
    %get3A_37 = arith.constant 0 : index
    %get3A_38 = vector.load %arg11[%get3A_36, %get3A_37] : memref<768x32xf32, #tpu.memory_space<vmem>>, vector<768x32xf32>
    %dot_general3A_39 = arith.constant dense<0.000000e+00> : vector<1000x32xf32>
    %dot_general3A_40 = tpu.matmul %get3A_35, %get3A_38, %dot_general3A_39 {dimension_numbers = #tpu.dot_dimension_numbers<[1], [0], [0], [1], [0, 0, 1, 1], [], []>, precision = #tpu.contract_precision<fp32>, transpose_lhs_hint = false} : vector<1000x768xf32>, vector<768x32xf32>, vector<1000x32xf32> -> vector<1000x32xf32>
    %get3A_41 = arith.constant 0 : index
    %get3A_42 = vector.load %arg12[%get3A_41] : memref<32xf32, #tpu.memory_space<vmem>>, vector<32xf32>
    %broadcast_in_dim3A_43 = vector.shape_cast %get3A_42 : vector<32xf32> to vector<1x32xf32>
    %add3A_44 = vector.broadcast %broadcast_in_dim3A_43 : vector<1x32xf32> to vector<1000x32xf32>
    %add3A_45 = arith.addf %dot_general3A_40, %add3A_44 : vector<1000x32xf32>
    %gt3A_46 = arith.constant 0.000000e+00 : f32
    %gt3A_47 = vector.broadcast %gt3A_46 : f32 to vector<1000x32xf32>
    %gt3A_48 = arith.cmpf ogt, %add3A_45, %gt3A_47 : vector<1000x32xf32>
    %mul3A_49 = arith.constant 0.00999999977 : f32
    %mul3A_50 = vector.broadcast %mul3A_49 : f32 to vector<1000x32xf32>
    %mul3A_51 = arith.mulf %mul3A_50, %add3A_45 : vector<1000x32xf32>
    %select_n3A_52 = arith.select %gt3A_48, %add3A_45, %mul3A_51 : vector<1000x32xi1>, vector<1000x32xf32>
    %get3A_53 = arith.constant 0 : index
    %get3A_54 = arith.constant 0 : index
    %get3A_55 = vector.load %arg4[%get3A_53, %get3A_54] : memref<1000x768xf32, #tpu.memory_space<vmem>>, vector<1000x768xf32>
    %get3A_56 = arith.constant 0 : index
    %get3A_57 = arith.constant 0 : index
    %get3A_58 = vector.load %arg13[%get3A_56, %get3A_57] : memref<768x32xf32, #tpu.memory_space<vmem>>, vector<768x32xf32>
    %dot_general3A_59 = arith.constant dense<0.000000e+00> : vector<1000x32xf32>
    %dot_general3A_60 = tpu.matmul %get3A_55, %get3A_58, %dot_general3A_59 {dimension_numbers = #tpu.dot_dimension_numbers<[1], [0], [0], [1], [0, 0, 1, 1], [], []>, precision = #tpu.contract_precision<fp32>, transpose_lhs_hint = false} : vector<1000x768xf32>, vector<768x32xf32>, vector<1000x32xf32> -> vector<1000x32xf32>
    %get3A_61 = arith.constant 0 : index
    %get3A_62 = vector.load %arg14[%get3A_61] : memref<32xf32, #tpu.memory_space<vmem>>, vector<32xf32>
    %broadcast_in_dim3A_63 = vector.shape_cast %get3A_62 : vector<32xf32> to vector<1x32xf32>
    %add3A_64 = vector.broadcast %broadcast_in_dim3A_63 : vector<1x32xf32> to vector<1000x32xf32>
    %add3A_65 = arith.addf %dot_general3A_60, %add3A_64 : vector<1000x32xf32>
    %gt3A_66 = arith.constant 0.000000e+00 : f32
    %gt3A_67 = vector.broadcast %gt3A_66 : f32 to vector<1000x32xf32>
    %gt3A_68 = arith.cmpf ogt, %add3A_65, %gt3A_67 : vector<1000x32xf32>
    %mul3A_69 = arith.constant 0.00999999977 : f32
    %mul3A_70 = vector.broadcast %mul3A_69 : f32 to vector<1000x32xf32>
    %mul3A_71 = arith.mulf %mul3A_70, %add3A_65 : vector<1000x32xf32>
    %select_n3A_72 = arith.select %gt3A_68, %add3A_65, %mul3A_71 : vector<1000x32xi1>, vector<1000x32xf32>
    %get3A_73 = arith.constant 0 : index
    %get3A_74 = arith.constant 0 : index
    %get3A_75 = vector.load %arg5[%get3A_73, %get3A_74] : memref<1000x768xf32, #tpu.memory_space<vmem>>, vector<1000x768xf32>
    %get3A_76 = arith.constant 0 : index
    %get3A_77 = arith.constant 0 : index
    %get3A_78 = vector.load %arg15[%get3A_76, %get3A_77] : memref<768x32xf32, #tpu.memory_space<vmem>>, vector<768x32xf32>
    %dot_general3A_79 = arith.constant dense<0.000000e+00> : vector<1000x32xf32>
    %dot_general3A_80 = tpu.matmul %get3A_75, %get3A_78, %dot_general3A_79 {dimension_numbers = #tpu.dot_dimension_numbers<[1], [0], [0], [1], [0, 0, 1, 1], [], []>, precision = #tpu.contract_precision<fp32>, transpose_lhs_hint = false} : vector<1000x768xf32>, vector<768x32xf32>, vector<1000x32xf32> -> vector<1000x32xf32>
    %get3A_81 = arith.constant 0 : index
    %get3A_82 = vector.load %arg16[%get3A_81] : memref<32xf32, #tpu.memory_space<vmem>>, vector<32xf32>
    %broadcast_in_dim3A_83 = vector.shape_cast %get3A_82 : vector<32xf32> to vector<1x32xf32>
    %add3A_84 = vector.broadcast %broadcast_in_dim3A_83 : vector<1x32xf32> to vector<1000x32xf32>
    %add3A_85 = arith.addf %dot_general3A_80, %add3A_84 : vector<1000x32xf32>
    %gt3A_86 = arith.constant 0.000000e+00 : f32
    %gt3A_87 = vector.broadcast %gt3A_86 : f32 to vector<1000x32xf32>
    %gt3A_88 = arith.cmpf ogt, %add3A_85, %gt3A_87 : vector<1000x32xf32>
    %mul3A_89 = arith.constant 0.00999999977 : f32
    %mul3A_90 = vector.broadcast %mul3A_89 : f32 to vector<1000x32xf32>
    %mul3A_91 = arith.mulf %mul3A_90, %add3A_85 : vector<1000x32xf32>
    %select_n3A_92 = arith.select %gt3A_88, %add3A_85, %mul3A_91 : vector<1000x32xi1>, vector<1000x32xf32>
    %get3A_93 = arith.constant 0 : index
    %get3A_94 = arith.constant 0 : index
    %get3A_95 = vector.load %arg6[%get3A_93, %get3A_94] : memref<1000x768xf32, #tpu.memory_space<vmem>>, vector<1000x768xf32>
    %get3A_96 = arith.constant 0 : index
    %get3A_97 = arith.constant 0 : index
    %get3A_98 = vector.load %arg17[%get3A_96, %get3A_97] : memref<768x32xf32, #tpu.memory_space<vmem>>, vector<768x32xf32>
    %dot_general3A_99 = arith.constant dense<0.000000e+00> : vector<1000x32xf32>
    %dot_general3A_100 = tpu.matmul %get3A_95, %get3A_98, %dot_general3A_99 {dimension_numbers = #tpu.dot_dimension_numbers<[1], [0], [0], [1], [0, 0, 1, 1], [], []>, precision = #tpu.contract_precision<fp32>, transpose_lhs_hint = false} : vector<1000x768xf32>, vector<768x32xf32>, vector<1000x32xf32> -> vector<1000x32xf32>
    %get3A_101 = arith.constant 0 : index
    %get3A_102 = vector.load %arg18[%get3A_101] : memref<32xf32, #tpu.memory_space<vmem>>, vector<32xf32>
    %broadcast_in_dim3A_103 = vector.shape_cast %get3A_102 : vector<32xf32> to vector<1x32xf32>
    %add3A_104 = vector.broadcast %broadcast_in_dim3A_103 : vector<1x32xf32> to vector<1000x32xf32>
    %add3A_105 = arith.addf %dot_general3A_100, %add3A_104 : vector<1000x32xf32>
    %gt3A_106 = arith.constant 0.000000e+00 : f32
    %gt3A_107 = vector.broadcast %gt3A_106 : f32 to vector<1000x32xf32>
    %gt3A_108 = arith.cmpf ogt, %add3A_105, %gt3A_107 : vector<1000x32xf32>
    %mul3A_109 = arith.constant 0.00999999977 : f32
    %mul3A_110 = vector.broadcast %mul3A_109 : f32 to vector<1000x32xf32>
    %mul3A_111 = arith.mulf %mul3A_110, %add3A_105 : vector<1000x32xf32>
    %select_n3A_112 = arith.select %gt3A_108, %add3A_105, %mul3A_111 : vector<1000x32xi1>, vector<1000x32xf32>
    %concatenate3A = tpu.concatenate %select_n3A, %select_n3A_32, %select_n3A_52, %select_n3A_72, %select_n3A_92, %select_n3A_112 in 1 : vector<1000x32xf32>, vector<1000x32xf32>, vector<1000x32xf32>, vector<1000x32xf32>, vector<1000x32xf32>, vector<1000x32xf32> -> vector<1000x192xf32>
    %get3A_113 = arith.constant 0 : index
    %get3A_114 = arith.constant 0 : index
    %get3A_115 = vector.load %arg19[%get3A_113, %get3A_114] : memref<192x192xf32, #tpu.memory_space<vmem>>, vector<192x192xf32>
    %dot_general3A_116 = arith.constant dense<0.000000e+00> : vector<1000x192xf32>
    %dot_general3A_117 = tpu.matmul %concatenate3A, %get3A_115, %dot_general3A_116 {dimension_numbers = #tpu.dot_dimension_numbers<[1], [0], [0], [1], [0, 0, 1, 1], [], []>, precision = #tpu.contract_precision<fp32>, transpose_lhs_hint = false} : vector<1000x192xf32>, vector<192x192xf32>, vector<1000x192xf32> -> vector<1000x192xf32>
    %get3A_118 = arith.constant 0 : index
    %get3A_119 = vector.load %arg20[%get3A_118] : memref<192xf32, #tpu.memory_space<vmem>>, vector<192xf32>
    %broadcast_in_dim3A_120 = vector.shape_cast %get3A_119 : vector<192xf32> to vector<1x192xf32>
    %add3A_121 = vector.broadcast %broadcast_in_dim3A_120 : vector<1x192xf32> to vector<1000x192xf32>
    %add3A_122 = arith.addf %dot_general3A_117, %add3A_121 : vector<1000x192xf32>
    %gt3A_123 = arith.constant 0.000000e+00 : f32
    %gt3A_124 = vector.broadcast %gt3A_123 : f32 to vector<1000x192xf32>
    %gt3A_125 = arith.cmpf ogt, %add3A_122, %gt3A_124 : vector<1000x192xf32>
    %mul3A_126 = arith.constant 0.00999999977 : f32
    %mul3A_127 = vector.broadcast %mul3A_126 : f32 to vector<1000x192xf32>
    %mul3A_128 = arith.mulf %mul3A_127, %add3A_122 : vector<1000x192xf32>
    %select_n3A_129 = arith.select %gt3A_125, %add3A_122, %mul3A_128 : vector<1000x192xi1>, vector<1000x192xf32>
    %swap3A = arith.constant 0 : index
    %swap3A_130 = arith.constant 0 : index
    %swap3A_131 = vector.load %arg21[%swap3A, %swap3A_130] : memref<1000x192xf32, #tpu.memory_space<vmem>>, vector<1000x192xf32>
    tpu.vector_store %arg21[%swap3A, %swap3A_130], %select_n3A_129 {strides = array<i32>} : memref<1000x192xf32, #tpu.memory_space<vmem>>, vector<1000x192xf32>,
    return
  }
  func.func @transform_0(%arg0: i32) -> (i32, i32) {
    %c0_i32 = arith.constant 0 : i32
    %c0_i32_0 = arith.constant 0 : i32
    return %arg0, %c0_i32 : i32, i32
  }
  func.func @transform_1(%arg0: i32) -> (i32, i32) {
    %c0_i32 = arith.constant 0 : i32
    %c0_i32_0 = arith.constant 0 : i32
    return %arg0, %c0_i32 : i32, i32
  }
  func.func @transform_2(%arg0: i32) -> (i32, i32) {
    %c0_i32 = arith.constant 0 : i32
    %c0_i32_0 = arith.constant 0 : i32
    return %arg0, %c0_i32 : i32, i32
  }
  func.func @transform_3(%arg0: i32) -> (i32, i32) {
    %c0_i32 = arith.constant 0 : i32
    %c0_i32_0 = arith.constant 0 : i32
    return %arg0, %c0_i32 : i32, i32
  }
  func.func @transform_4(%arg0: i32) -> (i32, i32) {
    %c0_i32 = arith.constant 0 : i32
    %c0_i32_0 = arith.constant 0 : i32
    return %arg0, %c0_i32 : i32, i32
  }
  func.func @transform_5(%arg0: i32) -> (i32, i32) {
    %c0_i32 = arith.constant 0 : i32
    %c0_i32_0 = arith.constant 0 : i32
    return %arg0, %c0_i32 : i32, i32
  }
  func.func @transform_6(%arg0: i32) -> (i32, i32) {
    %c0_i32 = arith.constant 0 : i32
    %c0_i32_0 = arith.constant 0 : i32
    %c0_i32_1 = arith.constant 0 : i32
    return %c0_i32, %c0_i32_0 : i32, i32
  }
  func.func @transform_7(%arg0: i32) -> i32 {
    %c0_i32 = arith.constant 0 : i32
    %c0_i32_0 = arith.constant 0 : i32
    return %c0_i32 : i32
  }
  func.func @transform_8(%arg0: i32) -> (i32, i32) {
    %c0_i32 = arith.constant 0 : i32
    %c0_i32_0 = arith.constant 0 : i32
    %c0_i32_1 = arith.constant 0 : i32
    return %c0_i32, %c0_i32_0 : i32, i32
  }
  func.func @transform_9(%arg0: i32) -> i32 {
    %c0_i32 = arith.constant 0 : i32
    %c0_i32_0 = arith.constant 0 : i32
    return %c0_i32 : i32
  }
  func.func @transform_10(%arg0: i32) -> (i32, i32) {
    %c0_i32 = arith.constant 0 : i32
    %c0_i32_0 = arith.constant 0 : i32
    %c0_i32_1 = arith.constant 0 : i32
    return %c0_i32, %c0_i32_0 : i32, i32
  }
  func.func @transform_11(%arg0: i32) -> i32 {
    %c0_i32 = arith.constant 0 : i32
    %c0_i32_0 = arith.constant 0 : i32
    return %c0_i32 : i32
  }
  func.func @transform_12(%arg0: i32) -> (i32, i32) {
    %c0_i32 = arith.constant 0 : i32
    %c0_i32_0 = arith.constant 0 : i32
    %c0_i32_1 = arith.constant 0 : i32
    return %c0_i32, %c0_i32_0 : i32, i32
  }
  func.func @transform_13(%arg0: i32) -> i32 {
    %c0_i32 = arith.constant 0 : i32
    %c0_i32_0 = arith.constant 0 : i32
    return %c0_i32 : i32
  }
  func.func @transform_14(%arg0: i32) -> (i32, i32) {
    %c0_i32 = arith.constant 0 : i32
    %c0_i32_0 = arith.constant 0 : i32
    %c0_i32_1 = arith.constant 0 : i32
    return %c0_i32, %c0_i32_0 : i32, i32
  }
  func.func @transform_15(%arg0: i32) -> i32 {
    %c0_i32 = arith.constant 0 : i32
    %c0_i32_0 = arith.constant 0 : i32
    return %c0_i32 : i32
  }
  func.func @transform_16(%arg0: i32) -> (i32, i32) {
    %c0_i32 = arith.constant 0 : i32
    %c0_i32_0 = arith.constant 0 : i32
    %c0_i32_1 = arith.constant 0 : i32
    return %c0_i32, %c0_i32_0 : i32, i32
  }
  func.func @transform_17(%arg0: i32) -> i32 {
    %c0_i32 = arith.constant 0 : i32
    %c0_i32_0 = arith.constant 0 : i32
    return %c0_i32 : i32
  }
  func.func @transform_18(%arg0: i32) -> (i32, i32) {
    %c0_i32 = arith.constant 0 : i32
    %c0_i32_0 = arith.constant 0 : i32
    %c0_i32_1 = arith.constant 0 : i32
    return %c0_i32, %c0_i32_0 : i32, i32
  }
  func.func @transform_19(%arg0: i32) -> i32 {
    %c0_i32 = arith.constant 0 : i32
    %c0_i32_0 = arith.constant 0 : i32
    return %c0_i32 : i32
  }
  func.func @transform_20(%arg0: i32) -> (i32, i32) {
    %c0_i32 = arith.constant 0 : i32
    %c0_i32_0 = arith.constant 0 : i32
    return %arg0, %c0_i32 : i32, i32
  }
}

module attributes {stable_mosaic.version = 14 : i64} {
  func.func @_prep_body(%arg0: i32, %arg1: memref<1024x192xf32, #tpu.memory_space<vmem>>, %arg2: memref<2x1024xf32, #tpu.memory_space<vmem>>, %arg3: memref<192x192xf32, #tpu.memory_space<vmem>>, %arg4: memref<1024x192xf32, #tpu.memory_space<vmem>>) attributes {dimension_semantics = [#tpu.dimension_semantics<arbitrary>], iteration_bounds = array<i64: 10>, scalar_prefetch = 0 : i64, scratch_operands = 0 : i64, tpu.core_type = #tpu.core_type<tc>, window_params = [{transform_indices = @transform_0, window_bounds = array<i64: 1024, 192>}, {transform_indices = @transform_1, window_bounds = array<i64: 2, 1024>}, {pipeline_mode = #tpu.pipeline_mode<synchronous>, transform_indices = @transform_2, window_bounds = array<i64: 192, 192>}, {transform_indices = @transform_3, window_bounds = array<i64: 1024, 192>}]} {
    %get3A = arith.constant 0 : index
    %get3A_0 = arith.constant 0 : index
    %get3A_1 = vector.load %arg2[%get3A, %get3A_0] : memref<2x1024xf32, #tpu.memory_space<vmem>>, vector<1x1024xf32>
    %get3A_2 = vector.shape_cast %get3A_1 : vector<1x1024xf32> to vector<1024xf32>
    %get3A_3 = arith.constant 1 : index
    %get3A_4 = arith.constant 0 : index
    %get3A_5 = vector.load %arg2[%get3A_3, %get3A_4] : memref<2x1024xf32, #tpu.memory_space<vmem>>, vector<1x1024xf32>
    %get3A_6 = vector.shape_cast %get3A_5 : vector<1x1024xf32> to vector<1024xf32>
    %add3A = arith.addf %get3A_2, %get3A_6 : vector<1024xf32>
    %add3A_7 = arith.constant 1.000000e+00 : f32
    %add3A_8 = vector.broadcast %add3A_7 : f32 to vector<1024xf32>
    %add3A_9 = arith.addf %add3A, %add3A_8 : vector<1024xf32>
    %rsqrt3A = math.rsqrt %add3A_9 : vector<1024xf32>
    %get3A_10 = arith.constant 0 : index
    %get3A_11 = arith.constant 0 : index
    %get3A_12 = vector.load %arg1[%get3A_10, %get3A_11] : memref<1024x192xf32, #tpu.memory_space<vmem>>, vector<1024x192xf32>
    %get3A_13 = arith.constant 0 : index
    %get3A_14 = arith.constant 0 : index
    %get3A_15 = vector.load %arg3[%get3A_13, %get3A_14] : memref<192x192xf32, #tpu.memory_space<vmem>>, vector<192x192xf32>
    %dot_general3A = arith.constant dense<0.000000e+00> : vector<1024x192xf32>
    %dot_general3A_16 = tpu.matmul %get3A_12, %get3A_15, %dot_general3A {dimension_numbers = #tpu.dot_dimension_numbers<[1], [0], [0], [1], [0, 0, 1, 1], [], []>, precision = #tpu.contract_precision<fp32>, transpose_lhs_hint = false} : vector<1024x192xf32>, vector<192x192xf32>, vector<1024x192xf32> -> vector<1024x192xf32>
    %broadcast_in_dim3A = vector.shape_cast %rsqrt3A : vector<1024xf32> to vector<1024x1xf32>
    %mul3A = vector.broadcast %broadcast_in_dim3A : vector<1024x1xf32> to vector<1024x192xf32>
    %mul3A_17 = arith.mulf %dot_general3A_16, %mul3A : vector<1024x192xf32>
    %swap3A = arith.constant 0 : index
    %swap3A_18 = arith.constant 0 : index
    %swap3A_19 = vector.load %arg4[%swap3A, %swap3A_18] : memref<1024x192xf32, #tpu.memory_space<vmem>>, vector<1024x192xf32>
    tpu.vector_store %arg4[%swap3A, %swap3A_18], %mul3A_17 {strides = array<i32>} : memref<1024x192xf32, #tpu.memory_space<vmem>>, vector<1024x192xf32>,
    return
  }
  func.func @transform_0(%arg0: i32) -> (i32, i32) {
    %c0_i32 = arith.constant 0 : i32
    %c0_i32_0 = arith.constant 0 : i32
    return %arg0, %c0_i32 : i32, i32
  }
  func.func @transform_1(%arg0: i32) -> (i32, i32) {
    %c0_i32 = arith.constant 0 : i32
    %c0_i32_0 = arith.constant 0 : i32
    return %c0_i32, %arg0 : i32, i32
  }
  func.func @transform_2(%arg0: i32) -> (i32, i32) {
    %c0_i32 = arith.constant 0 : i32
    %c0_i32_0 = arith.constant 0 : i32
    %c0_i32_1 = arith.constant 0 : i32
    return %c0_i32, %c0_i32_0 : i32, i32
  }
  func.func @transform_3(%arg0: i32) -> (i32, i32) {
    %c0_i32 = arith.constant 0 : i32
    %c0_i32_0 = arith.constant 0 : i32
    return %arg0, %c0_i32 : i32, i32
  }
}

module attributes {stable_mosaic.version = 14 : i64} {
  func.func @_mid_body(%arg0: i32, %arg1: memref<2x1024x96xf32, #tpu.memory_space<vmem>>, %arg2: memref<1024x192xf32, #tpu.memory_space<vmem>>, %arg3: memref<2x1024xf32, #tpu.memory_space<vmem>>, %arg4: memref<192xf32, #tpu.memory_space<vmem>>, %arg5: memref<192x192xf32, #tpu.memory_space<vmem>>, %arg6: memref<1024x192xf32, #tpu.memory_space<vmem>>) attributes {dimension_semantics = [#tpu.dimension_semantics<arbitrary>], iteration_bounds = array<i64: 10>, scalar_prefetch = 0 : i64, scratch_operands = 0 : i64, tpu.core_type = #tpu.core_type<tc>, window_params = [{transform_indices = @transform_0, window_bounds = array<i64: 2, 1024, 96>}, {transform_indices = @transform_1, window_bounds = array<i64: 1024, 192>}, {transform_indices = @transform_2, window_bounds = array<i64: 2, 1024>}, {pipeline_mode = #tpu.pipeline_mode<synchronous>, transform_indices = @transform_3, window_bounds = array<i64: 192>}, {pipeline_mode = #tpu.pipeline_mode<synchronous>, transform_indices = @transform_4, window_bounds = array<i64: 192, 192>}, {transform_indices = @transform_5, window_bounds = array<i64: 1024, 192>}]} {
    %get3A = arith.constant 0 : index
    %get3A_0 = arith.constant 0 : index
    %get3A_1 = vector.load %arg3[%get3A, %get3A_0] : memref<2x1024xf32, #tpu.memory_space<vmem>>, vector<1x1024xf32>
    %get3A_2 = vector.shape_cast %get3A_1 : vector<1x1024xf32> to vector<1024xf32>
    %get3A_3 = arith.constant 1 : index
    %get3A_4 = arith.constant 0 : index
    %get3A_5 = vector.load %arg3[%get3A_3, %get3A_4] : memref<2x1024xf32, #tpu.memory_space<vmem>>, vector<1x1024xf32>
    %get3A_6 = vector.shape_cast %get3A_5 : vector<1x1024xf32> to vector<1024xf32>
    %add3A = arith.addf %get3A_2, %get3A_6 : vector<1024xf32>
    %add3A_7 = arith.constant 1.000000e+00 : f32
    %add3A_8 = vector.broadcast %add3A_7 : f32 to vector<1024xf32>
    %add3A_9 = arith.addf %add3A, %add3A_8 : vector<1024xf32>
    %rsqrt3A = math.rsqrt %add3A_9 : vector<1024xf32>
    %get3A_10 = arith.constant 0 : index
    %get3A_11 = arith.constant 0 : index
    %get3A_12 = arith.constant 0 : index
    %get3A_13 = vector.load %arg1[%get3A_10, %get3A_11, %get3A_12] : memref<2x1024x96xf32, #tpu.memory_space<vmem>>, vector<1x1024x96xf32>
    %get3A_14 = vector.shape_cast %get3A_13 : vector<1x1024x96xf32> to vector<1024x96xf32>
    %get3A_15 = arith.constant 1 : index
    %get3A_16 = arith.constant 0 : index
    %get3A_17 = arith.constant 0 : index
    %get3A_18 = vector.load %arg1[%get3A_15, %get3A_16, %get3A_17] : memref<2x1024x96xf32, #tpu.memory_space<vmem>>, vector<1x1024x96xf32>
    %get3A_19 = vector.shape_cast %get3A_18 : vector<1x1024x96xf32> to vector<1024x96xf32>
    %concatenate3A = tpu.concatenate %get3A_14, %get3A_19 in 1 : vector<1024x96xf32>, vector<1024x96xf32> -> vector<1024x192xf32>
    %get3A_20 = arith.constant 0 : index
    %get3A_21 = arith.constant 0 : index
    %get3A_22 = vector.load %arg2[%get3A_20, %get3A_21] : memref<1024x192xf32, #tpu.memory_space<vmem>>, vector<1024x192xf32>
    %add3A_23 = arith.addf %concatenate3A, %get3A_22 : vector<1024x192xf32>
    %broadcast_in_dim3A = vector.shape_cast %rsqrt3A : vector<1024xf32> to vector<1024x1xf32>
    %mul3A = vector.broadcast %broadcast_in_dim3A : vector<1024x1xf32> to vector<1024x192xf32>
    %mul3A_24 = arith.mulf %add3A_23, %mul3A : vector<1024x192xf32>
    %get3A_25 = arith.constant 0 : index
    %get3A_26 = vector.load %arg4[%get3A_25] : memref<192xf32, #tpu.memory_space<vmem>>, vector<192xf32>
    %broadcast_in_dim3A_27 = vector.shape_cast %get3A_26 : vector<192xf32> to vector<1x192xf32>
    %add3A_28 = vector.broadcast %broadcast_in_dim3A_27 : vector<1x192xf32> to vector<1024x192xf32>
    %add3A_29 = arith.addf %mul3A_24, %add3A_28 : vector<1024x192xf32>
    %get3A_30 = arith.constant 0 : index
    %get3A_31 = arith.constant 0 : index
    %get3A_32 = vector.load %arg5[%get3A_30, %get3A_31] : memref<192x192xf32, #tpu.memory_space<vmem>>, vector<192x192xf32>
    %dot_general3A = arith.constant dense<0.000000e+00> : vector<1024x192xf32>
    %dot_general3A_33 = tpu.matmul %add3A_29, %get3A_32, %dot_general3A {dimension_numbers = #tpu.dot_dimension_numbers<[1], [0], [0], [1], [0, 0, 1, 1], [], []>, precision = #tpu.contract_precision<fp32>, transpose_lhs_hint = false} : vector<1024x192xf32>, vector<192x192xf32>, vector<1024x192xf32> -> vector<1024x192xf32>
    %broadcast_in_dim3A_34 = vector.shape_cast %rsqrt3A : vector<1024xf32> to vector<1024x1xf32>
    %mul3A_35 = vector.broadcast %broadcast_in_dim3A_34 : vector<1024x1xf32> to vector<1024x192xf32>
    %mul3A_36 = arith.mulf %dot_general3A_33, %mul3A_35 : vector<1024x192xf32>
    %swap3A = arith.constant 0 : index
    %swap3A_37 = arith.constant 0 : index
    %swap3A_38 = vector.load %arg6[%swap3A, %swap3A_37] : memref<1024x192xf32, #tpu.memory_space<vmem>>, vector<1024x192xf32>
    tpu.vector_store %arg6[%swap3A, %swap3A_37], %mul3A_36 {strides = array<i32>} : memref<1024x192xf32, #tpu.memory_space<vmem>>, vector<1024x192xf32>,
    return
  }
  func.func @transform_0(%arg0: i32) -> (i32, i32, i32) {
    %c0_i32 = arith.constant 0 : i32
    %c0_i32_0 = arith.constant 0 : i32
    %c0_i32_1 = arith.constant 0 : i32
    return %c0_i32, %arg0, %c0_i32_0 : i32, i32, i32
  }
  func.func @transform_1(%arg0: i32) -> (i32, i32) {
    %c0_i32 = arith.constant 0 : i32
    %c0_i32_0 = arith.constant 0 : i32
    return %arg0, %c0_i32 : i32, i32
  }
  func.func @transform_2(%arg0: i32) -> (i32, i32) {
    %c0_i32 = arith.constant 0 : i32
    %c0_i32_0 = arith.constant 0 : i32
    return %c0_i32, %arg0 : i32, i32
  }
  func.func @transform_3(%arg0: i32) -> i32 {
    %c0_i32 = arith.constant 0 : i32
    %c0_i32_0 = arith.constant 0 : i32
    return %c0_i32 : i32
  }
  func.func @transform_4(%arg0: i32) -> (i32, i32) {
    %c0_i32 = arith.constant 0 : i32
    %c0_i32_0 = arith.constant 0 : i32
    %c0_i32_1 = arith.constant 0 : i32
    return %c0_i32, %c0_i32_0 : i32, i32
  }
  func.func @transform_5(%arg0: i32) -> (i32, i32) {
    %c0_i32 = arith.constant 0 : i32
    %c0_i32_0 = arith.constant 0 : i32
    return %arg0, %c0_i32 : i32, i32
  }
}

module attributes {stable_mosaic.version = 14 : i64} {
  func.func @_final_body(%arg0: i32, %arg1: memref<2x1024x96xf32, #tpu.memory_space<vmem>>, %arg2: memref<1024x192xf32, #tpu.memory_space<vmem>>, %arg3: memref<2x1024xf32, #tpu.memory_space<vmem>>, %arg4: memref<192xf32, #tpu.memory_space<vmem>>, %arg5: memref<192x96xf32, #tpu.memory_space<vmem>>, %arg6: memref<96xf32, #tpu.memory_space<vmem>>, %arg7: memref<96x2xf32, #tpu.memory_space<vmem>>, %arg8: memref<2xf32, #tpu.memory_space<vmem>>, %arg9: memref<1024x96xf32, #tpu.memory_space<vmem>>, %arg10: memref<1024x2xf32, #tpu.memory_space<vmem>>) attributes {dimension_semantics = [#tpu.dimension_semantics<arbitrary>], iteration_bounds = array<i64: 10>, scalar_prefetch = 0 : i64, scratch_operands = 0 : i64, tpu.core_type = #tpu.core_type<tc>, window_params = [{transform_indices = @transform_0, window_bounds = array<i64: 2, 1024, 96>}, {transform_indices = @transform_1, window_bounds = array<i64: 1024, 192>}, {transform_indices = @transform_2, window_bounds = array<i64: 2, 1024>}, {pipeline_mode = #tpu.pipeline_mode<synchronous>, transform_indices = @transform_3, window_bounds = array<i64: 192>}, {pipeline_mode = #tpu.pipeline_mode<synchronous>, transform_indices = @transform_4, window_bounds = array<i64: 192, 96>}, {pipeline_mode = #tpu.pipeline_mode<synchronous>, transform_indices = @transform_5, window_bounds = array<i64: 96>}, {pipeline_mode = #tpu.pipeline_mode<synchronous>, transform_indices = @transform_6, window_bounds = array<i64: 96, 2>}, {pipeline_mode = #tpu.pipeline_mode<synchronous>, transform_indices = @transform_7, window_bounds = array<i64: 2>}, {transform_indices = @transform_8, window_bounds = array<i64: 1024, 96>}, {transform_indices = @transform_9, window_bounds = array<i64: 1024, 2>}]} {
    %get3A = arith.constant 0 : index
    %get3A_0 = arith.constant 0 : index
    %get3A_1 = vector.load %arg3[%get3A, %get3A_0] : memref<2x1024xf32, #tpu.memory_space<vmem>>, vector<1x1024xf32>
    %get3A_2 = vector.shape_cast %get3A_1 : vector<1x1024xf32> to vector<1024xf32>
    %get3A_3 = arith.constant 1 : index
    %get3A_4 = arith.constant 0 : index
    %get3A_5 = vector.load %arg3[%get3A_3, %get3A_4] : memref<2x1024xf32, #tpu.memory_space<vmem>>, vector<1x1024xf32>
    %get3A_6 = vector.shape_cast %get3A_5 : vector<1x1024xf32> to vector<1024xf32>
    %add3A = arith.addf %get3A_2, %get3A_6 : vector<1024xf32>
    %add3A_7 = arith.constant 1.000000e+00 : f32
    %add3A_8 = vector.broadcast %add3A_7 : f32 to vector<1024xf32>
    %add3A_9 = arith.addf %add3A, %add3A_8 : vector<1024xf32>
    %rsqrt3A = math.rsqrt %add3A_9 : vector<1024xf32>
    %get3A_10 = arith.constant 0 : index
    %get3A_11 = arith.constant 0 : index
    %get3A_12 = arith.constant 0 : index
    %get3A_13 = vector.load %arg1[%get3A_10, %get3A_11, %get3A_12] : memref<2x1024x96xf32, #tpu.memory_space<vmem>>, vector<1x1024x96xf32>
    %get3A_14 = vector.shape_cast %get3A_13 : vector<1x1024x96xf32> to vector<1024x96xf32>
    %get3A_15 = arith.constant 1 : index
    %get3A_16 = arith.constant 0 : index
    %get3A_17 = arith.constant 0 : index
    %get3A_18 = vector.load %arg1[%get3A_15, %get3A_16, %get3A_17] : memref<2x1024x96xf32, #tpu.memory_space<vmem>>, vector<1x1024x96xf32>
    %get3A_19 = vector.shape_cast %get3A_18 : vector<1x1024x96xf32> to vector<1024x96xf32>
    %concatenate3A = tpu.concatenate %get3A_14, %get3A_19 in 1 : vector<1024x96xf32>, vector<1024x96xf32> -> vector<1024x192xf32>
    %get3A_20 = arith.constant 0 : index
    %get3A_21 = arith.constant 0 : index
    %get3A_22 = vector.load %arg2[%get3A_20, %get3A_21] : memref<1024x192xf32, #tpu.memory_space<vmem>>, vector<1024x192xf32>
    %add3A_23 = arith.addf %concatenate3A, %get3A_22 : vector<1024x192xf32>
    %broadcast_in_dim3A = vector.shape_cast %rsqrt3A : vector<1024xf32> to vector<1024x1xf32>
    %mul3A = vector.broadcast %broadcast_in_dim3A : vector<1024x1xf32> to vector<1024x192xf32>
    %mul3A_24 = arith.mulf %add3A_23, %mul3A : vector<1024x192xf32>
    %get3A_25 = arith.constant 0 : index
    %get3A_26 = vector.load %arg4[%get3A_25] : memref<192xf32, #tpu.memory_space<vmem>>, vector<192xf32>
    %broadcast_in_dim3A_27 = vector.shape_cast %get3A_26 : vector<192xf32> to vector<1x192xf32>
    %add3A_28 = vector.broadcast %broadcast_in_dim3A_27 : vector<1x192xf32> to vector<1024x192xf32>
    %add3A_29 = arith.addf %mul3A_24, %add3A_28 : vector<1024x192xf32>
    %get3A_30 = arith.constant 0 : index
    %get3A_31 = arith.constant 0 : index
    %get3A_32 = vector.load %arg5[%get3A_30, %get3A_31] : memref<192x96xf32, #tpu.memory_space<vmem>>, vector<192x96xf32>
    %dot_general3A = arith.constant dense<0.000000e+00> : vector<1024x96xf32>
    %dot_general3A_33 = tpu.matmul %add3A_29, %get3A_32, %dot_general3A {dimension_numbers = #tpu.dot_dimension_numbers<[1], [0], [0], [1], [0, 0, 1, 1], [], []>, precision = #tpu.contract_precision<fp32>, transpose_lhs_hint = false} : vector<1024x192xf32>, vector<192x96xf32>, vector<1024x96xf32> -> vector<1024x96xf32>
    %get3A_34 = arith.constant 0 : index
    %get3A_35 = vector.load %arg6[%get3A_34] : memref<96xf32, #tpu.memory_space<vmem>>, vector<96xf32>
    %broadcast_in_dim3A_36 = vector.shape_cast %get3A_35 : vector<96xf32> to vector<1x96xf32>
    %add3A_37 = vector.broadcast %broadcast_in_dim3A_36 : vector<1x96xf32> to vector<1024x96xf32>
    %add3A_38 = arith.addf %dot_general3A_33, %add3A_37 : vector<1024x96xf32>
    %gt3A = arith.constant 0.000000e+00 : f32
    %gt3A_39 = vector.broadcast %gt3A : f32 to vector<1024x96xf32>
    %gt3A_40 = arith.cmpf ogt, %add3A_38, %gt3A_39 : vector<1024x96xf32>
    %mul3A_41 = arith.constant 0.00999999977 : f32
    %mul3A_42 = vector.broadcast %mul3A_41 : f32 to vector<1024x96xf32>
    %mul3A_43 = arith.mulf %mul3A_42, %add3A_38 : vector<1024x96xf32>
    %select_n3A = arith.select %gt3A_40, %add3A_38, %mul3A_43 : vector<1024x96xi1>, vector<1024x96xf32>
    %swap3A = arith.constant 0 : index
    %swap3A_44 = arith.constant 0 : index
    %swap3A_45 = vector.load %arg9[%swap3A, %swap3A_44] : memref<1024x96xf32, #tpu.memory_space<vmem>>, vector<1024x96xf32>
    tpu.vector_store %arg9[%swap3A, %swap3A_44], %select_n3A {strides = array<i32>} : memref<1024x96xf32, #tpu.memory_space<vmem>>, vector<1024x96xf32>,
    %get3A_46 = arith.constant 0 : index
    %get3A_47 = arith.constant 0 : index
    %get3A_48 = vector.load %arg7[%get3A_46, %get3A_47] : memref<96x2xf32, #tpu.memory_space<vmem>>, vector<96x2xf32>
    %dot_general3A_49 = arith.constant dense<0.000000e+00> : vector<1024x2xf32>
    %dot_general3A_50 = tpu.matmul %select_n3A, %get3A_48, %dot_general3A_49 {dimension_numbers = #tpu.dot_dimension_numbers<[1], [0], [0], [1], [0, 0, 1, 1], [], []>, precision = #tpu.contract_precision<fp32>, transpose_lhs_hint = false} : vector<1024x96xf32>, vector<96x2xf32>, vector<1024x2xf32> -> vector<1024x2xf32>
    %get3A_51 = arith.constant 0 : index
    %get3A_52 = vector.load %arg8[%get3A_51] : memref<2xf32, #tpu.memory_space<vmem>>, vector<2xf32>
    %broadcast_in_dim3A_53 = vector.shape_cast %get3A_52 : vector<2xf32> to vector<1x2xf32>
    %add3A_54 = vector.broadcast %broadcast_in_dim3A_53 : vector<1x2xf32> to vector<1024x2xf32>
    %add3A_55 = arith.addf %dot_general3A_50, %add3A_54 : vector<1024x2xf32>
    %swap3A_56 = arith.constant 0 : index
    %swap3A_57 = arith.constant 0 : index
    %swap3A_58 = vector.load %arg10[%swap3A_56, %swap3A_57] : memref<1024x2xf32, #tpu.memory_space<vmem>>, vector<1024x2xf32>
    tpu.vector_store %arg10[%swap3A_56, %swap3A_57], %add3A_55 {strides = array<i32>} : memref<1024x2xf32, #tpu.memory_space<vmem>>, vector<1024x2xf32>,
    return
  }
  func.func @transform_0(%arg0: i32) -> (i32, i32, i32) {
    %c0_i32 = arith.constant 0 : i32
    %c0_i32_0 = arith.constant 0 : i32
    %c0_i32_1 = arith.constant 0 : i32
    return %c0_i32, %arg0, %c0_i32_0 : i32, i32, i32
  }
  func.func @transform_1(%arg0: i32) -> (i32, i32) {
    %c0_i32 = arith.constant 0 : i32
    %c0_i32_0 = arith.constant 0 : i32
    return %arg0, %c0_i32 : i32, i32
  }
  func.func @transform_2(%arg0: i32) -> (i32, i32) {
    %c0_i32 = arith.constant 0 : i32
    %c0_i32_0 = arith.constant 0 : i32
    return %c0_i32, %arg0 : i32, i32
  }
  func.func @transform_3(%arg0: i32) -> i32 {
    %c0_i32 = arith.constant 0 : i32
    %c0_i32_0 = arith.constant 0 : i32
    return %c0_i32 : i32
  }
  func.func @transform_4(%arg0: i32) -> (i32, i32) {
    %c0_i32 = arith.constant 0 : i32
    %c0_i32_0 = arith.constant 0 : i32
    %c0_i32_1 = arith.constant 0 : i32
    return %c0_i32, %c0_i32_0 : i32, i32
  }
  func.func @transform_5(%arg0: i32) -> i32 {
    %c0_i32 = arith.constant 0 : i32
    %c0_i32_0 = arith.constant 0 : i32
    return %c0_i32 : i32
  }
  func.func @transform_6(%arg0: i32) -> (i32, i32) {
    %c0_i32 = arith.constant 0 : i32
    %c0_i32_0 = arith.constant 0 : i32
    %c0_i32_1 = arith.constant 0 : i32
    return %c0_i32, %c0_i32_0 : i32, i32
  }
  func.func @transform_7(%arg0: i32) -> i32 {
    %c0_i32 = arith.constant 0 : i32
    %c0_i32_0 = arith.constant 0 : i32
    return %c0_i32 : i32
  }
  func.func @transform_8(%arg0: i32) -> (i32, i32) {
    %c0_i32 = arith.constant 0 : i32
    %c0_i32_0 = arith.constant 0 : i32
    return %arg0, %c0_i32 : i32, i32
  }
  func.func @transform_9(%arg0: i32) -> (i32, i32) {
    %c0_i32 = arith.constant 0 : i32
    %c0_i32_0 = arith.constant 0 : i32
    return %arg0, %c0_i32 : i32, i32
  }
}

</mosaic_0001>

<sc_bundles>
// kernel: kernel.12.cloned.1.call-start
scs
__scs_entry_jumppad:
0x0: {  	(pc) =	sbr.rel $0x88, $3  }
0x1: {  	(tag) =	ssettag $0x0;
	lr =	simm.s32 $0x1  }
0x2: {  	[smem:$0x3F84] =	sst lr;
	_ =	strace $0xD0000000  }
0x3: {  	_ = 	snop  }
0x4: {  	_ = 	snop  }
0x5: {  	_ = 	snop  }
0x6: {  	_ = 	snop  }
0x7: {  	_ = 	snop  }
__scs_overlays_trampoline_lowered:
0x8: {  	[smem:$0x3F93] =	sst s0  }
0x9: {  	[smem:$0x3F94] =	sst s1  }
0xa: {  	[smem:$0x3F95] =	sst s2  }
0xb: {  	[smem:$0x3F96] =	sst s3  }
0xc: {  	[smem:$0x3F97] =	sst s4  }
0xd: {  	[smem:$0x3F98] =	sst s5  }
0xe: {  	[smem:$0x3F99] =	sst s6  }
0xf: {  	[smem:$0x3F9A] =	sst s7  }
0x10: {  	[smem:$0x3F9B] =	sst s8  }
0x11: {  	[smem:$0x3F9C] =	sst s9;
	s0 =	simm.s32 @!p0 $0x0  }
0x12: {  	s1 =	sld [smem:$0x3F82];
	s0 =	simm.s32 @p0 $0x1  }
0x13: {  	[smem:$0x3F9D] =	sst s0;
	s0 =	simm.s32 @!p1 $0x0  }
0x14: {  	s2 =	sld [smem:$0x3F81];
	s0 =	simm.s32 @p1 $0x1  }
0x15: {  	[smem:$0x3F9E] =	sst s0;
	s0 =	simm.s32 @!p2 $0x0  }
0x16: {  	s3 =	sld [smem:$0x3FDB];
	s0 =	simm.s32 @p2 $0x1  }
0x17: {  	s4 =	simm.s32 $0x1BF5;
	[smem:$0x3FA0] =	sst s0  }
0x18: {  	s0 =	sld [smem:$0x3F83];
	_ =	swait.ge [sflag:s4], $0x0  }
0x19: {  	s7 =	sld [smem:$0x3F84]  }
0x1a: {  	s8 =	sadd.s32 $0xFFFFE003, lr  }
0x1b: {  	s9 =	sadd.s32 $0xFFFFFEF7, lr;
	s5 =	simm.s32 $0xFFFFFFFF;
	p2 =	slt.u32 s8, $0xFFFFF086  }
0x1c: {  	p1 =	slt.u32 s9, $0xF7A;
	s5 =	simm.s32 @!p2 $0x0  }
0x1d: {  	s5 =	simm.s32 @p1 $0x1;
	p0 =	seq.s32 s7, s2  }
0x1e: {  	s7 =	smul.u32 @!p0 $0xF7A, s2;
	p2 =	seq.s32 @!p0 s5, $0x0  }
0x1f: {  	s9 =	smul.u32 $0xF7A, s1;
	s8 =	simm.s32 @!p0 $0x1BF5;
	p2 =	por !p2, p0  }
0x20: {  	[sflag:s8] =	ssyncset.s32 @!p0 $0xFFFFF086;
	s6 =	sadd.s32 @!p0 s3, s7;
	s7 =	simm.s32 @!p0 $0x108  }
0x21: {  	s3 =	sadd.s32 s3, s9;
	s6 =	sadd.s32 @!p0 $0x88, s6;
	s7 =	simm.s32 @p2 $0x1082  }
0x22: {  	[simem:s7], [sflag:s8] =	dma.local @!p0 [hbm:s6], $0xF7A  }
0x23: {  	s9 =	sor.u32 $0xD0000000, s2;
	s6 =	simm.s32 $0x108;
	_ =	swait.ge @!p0 [sflag:s8], $0x0  }
0x24: {  	s3 =	sadd.s32 $0x88, s3;
	s6 =	simm.s32 @!p1 $0x1082;
	[sflag:s4] =	ssyncset.s32 $0xFFFFF086  }
0x25: {  	[simem:s6], [sflag:s4] =	dma.local [hbm:s3], $0xF7A  }
0x26: {  	[smem:$0x3F84] =	sst s1;
	(tag) =	ssettag s2;
	_ =	strace s9  }
0x27: {  	s1 =	sld [smem:$0x3F94]  }
0x28: {  	s2 =	sld [smem:$0x3F95]  }
0x29: {  	s4 =	sld [smem:$0x3F97]  }
0x2a: {  	p0 =	seq.s32 s5, $0x0;
	s5 =	sld [smem:$0x3F98]  }
0x2b: {  	s6 =	sld [smem:$0x3F99]  }
0x2c: {  	s7 =	sld [smem:$0x3F9A]  }
0x2d: {  	s3 =	simm.s32 $0x108;
	s8 =	sld [smem:$0x3F9B]  }
0x2e: {  	s3 =	simm.s32 @!p0 $0x1082;
	s9 =	sld [smem:$0x3F9C]  }
0x2f: {  	lr =	sadd.s32 s0, s3;
	s0 =	sld [smem:$0x3F93]  }
0x30: {  	s3 =	sld [smem:$0x3F96]  }
0x31: {  	[smem:$0x3F9F] =	sst s10  }
0x32: {  	s10 =	sld [smem:$0x3F9D];
	_ =	sdelay $0x3  }
0x33: {  	p0 =	seq.s32 s10, $0x1;
	s10 =	sld [smem:$0x3F9F];
	_ =	sdelay $0x3  }
0x34: {  	[smem:$0x3F9F] =	sst s10  }
0x35: {  	s10 =	sld [smem:$0x3F9E];
	_ =	sdelay $0x3  }
0x36: {  	p1 =	seq.s32 s10, $0x1;
	s10 =	sld [smem:$0x3F9F];
	_ =	sdelay $0x3  }
0x37: {  	[smem:$0x3F9F] =	sst s10  }
0x38: {  	s10 =	sld [smem:$0x3FA0]  }
0x39: {  	_ = 	snop;
	(pc) =	sbr.ind lr, $3  }
0x3a: {  	_ = 	snop  }
0x3b: {  	_ = 	snop  }
0x3c: {  	p2 =	seq.s32 s10, $0x1;
	s10 =	sld [smem:$0x3F9F]  }
0x3d: {  	_ =	shalt  }
0x3e: {  	_ =	shalt  }
0x3f: {  	_ =	shalt  }
0x40: {  	_ =	shalt  }
0x41: {  	_ =	shalt  }
0x42: {  	_ =	shalt  }
0x43: {  	_ =	shalt  }
0x44: {  	_ =	shalt  }
0x45: {  	_ =	shalt  }
0x46: {  	_ =	shalt  }
0x47: {  	_ =	shalt  }
0x48: {  	_ =	shalt  }
0x49: {  	_ =	shalt  }
0x4a: {  	_ =	shalt  }
0x4b: {  	_ =	shalt  }
0x4c: {  	_ =	shalt  }
0x4d: {  	_ =	shalt  }
0x4e: {  	_ =	shalt  }
0x4f: {  	_ =	shalt  }
0x50: {  	_ =	shalt  }
0x51: {  	_ =	shalt  }
0x52: {  	_ =	shalt  }
0x53: {  	_ =	shalt  }
0x54: {  	_ =	shalt  }
0x55: {  	_ =	shalt  }
0x56: {  	_ =	shalt  }
0x57: {  	_ =	shalt  }
0x58: {  	_ =	shalt  }
0x59: {  	_ =	shalt  }
0x5a: {  	_ =	shalt  }
0x5b: {  	_ =	shalt  }
0x5c: {  	_ =	shalt  }
0x5d: {  	_ =	shalt  }
0x5e: {  	_ =	shalt  }
0x5f: {  	_ =	shalt  }
0x60: {  	_ =	shalt  }
0x61: {  	_ =	shalt  }
0x62: {  	_ =	shalt  }
0x63: {  	_ =	shalt  }
0x64: {  	_ =	shalt  }
0x65: {  	_ =	shalt  }
0x66: {  	_ =	shalt  }
0x67: {  	_ =	shalt  }
0x68: {  	_ =	shalt  }
0x69: {  	_ =	shalt  }
0x6a: {  	_ =	shalt  }
0x6b: {  	_ =	shalt  }
0x6c: {  	_ =	shalt  }
0x6d: {  	_ =	shalt  }
0x6e: {  	_ =	shalt  }
0x6f: {  	_ =	shalt  }
0x70: {  	_ =	shalt  }
0x71: {  	_ =	shalt  }
0x72: {  	_ =	shalt  }
0x73: {  	_ =	shalt  }
0x74: {  	_ =	shalt  }
0x75: {  	_ =	shalt  }
0x76: {  	_ =	shalt  }
0x77: {  	_ =	shalt  }
0x78: {  	_ =	shalt  }
0x79: {  	_ =	shalt  }
0x7a: {  	_ =	shalt  }
0x7b: {  	_ =	shalt  }
0x7c: {  	_ =	shalt  }
0x7d: {  	_ =	shalt  }
0x7e: {  	_ =	shalt  }
0x7f: {  	_ =	shalt  }
0x80: {  	_ =	shalt  }
0x81: {  	_ =	shalt  }
0x82: {  	_ =	shalt  }
0x83: {  	_ =	shalt  }
0x84: {  	_ =	shalt  }
0x85: {  	_ =	shalt  }
0x86: {  	_ =	shalt  }
0x87: {  	_ =	shalt  }
.Lfunc_end0:
.L_simem_size_0:
called_computation.1_lowered:
.L_overlay_start_0:
0x88: {  	s2 =	sld [smem:$0x3FD9]  }
0x89: {  	s3 =	sld [smem:$0x3FFE];
	_ =	sdelay $0x1  }
0x8a: {  	s1 =	srdreg.scid  }
0x8b: {  	s0 =	sand.u32 $0x1, s1  }
0x8c: {  	s14 =	sshll.u32 s0, $0xA;
	s2 =	sadd.s32 s3, s2  }
0x8d: {  	s2 =	sadd.s32 s2, s14  }
0x8e: {  	[smem:$0x3FAB] =	sst s2  }
0x8f: {  	_ = 	snop  }
0x90: {  	s2 =	sld [smem:$0x3FD0];
	_ =	sdelay $0x2  }
0x91: {  	s15 =	simm.s32 $0xA;
	s4 =	simm.s32 $0x10  }
0x92: {  	[smem:s4], [sflag:s15] =	dma.local [hbm:s2], $0x1  }
0x93: {  	_ =	swait.eq [sflag:s15], $0x1  }
0x94: {  	[sflag:s15] =	ssyncset.done $0x0  }
0x95: {  	s16 =	sld [smem:$0x10];
	[sflag:s15] =	ssyncadd.s32 $0xFFFFFFFF  }
0x96: {  	s17 =	sld [smem:$0x11];
	(tm) =	ssettm $0x1  }
0x97: {  	s18 =	sld [smem:$0x3FFB];
	_ =	sdelay $0x3  }
0x98: {  	_ =	strace s18  }
0x99: {  	s4 =	sld [smem:$0x3FFC];
	_ =	sdelay $0x3  }
0x9a: {  	_ =	strace s4  }
0x9b: {  	s4 =	sld [smem:$0x3FFD];
	_ =	sdelay $0x3  }
0x9c: {  	_ =	strace s4  }
0x9d: {  	_ =	strace $0x8FFFFFFF  }
0x9e: {  	s19 =	sld [smem:$0x3FDB];
	_ =	sdelay $0x1  }
0x9f: {  	s5 =	simm.s32 $_scs_section_size  }
0xa0: {  	s6 =	simm.s32 $_size__tile_overlayer_lowered;
	s7 =	simm.s32 $_tile_overlayer_lowered  }
0xa1: {  	s22 =	simm.s32 $0x1BFF;
	s21 =	sshll.u32 s7, $0x1;
	s4 =	sadd.s32 s5, s19  }
0xa2: {  	s8 =	simm.s32 $0x0;
	s20 =	sshll.u32 s6, $0x1;
	s6 =	sadd.s32 s21, s4  }
0xa3: {  	[timem:s8], [sflag:s22] =	dma.local [hbm:s6], s20  }
0xa4: {  	_ =	swait.ge [sflag:s22], s20  }
0xa5: {  	s5 =	ssub.s32 $0x0, s20;
	[sflag:s22] =	ssyncset.done $0x0  }
0xa6: {  	[sflag:s22] =	ssyncadd.s32 s5;
	_ =	sdelay $0x1  }
0xa7: {  	s23 =	simm.s32 $0x1B8B  }
0xa8: {  	_ =	swait.ge [sflag:s23], $0x1  }
0xa9: {  	[sflag:s23] =	ssyncset.done $0x0  }
0xaa: {  	s25 =	simm.s32 $0x1B8E;
	s24 =	sld [smem:$0x3FFE];
	[sflag:s23] =	ssyncadd.s32 $0xFFFFFFFF  }
0xab: {  	s26 =	simm.s32 $execute0_lowered;
	[smem:$0x3FD2] =	sst s25  }
0xac: {  	s6 =	sshll.u32 s26, $0x1;
	_ =	strace $0x80000049;
	[dreg:$0x1] =	wrdreg $0xFFFFFFFF  }
0xad: {  	s28 =	simm.s32 $_size_execute0_lowered;
	s4 =	sadd.s32 s4, s6;
	[dreg:$0x0] =	wrdreg $0x0  }
0xae: {  	s6 =	sshll.u32 s28, $0x1;
	[dreg:$0x2] =	wrdreg s4  }
0xaf: {  	[dreg:$0x3] =	wrdreg s6  }
0xb0: {  	[dreg:$0x4] =	wrdreg $0xC0  }
0xb1: {  	_ =	task [dreg:s8], $0x5FFFF  }
0xb2: {  	[dreg:$0x1] =	wrdreg $0xFFFFFFFF  }
0xb3: {  	[dreg:$0x0] =	wrdreg $0x60  }
0xb4: {  	[dreg:$0x2] =	wrdreg s24  }
0xb5: {  	[dreg:$0x3] =	wrdreg s17  }
0xb6: {  	[dreg:$0x4] =	wrdreg s16  }
0xb7: {  	[dreg:$0x5] =	wrdreg $0x101000  }
0xb8: {  	[dreg:$0x6] =	wrdreg $0x9  }
0xb9: {  	_ =	task.clear_ibuf [dreg:s8], $0x7FFFF;
	_ =	strace $0x90000049  }
0xba: {  	s29 =	simm.s32 $0x9;
	_ =	strace $0x8000004B  }
0xbb: {  	_ =	swait.ge [sflag:s29], $0x1  }
0xbc: {  	[sflag:s29] =	ssyncadd.s32 $0xFFFFFFFF  }
0xbd: {  	_ =	strace $0x9000004B  }
0xbe: {  	_ =	sfence  }
0xbf: {  	s30 =	sld [smem:$0x0];
	_ =	sdelay $0x2  }
0xc0: {  	s31 =	sshll.u32 s1, $0xD;
	s1 =	sshrl.u32 s1, $0x2  }
0xc1: {  	s3 =	sand.u32 $0x4000, s31;
	s1 =	sadd.s32 s1, s30  }
0xc2: {  	s0 =	sor.u32 s3, s0;
	s1 =	sshll.u32 s1, $0x11  }
0xc3: {  	s0 =	sor.u32 s1, s0  }
0xc4: {  	s0 =	sadd.s32 $0x8F2B, s0  }
0xc5: {  	[sflag:s0] =	ssyncadd.remote.s32 $0x1  }
0xc6: {  	_ =	sfence.sel $0xFFFF  }
0xc7: {  	[dreg:$0x0] =	wrdreg $0xFFFFFFFF;
	(pc) =	sbr.abs _section_cstart, $3  }
0xc8: {  	[dreg:$0x1] =	wrdreg $0xFFFFFFFF  }
0xc9: {  	_ =	task.clear_ibuf [dreg:s8], $0x2FFFF;
	_ =	strace $0x9FFFFFFF  }
0xca: {  	(tm) =	ssettm $0x7FFFFFFF  }
0xcb: {  	_ =	shalt  }
tec
execute0_lowered:
.L_overlay_start_1:
0x0: {  	(tag) =	ssettag $0x1  }
0x1: {  	s16 =	stileid.u32;
	s0 =	srdreg.scid  }
0x2: {  	s6 =	rddreg [dreg:$0x0];
	s2 =	smul.u32 $0x280, s16  }
0x3: {  	s4 =	rddreg [dreg:$0x1];
	s5 =	smul.u32 $0x5100, s16  }
0x4: {  	s1 =	simm.s32 $0x0;
	s0 =	sand.u32 $0x1, s0;
	s10 =	smul.u32 $0xF000, s16  }
0x5: {  	[smem:$0x7FF] =	sst s1;
	s3 =	smul.u32 $0x51000, s0  }
0x6: {  	s7 =	sadd.s32 $0x99A00, s6;
	s8 =	smul.u32 $0xF0000, s0;
	s9 =	ssub.s32 $0x2, s0  }
0x7: {  	s11 =	sor.u32 $0x40, s2;
	s12 =	sshrl.u32 s9, $0x1;
	s3 =	sadd.s32 s5, s3  }
0x8: {  	s0 =	smul.u32 $0x60, s11;
	s9 =	ssub.s32 s9, s12;
	s12 =	sadd.s32 $0x80, s2  }
0x9: {  	s15 =	sadd.s32 s8, s10;
	s3 =	sshrl.u32 s3, $0x3;
	s2 =	smul.u32 $0x60, s12  }
0xa: {  	s17 =	sshrl.u32 s15, $0x3;
	s15 =	sadd.s32 $0x9000, s10;
	s9 =	smax.u32 s9, $0x1  }
0xb: {  	s13 =	sadd.s32 s8, s0;
	s3 =	sadd.s32 s4, s3;
	s4 =	sadd.s32 $0x6000, s10  }
0xc: {  	s25 =	sadd.s32 s8, s15;
	[dreg:$0x5] =	wrdreg s3;
	s18 =	sshrl.u32 s13, $0x3  }
0xd: {  	s3 =	sadd.s32 s7, s17;
	s20 =	sadd.s32 s8, s2;
	s23 =	sadd.s32 s8, s4  }
0xe: {  	s17 =	sadd.s32 $0xA800, s10;
	[dreg:$0x6] =	wrdreg s3;
	s19 =	sadd.s32 s7, s18  }
0xf: {  	s21 =	sshrl.u32 s20, $0x3;
	s3 =	sadd.s32 $0x4800, s10;
	s13 =	sshrl.u32 s23, $0x3  }
0x10: {  	s26 =	sadd.s32 s8, s17;
	s18 =	sadd.s32 $0xC000, s10;
	s20 =	smul.u32 $0xA00, s16  }
0x11: {  	s23 =	smul.u32 $0x180, s12;
	[dreg:$0x7] =	wrdreg s19;
	s5 =	sadd.s32 s7, s21  }
0x12: {  	s22 =	sadd.s32 s8, s3;
	[dreg:$0x8] =	wrdreg s5;
	s5 =	sadd.s32 $0x7800, s10  }
0x13: {  	s13 =	sadd.s32 s7, s13;
	s14 =	sshrl.u32 s22, $0x3;
	s24 =	sadd.s32 s8, s5  }
0x14: {  	[dreg:$0xa] =	wrdreg s13;
	s14 =	sadd.s32 s7, s14;
	s13 =	sshrl.u32 s24, $0x3  }
0x15: {  	[dreg:$0x9] =	wrdreg s14;
	s14 =	sshrl.u32 s26, $0x3;
	s13 =	sadd.s32 s7, s13  }
0x16: {  	s19 =	sadd.s32 s8, s18;
	s14 =	sadd.s32 s7, s14;
	[dreg:$0xb] =	wrdreg s13  }
0x17: {  	s21 =	sadd.s32 s20, s6;
	s13 =	sshrl.u32 s25, $0x3;
	[dreg:$0xd] =	wrdreg s14  }
0x18: {  	s22 =	smul.u32 $0x180, s11;
	s14 =	rddreg [dreg:$0x3];
	s13 =	sadd.s32 s7, s13  }
0x19: {  	[dreg:$0xc] =	wrdreg s13;
	s13 =	sshrl.u32 s19, $0x3;
	s19 =	sadd.s32 $0xD800, s10  }
0x1a: {  	s31 =	sadd.s32 s0, s14;
	s0 =	sadd.s32 s3, s14;
	s8 =	sadd.s32 s8, s19  }
0x1b: {  	s3 =	sadd.s32 s15, s14;
	s13 =	sadd.s32 s7, s13;
	s8 =	sshrl.u32 s8, $0x3  }
0x1c: {  	s15 =	simm.s32 $0xE900;
	[dreg:$0xe] =	wrdreg s13;
	s7 =	sadd.s32 s7, s8  }
0x1d: {  	s10 =	sadd.s32 s10, s14;
	s8 =	sadd.s32 $0x3A00, s21;
	[dreg:$0xf] =	wrdreg s7  }
0x1e: {  	s7 =	smul.u32 $0x3C000, s16;
	_ =	strace $0x8000004A;
	[dreg:$0x10] =	wrdreg s8  }
0x1f: {  	s16 =	sadd.s32 $0x5DA00, s6;
	s6 =	sshrl.u32 s22, $0x2;
	[dreg:$0x11] =	wrdreg s10  }
0x20: {  	[dreg:$0x12] =	wrdreg s9;
	s8 =	sshrl.u32 s23, $0x2;
	s6 =	sadd.s32 s6, s14  }
0x21: {  	s9 =	simm.s32 $0x40;
	s24 =	sshrl.u32 s7, $0x2;
	s26 =	sadd.s32 $0x12000, s7  }
0x22: {  	[dreg:$0x14] =	wrdreg s6;
	s10 =	sadd.s32 s8, s14;
	s12 =	sadd.s32 $0x18000, s7  }
0x23: {  	s13 =	sadd.s32 $0x1E000, s7;
	s20 =	sadd.s32 $0x24000, s7;
	s22 =	sadd.s32 $0x2A000, s7  }
0x24: {  	s23 =	sadd.s32 $0x30000, s7;
	s7 =	sadd.s32 $0x36000, s7;
	s25 =	sadd.s32 s24, s14  }
0x25: {  	[dreg:$0x15] =	wrdreg s10;
	s11 =	sshrl.u32 s26, $0x2;
	s8 =	sshrl.u32 s13, $0x2  }
0x26: {  	s21 =	sshrl.u32 s20, $0x2;
	s24 =	sshrl.u32 s7, $0x2;
	s7 =	simm.s32 $0xA100  }
0x27: {  	s10 =	simm.s32 $0xB900;
	s13 =	simm.s32 $0xD100;
	s20 =	simm.s32 $0x4  }
0x28: {  	[dreg:$0x13] =	wrdreg s25;
	s6 =	sadd.s32 s11, s14;
	s25 =	sadd.s32 s8, s14  }
0x29: {  	s26 =	sadd.s32 s21, s14;
	s8 =	sshrl.u32 s23, $0x2;
	s30 =	sadd.s32 s24, s14  }
0x2a: {  	s11 =	sadd.s32 s2, s14;
	s2 =	sadd.s32 s5, s14;
	s5 =	sadd.s32 s18, s14  }
0x2b: {  	s18 =	simm.s32 $0x2;
	s21 =	simm.s32 $0x0;
	[dreg:$0x16] =	wrdreg s6  }
0x2c: {  	s6 =	sshrl.u32 s12, $0x2;
	s29 =	sadd.s32 s8, s14;
	s12 =	sadd.s32 s4, s14  }
0x2d: {  	s4 =	sadd.s32 s17, s14;
	s8 =	simm.s32 $0x5;
	s6 =	sadd.s32 s6, s14  }
0x2e: {  	s17 =	simm.s32 $0x1;
	[dreg:$0x17] =	wrdreg s6;
	s6 =	sshrl.u32 s22, $0x2  }
0x2f: {  	s28 =	sadd.s32 s6, s14;
	s6 =	sadd.s32 s19, s14;
	s19 =	simm.s32 $0x3  }
.LBB2_1:
0x30: {  	s22 =	rddreg [dreg:$0x2]  }
0x31: {  	[tilespmem:s7], [sflag:$0x5] =	stream.linear.gather [hbm4b:s22+s1], $0x1800, $0x38;
	[tilespmem:$0x1F100] =	vst v63  }
0x32: {  	_ =	swait.ge [sflag:s8], $0x1800  }
0x33: {  	[sflag:s8] =	ssyncset.done $0x0  }
0x34: {  	s24 =	rddreg [dreg:$0x13];
	[sflag:s8] =	ssyncadd.s32 $0xFFFFE800  }
0x35: {  	[spmem:s24] =	stream.linear.scatter [tilespmem:s7], [sflag:$0x5], $0x1800, $0x38;
	[tilespmem:$0x1F100] =	vst v63  }
0x36: {  	_ =	swait.ge [sflag:s8], $0x1800  }
0x37: {  	[sflag:s8] =	ssyncset.done $0x0  }
0x38: {  	s23 =	rddreg [dreg:$0x14];
	[sflag:s8] =	ssyncadd.s32 $0xFFFFE800  }
0x39: {  	[spmem:s23] =	stream.linear.scatter [tilespmem:s7], [sflag:$0x5], $0x1800, $0x38;
	[tilespmem:$0x1F100] =	vst v63  }
0x3a: {  	_ =	swait.ge [sflag:s8], $0x1800  }
0x3b: {  	[sflag:s8] =	ssyncset.done $0x0  }
0x3c: {  	s24 =	rddreg [dreg:$0x15];
	[sflag:s8] =	ssyncadd.s32 $0xFFFFE800  }
0x3d: {  	[spmem:s24] =	stream.linear.scatter [tilespmem:s7], [sflag:$0x5], $0x1800, $0x38;
	[tilespmem:$0x1F100] =	vst v63  }
0x3e: {  	_ =	swait.ge [sflag:s8], $0x1800  }
0x3f: {  	[sflag:s8] =	ssyncset.done $0x0  }
0x40: {  	s23 =	rddreg [dreg:$0x16];
	[sflag:s8] =	ssyncadd.s32 $0xFFFFE800  }
0x41: {  	[spmem:s23] =	stream.linear.scatter [tilespmem:s7], [sflag:$0x5], $0x1800, $0x38;
	[tilespmem:$0x1F100] =	vst v63  }
0x42: {  	_ =	swait.ge [sflag:s8], $0x1800  }
0x43: {  	[sflag:s8] =	ssyncset.done $0x0  }
0x44: {  	s24 =	rddreg [dreg:$0x17];
	[sflag:s8] =	ssyncadd.s32 $0xFFFFE800  }
0x45: {  	[spmem:s24] =	stream.linear.scatter [tilespmem:s7], [sflag:$0x5], $0x1800, $0x38;
	[tilespmem:$0x1F100] =	vst v63  }
0x46: {  	_ =	swait.ge [sflag:s8], $0x1800  }
0x47: {  	[sflag:s8] =	ssyncset.done $0x0  }
0x48: {  	[sflag:s8] =	ssyncadd.s32 $0xFFFFE800  }
0x49: {  	[spmem:s25] =	stream.linear.scatter [tilespmem:s7], [sflag:$0x5], $0x1800, $0x38;
	[tilespmem:$0x1F100] =	vst v63  }
0x4a: {  	_ =	swait.ge [sflag:s8], $0x1800  }
0x4b: {  	[sflag:s8] =	ssyncset.done $0x0  }
0x4c: {  	[sflag:s8] =	ssyncadd.s32 $0xFFFFE800  }
0x4d: {  	[spmem:s26] =	stream.linear.scatter [tilespmem:s7], [sflag:$0x5], $0x1800, $0x38;
	[tilespmem:$0x1F100] =	vst v63  }
0x4e: {  	_ =	swait.ge [sflag:s8], $0x1800  }
0x4f: {  	[sflag:s8] =	ssyncset.done $0x0  }
0x50: {  	[sflag:s8] =	ssyncadd.s32 $0xFFFFE800  }
0x51: {  	[spmem:s28] =	stream.linear.scatter [tilespmem:s7], [sflag:$0x5], $0x1800, $0x38;
	[tilespmem:$0x1F100] =	vst v63  }
0x52: {  	_ =	swait.ge [sflag:s8], $0x1800  }
0x53: {  	[sflag:s8] =	ssyncset.done $0x0  }
0x54: {  	[sflag:s8] =	ssyncadd.s32 $0xFFFFE800  }
0x55: {  	[spmem:s29] =	stream.linear.scatter [tilespmem:s7], [sflag:$0x5], $0x1800, $0x38;
	[tilespmem:$0x1F100] =	vst v63  }
0x56: {  	_ =	swait.ge [sflag:s8], $0x1800  }
0x57: {  	[sflag:s8] =	ssyncset.done $0x0  }
0x58: {  	[sflag:s8] =	ssyncadd.s32 $0xFFFFE800  }
0x59: {  	[spmem:s30] =	stream.linear.scatter [tilespmem:s7], [sflag:$0x5], $0x1800, $0x38;
	[tilespmem:$0x1F100] =	vst v63  }
0x5a: {  	_ =	swait.ge [sflag:s8], $0x1800  }
0x5b: {  	[sflag:s8] =	ssyncset.done $0x0  }
0x5c: {  	s23 =	rddreg [dreg:$0x5];
	[sflag:s8] =	ssyncadd.s32 $0xFFFFE800  }
0x5d: {  	[tilespmem:s1], [sflag:$0x5] =	stream.linear.gather [hbm4b:s23+s1], $0x5100, $0x38;
	[tilespmem:$0x1F100] =	vst v63  }
0x5e: {  	_ =	swait.ge [sflag:s8], $0x5100  }
0x5f: {  	[sflag:s8] =	ssyncset.done $0x0  }
0x60: {  	s23 =	simm.s32 $0x5100;
	s24 =	rddreg [dreg:$0x10];
	[sflag:s8] =	ssyncadd.s32 $0xFFFFAF00  }
0x61: {  	[tilespmem:s23], [sflag:$0x5] =	stream.linear.gather [hbm4b:s24+s1], $0x5000, $0x38;
	[tilespmem:$0x1F100] =	vst v63  }
0x62: {  	_ =	swait.ge [sflag:s8], $0x5000  }
0x63: {  	[sflag:s8] =	ssyncset.done $0x0  }
0x64: {  	[sflag:s8] =	ssyncadd.s32 $0xFFFFB000  }
0x65: {  	[bflag:$0x0] =	sbarrier.arrive $0xFFFF  }
0x66: {  	[tilespmem:s7], [sflag:$0x1] =	stream.indirect.gather [hbm4b:s16+s9], $0x60, s1, s9, $0xb8;
	[tilespmem:$0x1F100] =	vst v63  }
0x67: {  	_ = 	snop  }
0x68: {  	[tilespmem:s10], [sflag:$0x2] =	stream.indirect.gather [hbm4b:s16+s9], $0x60, s9, s9, $0xb8;
	[tilespmem:$0x1F100] =	vst v63  }
0x69: {  	s24 =	simm.s32 $0x80  }
0x6a: {  	[tilespmem:s13], [sflag:$0x3] =	stream.indirect.gather [hbm4b:s16+s9], $0x60, s24, s9, $0xb8;
	[tilespmem:$0x1F100] =	vst v63  }
0x6b: {  	s23 =	simm.s32 $0xC0  }
0x6c: {  	[tilespmem:s15], [sflag:$0x4] =	stream.indirect.gather [hbm4b:s16+s9], $0x60, s23, s9, $0xb8;
	[tilespmem:$0x1F100] =	vst v63  }
0x6d: {  	_ =	swait.ge [sflag:s17], $0x1800  }
0x6e: {  	[sflag:s17] =	ssyncset.done $0x0  }
0x6f: {  	s24 =	simm.s32 $0x5100;
	[sflag:s17] =	ssyncadd.s32 $0xFFFFE800  }
0x70: {  	[spmem:s14] =	stream.indirect.scatter.add.f32 [tilespmem:s7], [sflag:$0x5], $0x60, s24, s9, $0xb8;
	[tilespmem:$0x1F100] =	vst v63  }
0x71: {  	_ =	swait.ge [sflag:s8], $0x1800  }
0x72: {  	[sflag:s8] =	ssyncset.done $0x0  }
0x73: {  	s23 =	simm.s32 $0x100;
	[sflag:s8] =	ssyncadd.s32 $0xFFFFE800  }
0x74: {  	[tilespmem:s7], [sflag:$0x1] =	stream.indirect.gather [hbm4b:s16+s9], $0x60, s23, s9, $0xb8;
	[tilespmem:$0x1F100] =	vst v63  }
0x75: {  	_ =	swait.ge [sflag:s18], $0x1800  }
0x76: {  	[sflag:s18] =	ssyncset.done $0x0  }
0x77: {  	s24 =	simm.s32 $0x5140;
	[sflag:s18] =	ssyncadd.s32 $0xFFFFE800  }
0x78: {  	[spmem:s14] =	stream.indirect.scatter.add.f32 [tilespmem:s10], [sflag:$0x5], $0x60, s24, s9, $0xb8;
	[tilespmem:$0x1F100] =	vst v63  }
0x79: {  	_ =	swait.ge [sflag:s8], $0x1800  }
0x7a: {  	[sflag:s8] =	ssyncset.done $0x0  }
0x7b: {  	s23 =	simm.s32 $0x140;
	[sflag:s8] =	ssyncadd.s32 $0xFFFFE800  }
0x7c: {  	[tilespmem:s10], [sflag:$0x2] =	stream.indirect.gather [hbm4b:s16+s9], $0x60, s23, s9, $0xb8;
	[tilespmem:$0x1F100] =	vst v63  }
0x7d: {  	_ =	swait.ge [sflag:s19], $0x1800  }
0x7e: {  	[sflag:s19] =	ssyncset.done $0x0  }
0x7f: {  	s24 =	simm.s32 $0x5180;
	[sflag:s19] =	ssyncadd.s32 $0xFFFFE800  }
0x80: {  	[spmem:s14] =	stream.indirect.scatter.add.f32 [tilespmem:s13], [sflag:$0x5], $0x60, s24, s9, $0xb8;
	[tilespmem:$0x1F100] =	vst v63  }
0x81: {  	_ =	swait.ge [sflag:s8], $0x1800  }
0x82: {  	[sflag:s8] =	ssyncset.done $0x0  }
0x83: {  	s23 =	simm.s32 $0x180;
	[sflag:s8] =	ssyncadd.s32 $0xFFFFE800  }
0x84: {  	[tilespmem:s13], [sflag:$0x3] =	stream.indirect.gather [hbm4b:s16+s9], $0x60, s23, s9, $0xb8;
	[tilespmem:$0x1F100] =	vst v63  }
0x85: {  	_ =	swait.ge [sflag:s20], $0x1800  }
0x86: {  	[sflag:s20] =	ssyncset.done $0x0  }
0x87: {  	s24 =	simm.s32 $0x51C0;
	[sflag:s20] =	ssyncadd.s32 $0xFFFFE800  }
0x88: {  	[spmem:s14] =	stream.indirect.scatter.add.f32 [tilespmem:s15], [sflag:$0x5], $0x60, s24, s9, $0xb8;
	[tilespmem:$0x1F100] =	vst v63  }
0x89: {  	_ =	swait.ge [sflag:s8], $0x1800  }
0x8a: {  	[sflag:s8] =	ssyncset.done $0x0  }
0x8b: {  	s22 =	simm.s32 $0x400;
	s23 =	simm.s32 $0x1C0;
	[sflag:s8] =	ssyncadd.s32 $0xFFFFE800  }
.LBB2_2:
0x8c: {  	[tilespmem:s15], [sflag:$0x4] =	stream.indirect.gather [hbm4b:s16+s9], $0x60, s23, s9, $0xb8;
	[tilespmem:$0x1F100] =	vst v63  }
0x8d: {  	s23 =	smov.u32 s22  }
0x8e: {  	p0 =	sne.s32 s22, $0x13C00;
	s22 =	sadd.s32 $0x400, s22;
	_ =	swait.ge [sflag:s17], $0x1800  }
0x8f: {  	s23 =	sshra.s32 s23, $0x2;
	[sflag:s17] =	ssyncset.done $0x0  }
0x90: {  	s24 =	sadd.s32 $0x5100, s23;
	[sflag:s17] =	ssyncadd.s32 $0xFFFFE800  }
0x91: {  	[spmem:s14] =	stream.indirect.scatter.add.f32 [tilespmem:s7], [sflag:$0x5], $0x60, s24, s9, $0xb8;
	[tilespmem:$0x1F100] =	vst v63  }
0x92: {  	_ =	swait.ge [sflag:s8], $0x1800  }
0x93: {  	[sflag:s8] =	ssyncset.done $0x0  }
0x94: {  	s24 =	sadd.s32 $0x100, s23;
	[sflag:s8] =	ssyncadd.s32 $0xFFFFE800  }
0x95: {  	[tilespmem:s7], [sflag:$0x1] =	stream.indirect.gather [hbm4b:s16+s9], $0x60, s24, s9, $0xb8;
	[tilespmem:$0x1F100] =	vst v63  }
0x96: {  	_ =	swait.ge [sflag:s18], $0x1800  }
0x97: {  	[sflag:s18] =	ssyncset.done $0x0  }
0x98: {  	s24 =	sadd.s32 $0x5140, s23;
	[sflag:s18] =	ssyncadd.s32 $0xFFFFE800  }
0x99: {  	[spmem:s14] =	stream.indirect.scatter.add.f32 [tilespmem:s10], [sflag:$0x5], $0x60, s24, s9, $0xb8;
	[tilespmem:$0x1F100] =	vst v63  }
0x9a: {  	_ =	swait.ge [sflag:s8], $0x1800  }
0x9b: {  	[sflag:s8] =	ssyncset.done $0x0  }
0x9c: {  	s24 =	sadd.s32 $0x140, s23;
	[sflag:s8] =	ssyncadd.s32 $0xFFFFE800  }
0x9d: {  	[tilespmem:s10], [sflag:$0x2] =	stream.indirect.gather [hbm4b:s16+s9], $0x60, s24, s9, $0xb8;
	[tilespmem:$0x1F100] =	vst v63  }
0x9e: {  	_ =	swait.ge [sflag:s19], $0x1800  }
0x9f: {  	[sflag:s19] =	ssyncset.done $0x0  }
0xa0: {  	s24 =	sadd.s32 $0x5180, s23;
	[sflag:s19] =	ssyncadd.s32 $0xFFFFE800  }
0xa1: {  	[spmem:s14] =	stream.indirect.scatter.add.f32 [tilespmem:s13], [sflag:$0x5], $0x60, s24, s9, $0xb8;
	[tilespmem:$0x1F100] =	vst v63  }
0xa2: {  	_ =	swait.ge [sflag:s8], $0x1800  }
0xa3: {  	[sflag:s8] =	ssyncset.done $0x0  }
0xa4: {  	s24 =	sadd.s32 $0x180, s23;
	[sflag:s8] =	ssyncadd.s32 $0xFFFFE800  }
0xa5: {  	[tilespmem:s13], [sflag:$0x3] =	stream.indirect.gather [hbm4b:s16+s9], $0x60, s24, s9, $0xb8;
	[tilespmem:$0x1F100] =	vst v63  }
0xa6: {  	_ =	swait.ge [sflag:s20], $0x1800  }
0xa7: {  	[sflag:s20] =	ssyncset.done $0x0  }
.Ltmp0:
0xa8: {  	s24 =	sadd.s32 $0x51C0, s23;
	[sflag:s20] =	ssyncadd.s32 $0xFFFFE800;
	(pc) =	sbr.rel @p0 .LBB2_2-.Ltmp0, $4  }
0xa9: {  	[spmem:s14] =	stream.indirect.scatter.add.f32 [tilespmem:s15], [sflag:$0x5], $0x60, s24, s9, $0xb8;
	[tilespmem:$0x1F100] =	vst v63  }
0xaa: {  	_ =	swait.ge [sflag:s8], $0x1800  }
0xab: {  	[sflag:s8] =	ssyncset.done $0x0  }
0xac: {  	s23 =	sadd.s32 $0x1C0, s23;
	[sflag:s8] =	ssyncadd.s32 $0xFFFFE800  }
0xad: {  	[tilespmem:s15], [sflag:$0x4] =	stream.indirect.gather [hbm4b:s16+s9], $0x60, s23, s9, $0xb8;
	[tilespmem:$0x1F100] =	vst v63  }
0xae: {  	_ =	swait.ge [sflag:s17], $0x1800  }
0xaf: {  	[sflag:s17] =	ssyncset.done $0x0  }
0xb0: {  	[sflag:s17] =	ssyncadd.s32 $0xFFFFE800  }
0xb1: {  	_ =	swait.ge [sflag:s18], $0x1800  }
0xb2: {  	[sflag:s18] =	ssyncset.done $0x0  }
0xb3: {  	[sflag:s18] =	ssyncadd.s32 $0xFFFFE800  }
0xb4: {  	_ =	swait.ge [sflag:s19], $0x1800  }
0xb5: {  	[sflag:s19] =	ssyncset.done $0x0  }
0xb6: {  	[sflag:s19] =	ssyncadd.s32 $0xFFFFE800  }
0xb7: {  	_ =	swait.ge [sflag:s20], $0x1800  }
0xb8: {  	[sflag:s20] =	ssyncset.done $0x0  }
0xb9: {  	[sflag:s20] =	ssyncadd.s32 $0xFFFFE800  }
0xba: {  	[bflag:$0x0] =	sbarrier.arrive $0xFFFF  }
0xbb: {  	s22 =	rddreg [dreg:$0x11]  }
0xbc: {  	[tilespmem:s7], [sflag:$0x5] =	stream.linear.gather [spmem:s22], $0x1800, $0x38;
	[tilespmem:$0x1F100] =	vst v63  }
0xbd: {  	_ =	swait.ge [sflag:s8], $0x1800  }
0xbe: {  	[sflag:s8] =	ssyncset.done $0x0  }
0xbf: {  	s24 =	rddreg [dreg:$0x6];
	[sflag:s8] =	ssyncadd.s32 $0xFFFFE800  }
0xc0: {  	[hbm4b:s24+s1] =	stream.linear.scatter [tilespmem:s7], [sflag:$0x5], $0x1800, $0x38;
	[tilespmem:$0x1F100] =	vst v63  }
0xc1: {  	_ =	swait.ge [sflag:s8], $0x1800  }
0xc2: {  	[sflag:s8] =	ssyncset.done $0x0  }
0xc3: {  	[sflag:s8] =	ssyncadd.s32 $0xFFFFE800  }
0xc4: {  	[tilespmem:s7], [sflag:$0x5] =	stream.linear.gather [spmem:s31], $0x1800, $0x38;
	[tilespmem:$0x1F100] =	vst v63  }
0xc5: {  	_ =	swait.ge [sflag:s8], $0x1800  }
0xc6: {  	[sflag:s8] =	ssyncset.done $0x0  }
0xc7: {  	s23 =	rddreg [dreg:$0x7];
	[sflag:s8] =	ssyncadd.s32 $0xFFFFE800  }
0xc8: {  	[hbm4b:s23+s1] =	stream.linear.scatter [tilespmem:s7], [sflag:$0x5], $0x1800, $0x38;
	[tilespmem:$0x1F100] =	vst v63  }
0xc9: {  	_ =	swait.ge [sflag:s8], $0x1800  }
0xca: {  	[sflag:s8] =	ssyncset.done $0x0  }
0xcb: {  	[sflag:s8] =	ssyncadd.s32 $0xFFFFE800  }
0xcc: {  	[tilespmem:s7], [sflag:$0x5] =	stream.linear.gather [spmem:s11], $0x1800, $0x38;
	[tilespmem:$0x1F100] =	vst v63  }
0xcd: {  	_ =	swait.ge [sflag:s8], $0x1800  }
0xce: {  	[sflag:s8] =	ssyncset.done $0x0  }
0xcf: {  	s24 =	rddreg [dreg:$0x8];
	[sflag:s8] =	ssyncadd.s32 $0xFFFFE800  }
0xd0: {  	[hbm4b:s24+s1] =	stream.linear.scatter [tilespmem:s7], [sflag:$0x5], $0x1800, $0x38;
	[tilespmem:$0x1F100] =	vst v63  }
0xd1: {  	_ =	swait.ge [sflag:s8], $0x1800  }
0xd2: {  	[sflag:s8] =	ssyncset.done $0x0  }
0xd3: {  	[sflag:s8] =	ssyncadd.s32 $0xFFFFE800  }
0xd4: {  	[tilespmem:s7], [sflag:$0x5] =	stream.linear.gather [spmem:s0], $0x1800, $0x38;
	[tilespmem:$0x1F100] =	vst v63  }
0xd5: {  	_ =	swait.ge [sflag:s8], $0x1800  }
0xd6: {  	[sflag:s8] =	ssyncset.done $0x0  }
0xd7: {  	s23 =	rddreg [dreg:$0x9];
	[sflag:s8] =	ssyncadd.s32 $0xFFFFE800  }
0xd8: {  	[hbm4b:s23+s1] =	stream.linear.scatter [tilespmem:s7], [sflag:$0x5], $0x1800, $0x38;
	[tilespmem:$0x1F100] =	vst v63  }
0xd9: {  	_ =	swait.ge [sflag:s8], $0x1800  }
0xda: {  	[sflag:s8] =	ssyncset.done $0x0  }
0xdb: {  	[sflag:s8] =	ssyncadd.s32 $0xFFFFE800  }
0xdc: {  	[tilespmem:s7], [sflag:$0x5] =	stream.linear.gather [spmem:s12], $0x1800, $0x38;
	[tilespmem:$0x1F100] =	vst v63  }
0xdd: {  	_ =	swait.ge [sflag:s8], $0x1800  }
0xde: {  	[sflag:s8] =	ssyncset.done $0x0  }
0xdf: {  	s24 =	rddreg [dreg:$0xa];
	[sflag:s8] =	ssyncadd.s32 $0xFFFFE800  }
0xe0: {  	[hbm4b:s24+s1] =	stream.linear.scatter [tilespmem:s7], [sflag:$0x5], $0x1800, $0x38;
	[tilespmem:$0x1F100] =	vst v63  }
0xe1: {  	_ =	swait.ge [sflag:s8], $0x1800  }
0xe2: {  	[sflag:s8] =	ssyncset.done $0x0  }
0xe3: {  	[sflag:s8] =	ssyncadd.s32 $0xFFFFE800  }
0xe4: {  	[tilespmem:s7], [sflag:$0x5] =	stream.linear.gather [spmem:s2], $0x1800, $0x38;
	[tilespmem:$0x1F100] =	vst v63  }
0xe5: {  	_ =	swait.ge [sflag:s8], $0x1800  }
0xe6: {  	[sflag:s8] =	ssyncset.done $0x0  }
0xe7: {  	s23 =	rddreg [dreg:$0xb];
	[sflag:s8] =	ssyncadd.s32 $0xFFFFE800  }
0xe8: {  	[hbm4b:s23+s1] =	stream.linear.scatter [tilespmem:s7], [sflag:$0x5], $0x1800, $0x38;
	[tilespmem:$0x1F100] =	vst v63  }
0xe9: {  	_ =	swait.ge [sflag:s8], $0x1800  }
0xea: {  	[sflag:s8] =	ssyncset.done $0x0  }
0xeb: {  	[sflag:s8] =	ssyncadd.s32 $0xFFFFE800  }
0xec: {  	[tilespmem:s7], [sflag:$0x5] =	stream.linear.gather [spmem:s3], $0x1800, $0x38;
	[tilespmem:$0x1F100] =	vst v63  }
0xed: {  	_ =	swait.ge [sflag:s8], $0x1800  }
0xee: {  	[sflag:s8] =	ssyncset.done $0x0  }
0xef: {  	s24 =	rddreg [dreg:$0xc];
	[sflag:s8] =	ssyncadd.s32 $0xFFFFE800  }
0xf0: {  	[hbm4b:s24+s1] =	stream.linear.scatter [tilespmem:s7], [sflag:$0x5], $0x1800, $0x38;
	[tilespmem:$0x1F100] =	vst v63  }
0xf1: {  	_ =	swait.ge [sflag:s8], $0x1800  }
0xf2: {  	[sflag:s8] =	ssyncset.done $0x0  }
0xf3: {  	[sflag:s8] =	ssyncadd.s32 $0xFFFFE800  }
0xf4: {  	[tilespmem:s7], [sflag:$0x5] =	stream.linear.gather [spmem:s4], $0x1800, $0x38;
	[tilespmem:$0x1F100] =	vst v63  }
0xf5: {  	_ =	swait.ge [sflag:s8], $0x1800  }
0xf6: {  	[sflag:s8] =	ssyncset.done $0x0  }
0xf7: {  	s23 =	rddreg [dreg:$0xd];
	[sflag:s8] =	ssyncadd.s32 $0xFFFFE800  }
0xf8: {  	[hbm4b:s23+s1] =	stream.linear.scatter [tilespmem:s7], [sflag:$0x5], $0x1800, $0x38;
	[tilespmem:$0x1F100] =	vst v63  }
0xf9: {  	_ =	swait.ge [sflag:s8], $0x1800  }
0xfa: {  	[sflag:s8] =	ssyncset.done $0x0  }
0xfb: {  	[sflag:s8] =	ssyncadd.s32 $0xFFFFE800  }
0xfc: {  	[tilespmem:s7], [sflag:$0x5] =	stream.linear.gather [spmem:s5], $0x1800, $0x38;
	[tilespmem:$0x1F100] =	vst v63  }
0xfd: {  	_ =	swait.ge [sflag:s8], $0x1800  }
0xfe: {  	[sflag:s8] =	ssyncset.done $0x0  }
0xff: {  	s24 =	rddreg [dreg:$0xe];
	[sflag:s8] =	ssyncadd.s32 $0xFFFFE800  }
0x100: {  	[hbm4b:s24+s1] =	stream.linear.scatter [tilespmem:s7], [sflag:$0x5], $0x1800, $0x38;
	[tilespmem:$0x1F100] =	vst v63  }
0x101: {  	_ =	swait.ge [sflag:s8], $0x1800  }
0x102: {  	[sflag:s8] =	ssyncset.done $0x0  }
0x103: {  	[sflag:s8] =	ssyncadd.s32 $0xFFFFE800  }
0x104: {  	[tilespmem:s7], [sflag:$0x5] =	stream.linear.gather [spmem:s6], $0x1800, $0x38;
	[tilespmem:$0x1F100] =	vst v63  }
0x105: {  	_ =	swait.ge [sflag:s8], $0x1800  }
0x106: {  	[sflag:s8] =	ssyncset.done $0x0  }
0x107: {  	s23 =	rddreg [dreg:$0xf];
	[sflag:s8] =	ssyncadd.s32 $0xFFFFE800  }
0x108: {  	[hbm4b:s23+s1] =	stream.linear.scatter [tilespmem:s7], [sflag:$0x5], $0x1800, $0x38;
	[tilespmem:$0x1F100] =	vst v63  }
0x109: {  	_ =	swait.ge [sflag:s8], $0x1800  }
0x10a: {  	s21 =	sadd.s32 $0x1, s21;
	s24 =	rddreg [dreg:$0x12]  }
0x10b: {  	p0 =	sne.s32 s21, s24  }
.Ltmp1:
0x10c: {  	_ = 	snop;
	(pc) =	sbr.rel @p0 .LBB2_1-.Ltmp1, $3  }
0x10d: {  	_ =	sdelay $0x1  }
0x10e: {  	[sflag:s8] =	ssyncset.done $0x0  }
0x10f: {  	[sflag:s8] =	ssyncadd.s32 $0xFFFFE800  }
0x110: {  	_ =	sfence.sel $0x180000  }
0x111: {  	[bflag:$0x0] =	sbarrier.arrive $0xFFFF  }
0x112: {  	_ =	strace $0x9000004A  }
0x113: {  	s0 =	stileid.u32;
	[bflag:$0x2] =	sbarrier.arrive $0xFFFF  }
0x114: {  	p0 =	sne.s32 s0, $0x0;
	s0 =	rddreg [dreg:$0x4]  }
0x115: {  	s0 =	sadd.s32 @!p0 $0x100000, s0  }
0x116: {  	[sflag:s0] =	ssyncadd.tile.s32 @!p0 $0x1;
	_ =	shalt  }
.Lfunc_end2:
_tile_overlayer_lowered:
.L_overlay_start_2:
0x117: {  	(tag) =	ssettag $0x2  }
0x118: {  	s0 =	rddreg [dreg:$0x0];
	s2 =	stileid.u32  }
0x119: {  	s1 =	rddreg [dreg:$0x1];
	p0 =	sne.s32 s2, $0x0  }
0x11a: {  	s3 =	rddreg [dreg:$0x2];
	[bflag:$0x3] =	sbarrier.arrive $0xFFFF;
	s2 =	simm.s32 @!p0 $0x1C05  }
0x11b: {  	[timem:s3], [sflag:s2] =	dma.local @!p0 [hbm:s0], s1  }
0x11c: {  	s0 =	simm.s32 @!p0 $0x5  }
0x11d: {  	_ =	swait.ge @!p0 [sflag:s0], s1  }
0x11e: {  	s1 =	ssub.s32 @!p0 $0x0, s1;
	[sflag:s0] =	ssyncset.done @!p0 $0x0  }
0x11f: {  	[sflag:s0] =	ssyncadd.s32 @!p0 s1  }
0x120: {  	[bflag:$0x3] =	sbarrier.arrive $0xFFFF  }
0x121: {  	_ =	shalt  }

// kernel: kernel.15.cloned.1.call-start
scs
__scs_entry_jumppad:
0x0: {  	(pc) =	sbr.rel $0x88, $3  }
0x1: {  	(tag) =	ssettag $0x0;
	lr =	simm.s32 $0x1  }
0x2: {  	[smem:$0x3F84] =	sst lr;
	_ =	strace $0xD0000000  }
0x3: {  	_ = 	snop  }
0x4: {  	_ = 	snop  }
0x5: {  	_ = 	snop  }
0x6: {  	_ = 	snop  }
0x7: {  	_ = 	snop  }
__scs_overlays_trampoline_lowered:
0x8: {  	[smem:$0x3F93] =	sst s0  }
0x9: {  	[smem:$0x3F94] =	sst s1  }
0xa: {  	[smem:$0x3F95] =	sst s2  }
0xb: {  	[smem:$0x3F96] =	sst s3  }
0xc: {  	[smem:$0x3F97] =	sst s4  }
0xd: {  	[smem:$0x3F98] =	sst s5  }
0xe: {  	[smem:$0x3F99] =	sst s6  }
0xf: {  	[smem:$0x3F9A] =	sst s7  }
0x10: {  	[smem:$0x3F9B] =	sst s8  }
0x11: {  	[smem:$0x3F9C] =	sst s9;
	s0 =	simm.s32 @!p0 $0x0  }
0x12: {  	s1 =	sld [smem:$0x3F82];
	s0 =	simm.s32 @p0 $0x1  }
0x13: {  	[smem:$0x3F9D] =	sst s0;
	s0 =	simm.s32 @!p1 $0x0  }
0x14: {  	s2 =	sld [smem:$0x3F81];
	s0 =	simm.s32 @p1 $0x1  }
0x15: {  	[smem:$0x3F9E] =	sst s0;
	s0 =	simm.s32 @!p2 $0x0  }
0x16: {  	s3 =	sld [smem:$0x3FDB];
	s0 =	simm.s32 @p2 $0x1  }
0x17: {  	s4 =	simm.s32 $0x1BF5;
	[smem:$0x3FA0] =	sst s0  }
0x18: {  	s0 =	sld [smem:$0x3F83];
	_ =	swait.ge [sflag:s4], $0x0  }
0x19: {  	s7 =	sld [smem:$0x3F84]  }
0x1a: {  	s8 =	sadd.s32 $0xFFFFE003, lr  }
0x1b: {  	s9 =	sadd.s32 $0xFFFFFEF7, lr;
	s5 =	simm.s32 $0xFFFFFFFF;
	p2 =	slt.u32 s8, $0xFFFFF086  }
0x1c: {  	p1 =	slt.u32 s9, $0xF7A;
	s5 =	simm.s32 @!p2 $0x0  }
0x1d: {  	s5 =	simm.s32 @p1 $0x1;
	p0 =	seq.s32 s7, s2  }
0x1e: {  	s7 =	smul.u32 @!p0 $0xF7A, s2;
	p2 =	seq.s32 @!p0 s5, $0x0  }
0x1f: {  	s9 =	smul.u32 $0xF7A, s1;
	s8 =	simm.s32 @!p0 $0x1BF5;
	p2 =	por !p2, p0  }
0x20: {  	[sflag:s8] =	ssyncset.s32 @!p0 $0xFFFFF086;
	s6 =	sadd.s32 @!p0 s3, s7;
	s7 =	simm.s32 @!p0 $0x108  }
0x21: {  	s3 =	sadd.s32 s3, s9;
	s6 =	sadd.s32 @!p0 $0x88, s6;
	s7 =	simm.s32 @p2 $0x1082  }
0x22: {  	[simem:s7], [sflag:s8] =	dma.local @!p0 [hbm:s6], $0xF7A  }
0x23: {  	s9 =	sor.u32 $0xD0000000, s2;
	s6 =	simm.s32 $0x108;
	_ =	swait.ge @!p0 [sflag:s8], $0x0  }
0x24: {  	s3 =	sadd.s32 $0x88, s3;
	s6 =	simm.s32 @!p1 $0x1082;
	[sflag:s4] =	ssyncset.s32 $0xFFFFF086  }
0x25: {  	[simem:s6], [sflag:s4] =	dma.local [hbm:s3], $0xF7A  }
0x26: {  	[smem:$0x3F84] =	sst s1;
	(tag) =	ssettag s2;
	_ =	strace s9  }
0x27: {  	s1 =	sld [smem:$0x3F94]  }
0x28: {  	s2 =	sld [smem:$0x3F95]  }
0x29: {  	s4 =	sld [smem:$0x3F97]  }
0x2a: {  	p0 =	seq.s32 s5, $0x0;
	s5 =	sld [smem:$0x3F98]  }
0x2b: {  	s6 =	sld [smem:$0x3F99]  }
0x2c: {  	s7 =	sld [smem:$0x3F9A]  }
0x2d: {  	s3 =	simm.s32 $0x108;
	s8 =	sld [smem:$0x3F9B]  }
0x2e: {  	s3 =	simm.s32 @!p0 $0x1082;
	s9 =	sld [smem:$0x3F9C]  }
0x2f: {  	lr =	sadd.s32 s0, s3;
	s0 =	sld [smem:$0x3F93]  }
0x30: {  	s3 =	sld [smem:$0x3F96]  }
0x31: {  	[smem:$0x3F9F] =	sst s10  }
0x32: {  	s10 =	sld [smem:$0x3F9D];
	_ =	sdelay $0x3  }
0x33: {  	p0 =	seq.s32 s10, $0x1;
	s10 =	sld [smem:$0x3F9F];
	_ =	sdelay $0x3  }
0x34: {  	[smem:$0x3F9F] =	sst s10  }
0x35: {  	s10 =	sld [smem:$0x3F9E];
	_ =	sdelay $0x3  }
0x36: {  	p1 =	seq.s32 s10, $0x1;
	s10 =	sld [smem:$0x3F9F];
	_ =	sdelay $0x3  }
0x37: {  	[smem:$0x3F9F] =	sst s10  }
0x38: {  	s10 =	sld [smem:$0x3FA0]  }
0x39: {  	_ = 	snop;
	(pc) =	sbr.ind lr, $3  }
0x3a: {  	_ = 	snop  }
0x3b: {  	_ = 	snop  }
0x3c: {  	p2 =	seq.s32 s10, $0x1;
	s10 =	sld [smem:$0x3F9F]  }
0x3d: {  	_ =	shalt  }
0x3e: {  	_ =	shalt  }
0x3f: {  	_ =	shalt  }
0x40: {  	_ =	shalt  }
0x41: {  	_ =	shalt  }
0x42: {  	_ =	shalt  }
0x43: {  	_ =	shalt  }
0x44: {  	_ =	shalt  }
0x45: {  	_ =	shalt  }
0x46: {  	_ =	shalt  }
0x47: {  	_ =	shalt  }
0x48: {  	_ =	shalt  }
0x49: {  	_ =	shalt  }
0x4a: {  	_ =	shalt  }
0x4b: {  	_ =	shalt  }
0x4c: {  	_ =	shalt  }
0x4d: {  	_ =	shalt  }
0x4e: {  	_ =	shalt  }
0x4f: {  	_ =	shalt  }
0x50: {  	_ =	shalt  }
0x51: {  	_ =	shalt  }
0x52: {  	_ =	shalt  }
0x53: {  	_ =	shalt  }
0x54: {  	_ =	shalt  }
0x55: {  	_ =	shalt  }
0x56: {  	_ =	shalt  }
0x57: {  	_ =	shalt  }
0x58: {  	_ =	shalt  }
0x59: {  	_ =	shalt  }
0x5a: {  	_ =	shalt  }
0x5b: {  	_ =	shalt  }
0x5c: {  	_ =	shalt  }
0x5d: {  	_ =	shalt  }
0x5e: {  	_ =	shalt  }
0x5f: {  	_ =	shalt  }
0x60: {  	_ =	shalt  }
0x61: {  	_ =	shalt  }
0x62: {  	_ =	shalt  }
0x63: {  	_ =	shalt  }
0x64: {  	_ =	shalt  }
0x65: {  	_ =	shalt  }
0x66: {  	_ =	shalt  }
0x67: {  	_ =	shalt  }
0x68: {  	_ =	shalt  }
0x69: {  	_ =	shalt  }
0x6a: {  	_ =	shalt  }
0x6b: {  	_ =	shalt  }
0x6c: {  	_ =	shalt  }
0x6d: {  	_ =	shalt  }
0x6e: {  	_ =	shalt  }
0x6f: {  	_ =	shalt  }
0x70: {  	_ =	shalt  }
0x71: {  	_ =	shalt  }
0x72: {  	_ =	shalt  }
0x73: {  	_ =	shalt  }
0x74: {  	_ =	shalt  }
0x75: {  	_ =	shalt  }
0x76: {  	_ =	shalt  }
0x77: {  	_ =	shalt  }
0x78: {  	_ =	shalt  }
0x79: {  	_ =	shalt  }
0x7a: {  	_ =	shalt  }
0x7b: {  	_ =	shalt  }
0x7c: {  	_ =	shalt  }
0x7d: {  	_ =	shalt  }
0x7e: {  	_ =	shalt  }
0x7f: {  	_ =	shalt  }
0x80: {  	_ =	shalt  }
0x81: {  	_ =	shalt  }
0x82: {  	_ =	shalt  }
0x83: {  	_ =	shalt  }
0x84: {  	_ =	shalt  }
0x85: {  	_ =	shalt  }
0x86: {  	_ =	shalt  }
0x87: {  	_ =	shalt  }
.Lfunc_end0:
.L_simem_size_0:
called_computation.2_lowered:
.L_overlay_start_0:
0x88: {  	s2 =	sld [smem:$0x3FD9]  }
0x89: {  	s3 =	sld [smem:$0x3FFE];
	_ =	sdelay $0x1  }
0x8a: {  	s1 =	srdreg.scid  }
0x8b: {  	s0 =	sand.u32 $0x1, s1  }
0x8c: {  	s14 =	sshll.u32 s0, $0xA;
	s2 =	sadd.s32 s3, s2  }
0x8d: {  	s2 =	sadd.s32 s2, s14  }
0x8e: {  	[smem:$0x3FAB] =	sst s2  }
0x8f: {  	_ = 	snop  }
0x90: {  	s2 =	sld [smem:$0x3FD0];
	_ =	sdelay $0x2  }
0x91: {  	s15 =	simm.s32 $0xA;
	s4 =	simm.s32 $0x10  }
0x92: {  	[smem:s4], [sflag:s15] =	dma.local [hbm:s2], $0x1  }
0x93: {  	_ =	swait.eq [sflag:s15], $0x1  }
0x94: {  	[sflag:s15] =	ssyncset.done $0x0  }
0x95: {  	s16 =	sld [smem:$0x10];
	[sflag:s15] =	ssyncadd.s32 $0xFFFFFFFF  }
0x96: {  	s17 =	sld [smem:$0x11];
	(tm) =	ssettm $0x1  }
0x97: {  	s18 =	sld [smem:$0x3FFB];
	_ =	sdelay $0x3  }
0x98: {  	_ =	strace s18  }
0x99: {  	s4 =	sld [smem:$0x3FFC];
	_ =	sdelay $0x3  }
0x9a: {  	_ =	strace s4  }
0x9b: {  	s4 =	sld [smem:$0x3FFD];
	_ =	sdelay $0x3  }
0x9c: {  	_ =	strace s4  }
0x9d: {  	_ =	strace $0x8FFFFFFF  }
0x9e: {  	s19 =	sld [smem:$0x3FDB];
	_ =	sdelay $0x1  }
0x9f: {  	s5 =	simm.s32 $_scs_section_size  }
0xa0: {  	s6 =	simm.s32 $_size__tile_overlayer_lowered;
	s7 =	simm.s32 $_tile_overlayer_lowered  }
0xa1: {  	s22 =	simm.s32 $0x1BFF;
	s21 =	sshll.u32 s7, $0x1;
	s4 =	sadd.s32 s5, s19  }
0xa2: {  	s8 =	simm.s32 $0x0;
	s20 =	sshll.u32 s6, $0x1;
	s6 =	sadd.s32 s21, s4  }
0xa3: {  	[timem:s8], [sflag:s22] =	dma.local [hbm:s6], s20  }
0xa4: {  	_ =	swait.ge [sflag:s22], s20  }
0xa5: {  	s5 =	ssub.s32 $0x0, s20;
	[sflag:s22] =	ssyncset.done $0x0  }
0xa6: {  	[sflag:s22] =	ssyncadd.s32 s5;
	_ =	sdelay $0x1  }
0xa7: {  	s23 =	simm.s32 $0x1B8B  }
0xa8: {  	_ =	swait.ge [sflag:s23], $0x1  }
0xa9: {  	[sflag:s23] =	ssyncset.done $0x0  }
0xaa: {  	s25 =	simm.s32 $0x1B8E;
	s24 =	sld [smem:$0x3FFE];
	[sflag:s23] =	ssyncadd.s32 $0xFFFFFFFF  }
0xab: {  	s26 =	simm.s32 $execute0_lowered;
	[smem:$0x3FD2] =	sst s25  }
0xac: {  	s6 =	sshll.u32 s26, $0x1;
	_ =	strace $0x8000004C;
	[dreg:$0x1] =	wrdreg $0xFFFFFFFF  }
0xad: {  	s28 =	simm.s32 $_size_execute0_lowered;
	s4 =	sadd.s32 s4, s6;
	[dreg:$0x0] =	wrdreg $0x0  }
0xae: {  	s6 =	sshll.u32 s28, $0x1;
	[dreg:$0x2] =	wrdreg s4  }
0xaf: {  	[dreg:$0x3] =	wrdreg s6  }
0xb0: {  	[dreg:$0x4] =	wrdreg $0xC0  }
0xb1: {  	_ =	task [dreg:s8], $0x5FFFF  }
0xb2: {  	[dreg:$0x1] =	wrdreg $0xFFFFFFFF  }
0xb3: {  	[dreg:$0x0] =	wrdreg $0x60  }
0xb4: {  	[dreg:$0x2] =	wrdreg s24  }
0xb5: {  	[dreg:$0x3] =	wrdreg s17  }
0xb6: {  	[dreg:$0x4] =	wrdreg s16  }
0xb7: {  	[dreg:$0x5] =	wrdreg $0x101000  }
0xb8: {  	[dreg:$0x6] =	wrdreg $0x9  }
0xb9: {  	_ =	task.clear_ibuf [dreg:s8], $0x7FFFF;
	_ =	strace $0x9000004C  }
0xba: {  	s29 =	simm.s32 $0x9;
	_ =	strace $0x8000004E  }
0xbb: {  	_ =	swait.ge [sflag:s29], $0x1  }
0xbc: {  	[sflag:s29] =	ssyncadd.s32 $0xFFFFFFFF  }
0xbd: {  	_ =	strace $0x9000004E  }
0xbe: {  	_ =	sfence  }
0xbf: {  	s30 =	sld [smem:$0x0];
	_ =	sdelay $0x2  }
0xc0: {  	s31 =	sshll.u32 s1, $0xD;
	s1 =	sshrl.u32 s1, $0x2  }
0xc1: {  	s3 =	sand.u32 $0x4000, s31;
	s1 =	sadd.s32 s1, s30  }
0xc2: {  	s0 =	sor.u32 s3, s0;
	s1 =	sshll.u32 s1, $0x11  }
0xc3: {  	s0 =	sor.u32 s1, s0  }
0xc4: {  	s0 =	sadd.s32 $0x8F2B, s0  }
0xc5: {  	[sflag:s0] =	ssyncadd.remote.s32 $0x1  }
0xc6: {  	_ =	sfence.sel $0xFFFF  }
0xc7: {  	[dreg:$0x0] =	wrdreg $0xFFFFFFFF;
	(pc) =	sbr.abs _section_cstart, $3  }
0xc8: {  	[dreg:$0x1] =	wrdreg $0xFFFFFFFF  }
0xc9: {  	_ =	task.clear_ibuf [dreg:s8], $0x2FFFF;
	_ =	strace $0x9FFFFFFF  }
0xca: {  	(tm) =	ssettm $0x7FFFFFFF  }
0xcb: {  	_ =	shalt  }
tec
execute0_lowered:
.L_overlay_start_1:
0x0: {  	(tag) =	ssettag $0x1  }
0x1: {  	s16 =	stileid.u32;
	s0 =	srdreg.scid  }
0x2: {  	s6 =	rddreg [dreg:$0x0];
	s2 =	smul.u32 $0x280, s16  }
0x3: {  	s4 =	rddreg [dreg:$0x1];
	s5 =	smul.u32 $0x5100, s16  }
0x4: {  	s1 =	simm.s32 $0x0;
	s0 =	sand.u32 $0x1, s0;
	s10 =	smul.u32 $0xF000, s16  }
0x5: {  	[smem:$0x7FF] =	sst s1;
	s3 =	smul.u32 $0x51000, s0  }
0x6: {  	s7 =	sadd.s32 $0x99A00, s6;
	s8 =	smul.u32 $0xF0000, s0;
	s9 =	ssub.s32 $0x2, s0  }
0x7: {  	s11 =	sor.u32 $0x40, s2;
	s12 =	sshrl.u32 s9, $0x1;
	s3 =	sadd.s32 s5, s3  }
0x8: {  	s0 =	smul.u32 $0x60, s11;
	s9 =	ssub.s32 s9, s12;
	s12 =	sadd.s32 $0x80, s2  }
0x9: {  	s15 =	sadd.s32 s8, s10;
	s3 =	sshrl.u32 s3, $0x3;
	s2 =	smul.u32 $0x60, s12  }
0xa: {  	s17 =	sshrl.u32 s15, $0x3;
	s15 =	sadd.s32 $0x9000, s10;
	s9 =	smax.u32 s9, $0x1  }
0xb: {  	s13 =	sadd.s32 s8, s0;
	s3 =	sadd.s32 s4, s3;
	s4 =	sadd.s32 $0x6000, s10  }
0xc: {  	s25 =	sadd.s32 s8, s15;
	[dreg:$0x5] =	wrdreg s3;
	s18 =	sshrl.u32 s13, $0x3  }
0xd: {  	s3 =	sadd.s32 s7, s17;
	s20 =	sadd.s32 s8, s2;
	s23 =	sadd.s32 s8, s4  }
0xe: {  	s17 =	sadd.s32 $0xA800, s10;
	[dreg:$0x6] =	wrdreg s3;
	s19 =	sadd.s32 s7, s18  }
0xf: {  	s21 =	sshrl.u32 s20, $0x3;
	s3 =	sadd.s32 $0x4800, s10;
	s13 =	sshrl.u32 s23, $0x3  }
0x10: {  	s26 =	sadd.s32 s8, s17;
	s18 =	sadd.s32 $0xC000, s10;
	s20 =	smul.u32 $0xA00, s16  }
0x11: {  	s23 =	smul.u32 $0x180, s12;
	[dreg:$0x7] =	wrdreg s19;
	s5 =	sadd.s32 s7, s21  }
0x12: {  	s22 =	sadd.s32 s8, s3;
	[dreg:$0x8] =	wrdreg s5;
	s5 =	sadd.s32 $0x7800, s10  }
0x13: {  	s13 =	sadd.s32 s7, s13;
	s14 =	sshrl.u32 s22, $0x3;
	s24 =	sadd.s32 s8, s5  }
0x14: {  	[dreg:$0xa] =	wrdreg s13;
	s14 =	sadd.s32 s7, s14;
	s13 =	sshrl.u32 s24, $0x3  }
0x15: {  	[dreg:$0x9] =	wrdreg s14;
	s14 =	sshrl.u32 s26, $0x3;
	s13 =	sadd.s32 s7, s13  }
0x16: {  	s19 =	sadd.s32 s8, s18;
	s14 =	sadd.s32 s7, s14;
	[dreg:$0xb] =	wrdreg s13  }
0x17: {  	s21 =	sadd.s32 s20, s6;
	s13 =	sshrl.u32 s25, $0x3;
	[dreg:$0xd] =	wrdreg s14  }
0x18: {  	s22 =	smul.u32 $0x180, s11;
	s14 =	rddreg [dreg:$0x3];
	s13 =	sadd.s32 s7, s13  }
0x19: {  	[dreg:$0xc] =	wrdreg s13;
	s13 =	sshrl.u32 s19, $0x3;
	s19 =	sadd.s32 $0xD800, s10  }
0x1a: {  	s31 =	sadd.s32 s0, s14;
	s0 =	sadd.s32 s3, s14;
	s8 =	sadd.s32 s8, s19  }
0x1b: {  	s3 =	sadd.s32 s15, s14;
	s13 =	sadd.s32 s7, s13;
	s8 =	sshrl.u32 s8, $0x3  }
0x1c: {  	s15 =	simm.s32 $0xE900;
	[dreg:$0xe] =	wrdreg s13;
	s7 =	sadd.s32 s7, s8  }
0x1d: {  	s10 =	sadd.s32 s10, s14;
	s8 =	sadd.s32 $0x3A00, s21;
	[dreg:$0xf] =	wrdreg s7  }
0x1e: {  	s7 =	smul.u32 $0x3C000, s16;
	_ =	strace $0x8000004D;
	[dreg:$0x10] =	wrdreg s8  }
0x1f: {  	s16 =	sadd.s32 $0x5DA00, s6;
	s6 =	sshrl.u32 s22, $0x2;
	[dreg:$0x11] =	wrdreg s10  }
0x20: {  	[dreg:$0x12] =	wrdreg s9;
	s8 =	sshrl.u32 s23, $0x2;
	s6 =	sadd.s32 s6, s14  }
0x21: {  	s9 =	simm.s32 $0x40;
	s24 =	sshrl.u32 s7, $0x2;
	s26 =	sadd.s32 $0x12000, s7  }
0x22: {  	[dreg:$0x14] =	wrdreg s6;
	s10 =	sadd.s32 s8, s14;
	s12 =	sadd.s32 $0x18000, s7  }
0x23: {  	s13 =	sadd.s32 $0x1E000, s7;
	s20 =	sadd.s32 $0x24000, s7;
	s22 =	sadd.s32 $0x2A000, s7  }
0x24: {  	s23 =	sadd.s32 $0x30000, s7;
	s7 =	sadd.s32 $0x36000, s7;
	s25 =	sadd.s32 s24, s14  }
0x25: {  	[dreg:$0x15] =	wrdreg s10;
	s11 =	sshrl.u32 s26, $0x2;
	s8 =	sshrl.u32 s13, $0x2  }
0x26: {  	s21 =	sshrl.u32 s20, $0x2;
	s24 =	sshrl.u32 s7, $0x2;
	s7 =	simm.s32 $0xA100  }
0x27: {  	s10 =	simm.s32 $0xB900;
	s13 =	simm.s32 $0xD100;
	s20 =	simm.s32 $0x4  }
0x28: {  	[dreg:$0x13] =	wrdreg s25;
	s6 =	sadd.s32 s11, s14;
	s25 =	sadd.s32 s8, s14  }
0x29: {  	s26 =	sadd.s32 s21, s14;
	s8 =	sshrl.u32 s23, $0x2;
	s30 =	sadd.s32 s24, s14  }
0x2a: {  	s11 =	sadd.s32 s2, s14;
	s2 =	sadd.s32 s5, s14;
	s5 =	sadd.s32 s18, s14  }
0x2b: {  	s18 =	simm.s32 $0x2;
	s21 =	simm.s32 $0x0;
	[dreg:$0x16] =	wrdreg s6  }
0x2c: {  	s6 =	sshrl.u32 s12, $0x2;
	s29 =	sadd.s32 s8, s14;
	s12 =	sadd.s32 s4, s14  }
0x2d: {  	s4 =	sadd.s32 s17, s14;
	s8 =	simm.s32 $0x5;
	s6 =	sadd.s32 s6, s14  }
0x2e: {  	s17 =	simm.s32 $0x1;
	[dreg:$0x17] =	wrdreg s6;
	s6 =	sshrl.u32 s22, $0x2  }
0x2f: {  	s28 =	sadd.s32 s6, s14;
	s6 =	sadd.s32 s19, s14;
	s19 =	simm.s32 $0x3  }
.LBB2_1:
0x30: {  	s22 =	rddreg [dreg:$0x2]  }
0x31: {  	[tilespmem:s7], [sflag:$0x5] =	stream.linear.gather [hbm4b:s22+s1], $0x1800, $0x38;
	[tilespmem:$0x1F100] =	vst v63  }
0x32: {  	_ =	swait.ge [sflag:s8], $0x1800  }
0x33: {  	[sflag:s8] =	ssyncset.done $0x0  }
0x34: {  	s24 =	rddreg [dreg:$0x13];
	[sflag:s8] =	ssyncadd.s32 $0xFFFFE800  }
0x35: {  	[spmem:s24] =	stream.linear.scatter [tilespmem:s7], [sflag:$0x5], $0x1800, $0x38;
	[tilespmem:$0x1F100] =	vst v63  }
0x36: {  	_ =	swait.ge [sflag:s8], $0x1800  }
0x37: {  	[sflag:s8] =	ssyncset.done $0x0  }
0x38: {  	s23 =	rddreg [dreg:$0x14];
	[sflag:s8] =	ssyncadd.s32 $0xFFFFE800  }
0x39: {  	[spmem:s23] =	stream.linear.scatter [tilespmem:s7], [sflag:$0x5], $0x1800, $0x38;
	[tilespmem:$0x1F100] =	vst v63  }
0x3a: {  	_ =	swait.ge [sflag:s8], $0x1800  }
0x3b: {  	[sflag:s8] =	ssyncset.done $0x0  }
0x3c: {  	s24 =	rddreg [dreg:$0x15];
	[sflag:s8] =	ssyncadd.s32 $0xFFFFE800  }
0x3d: {  	[spmem:s24] =	stream.linear.scatter [tilespmem:s7], [sflag:$0x5], $0x1800, $0x38;
	[tilespmem:$0x1F100] =	vst v63  }
0x3e: {  	_ =	swait.ge [sflag:s8], $0x1800  }
0x3f: {  	[sflag:s8] =	ssyncset.done $0x0  }
0x40: {  	s23 =	rddreg [dreg:$0x16];
	[sflag:s8] =	ssyncadd.s32 $0xFFFFE800  }
0x41: {  	[spmem:s23] =	stream.linear.scatter [tilespmem:s7], [sflag:$0x5], $0x1800, $0x38;
	[tilespmem:$0x1F100] =	vst v63  }
0x42: {  	_ =	swait.ge [sflag:s8], $0x1800  }
0x43: {  	[sflag:s8] =	ssyncset.done $0x0  }
0x44: {  	s24 =	rddreg [dreg:$0x17];
	[sflag:s8] =	ssyncadd.s32 $0xFFFFE800  }
0x45: {  	[spmem:s24] =	stream.linear.scatter [tilespmem:s7], [sflag:$0x5], $0x1800, $0x38;
	[tilespmem:$0x1F100] =	vst v63  }
0x46: {  	_ =	swait.ge [sflag:s8], $0x1800  }
0x47: {  	[sflag:s8] =	ssyncset.done $0x0  }
0x48: {  	[sflag:s8] =	ssyncadd.s32 $0xFFFFE800  }
0x49: {  	[spmem:s25] =	stream.linear.scatter [tilespmem:s7], [sflag:$0x5], $0x1800, $0x38;
	[tilespmem:$0x1F100] =	vst v63  }
0x4a: {  	_ =	swait.ge [sflag:s8], $0x1800  }
0x4b: {  	[sflag:s8] =	ssyncset.done $0x0  }
0x4c: {  	[sflag:s8] =	ssyncadd.s32 $0xFFFFE800  }
0x4d: {  	[spmem:s26] =	stream.linear.scatter [tilespmem:s7], [sflag:$0x5], $0x1800, $0x38;
	[tilespmem:$0x1F100] =	vst v63  }
0x4e: {  	_ =	swait.ge [sflag:s8], $0x1800  }
0x4f: {  	[sflag:s8] =	ssyncset.done $0x0  }
0x50: {  	[sflag:s8] =	ssyncadd.s32 $0xFFFFE800  }
0x51: {  	[spmem:s28] =	stream.linear.scatter [tilespmem:s7], [sflag:$0x5], $0x1800, $0x38;
	[tilespmem:$0x1F100] =	vst v63  }
0x52: {  	_ =	swait.ge [sflag:s8], $0x1800  }
0x53: {  	[sflag:s8] =	ssyncset.done $0x0  }
0x54: {  	[sflag:s8] =	ssyncadd.s32 $0xFFFFE800  }
0x55: {  	[spmem:s29] =	stream.linear.scatter [tilespmem:s7], [sflag:$0x5], $0x1800, $0x38;
	[tilespmem:$0x1F100] =	vst v63  }
0x56: {  	_ =	swait.ge [sflag:s8], $0x1800  }
0x57: {  	[sflag:s8] =	ssyncset.done $0x0  }
0x58: {  	[sflag:s8] =	ssyncadd.s32 $0xFFFFE800  }
0x59: {  	[spmem:s30] =	stream.linear.scatter [tilespmem:s7], [sflag:$0x5], $0x1800, $0x38;
	[tilespmem:$0x1F100] =	vst v63  }
0x5a: {  	_ =	swait.ge [sflag:s8], $0x1800  }
0x5b: {  	[sflag:s8] =	ssyncset.done $0x0  }
0x5c: {  	s23 =	rddreg [dreg:$0x5];
	[sflag:s8] =	ssyncadd.s32 $0xFFFFE800  }
0x5d: {  	[tilespmem:s1], [sflag:$0x5] =	stream.linear.gather [hbm4b:s23+s1], $0x5100, $0x38;
	[tilespmem:$0x1F100] =	vst v63  }
0x5e: {  	_ =	swait.ge [sflag:s8], $0x5100  }
0x5f: {  	[sflag:s8] =	ssyncset.done $0x0  }
0x60: {  	s23 =	simm.s32 $0x5100;
	s24 =	rddreg [dreg:$0x10];
	[sflag:s8] =	ssyncadd.s32 $0xFFFFAF00  }
0x61: {  	[tilespmem:s23], [sflag:$0x5] =	stream.linear.gather [hbm4b:s24+s1], $0x5000, $0x38;
	[tilespmem:$0x1F100] =	vst v63  }
0x62: {  	_ =	swait.ge [sflag:s8], $0x5000  }
0x63: {  	[sflag:s8] =	ssyncset.done $0x0  }
0x64: {  	[sflag:s8] =	ssyncadd.s32 $0xFFFFB000  }
0x65: {  	[bflag:$0x0] =	sbarrier.arrive $0xFFFF  }
0x66: {  	[tilespmem:s7], [sflag:$0x1] =	stream.indirect.gather [hbm4b:s16+s9], $0x60, s1, s9, $0xb8;
	[tilespmem:$0x1F100] =	vst v63  }
0x67: {  	_ = 	snop  }
0x68: {  	[tilespmem:s10], [sflag:$0x2] =	stream.indirect.gather [hbm4b:s16+s9], $0x60, s9, s9, $0xb8;
	[tilespmem:$0x1F100] =	vst v63  }
0x69: {  	s24 =	simm.s32 $0x80  }
0x6a: {  	[tilespmem:s13], [sflag:$0x3] =	stream.indirect.gather [hbm4b:s16+s9], $0x60, s24, s9, $0xb8;
	[tilespmem:$0x1F100] =	vst v63  }
0x6b: {  	s23 =	simm.s32 $0xC0  }
0x6c: {  	[tilespmem:s15], [sflag:$0x4] =	stream.indirect.gather [hbm4b:s16+s9], $0x60, s23, s9, $0xb8;
	[tilespmem:$0x1F100] =	vst v63  }
0x6d: {  	_ =	swait.ge [sflag:s17], $0x1800  }
0x6e: {  	[sflag:s17] =	ssyncset.done $0x0  }
0x6f: {  	s24 =	simm.s32 $0x5100;
	[sflag:s17] =	ssyncadd.s32 $0xFFFFE800  }
0x70: {  	[spmem:s14] =	stream.indirect.scatter.add.f32 [tilespmem:s7], [sflag:$0x5], $0x60, s24, s9, $0xb8;
	[tilespmem:$0x1F100] =	vst v63  }
0x71: {  	_ =	swait.ge [sflag:s8], $0x1800  }
0x72: {  	[sflag:s8] =	ssyncset.done $0x0  }
0x73: {  	s23 =	simm.s32 $0x100;
	[sflag:s8] =	ssyncadd.s32 $0xFFFFE800  }
0x74: {  	[tilespmem:s7], [sflag:$0x1] =	stream.indirect.gather [hbm4b:s16+s9], $0x60, s23, s9, $0xb8;
	[tilespmem:$0x1F100] =	vst v63  }
0x75: {  	_ =	swait.ge [sflag:s18], $0x1800  }
0x76: {  	[sflag:s18] =	ssyncset.done $0x0  }
0x77: {  	s24 =	simm.s32 $0x5140;
	[sflag:s18] =	ssyncadd.s32 $0xFFFFE800  }
0x78: {  	[spmem:s14] =	stream.indirect.scatter.add.f32 [tilespmem:s10], [sflag:$0x5], $0x60, s24, s9, $0xb8;
	[tilespmem:$0x1F100] =	vst v63  }
0x79: {  	_ =	swait.ge [sflag:s8], $0x1800  }
0x7a: {  	[sflag:s8] =	ssyncset.done $0x0  }
0x7b: {  	s23 =	simm.s32 $0x140;
	[sflag:s8] =	ssyncadd.s32 $0xFFFFE800  }
0x7c: {  	[tilespmem:s10], [sflag:$0x2] =	stream.indirect.gather [hbm4b:s16+s9], $0x60, s23, s9, $0xb8;
	[tilespmem:$0x1F100] =	vst v63  }
0x7d: {  	_ =	swait.ge [sflag:s19], $0x1800  }
0x7e: {  	[sflag:s19] =	ssyncset.done $0x0  }
0x7f: {  	s24 =	simm.s32 $0x5180;
	[sflag:s19] =	ssyncadd.s32 $0xFFFFE800  }
0x80: {  	[spmem:s14] =	stream.indirect.scatter.add.f32 [tilespmem:s13], [sflag:$0x5], $0x60, s24, s9, $0xb8;
	[tilespmem:$0x1F100] =	vst v63  }
0x81: {  	_ =	swait.ge [sflag:s8], $0x1800  }
0x82: {  	[sflag:s8] =	ssyncset.done $0x0  }
0x83: {  	s23 =	simm.s32 $0x180;
	[sflag:s8] =	ssyncadd.s32 $0xFFFFE800  }
0x84: {  	[tilespmem:s13], [sflag:$0x3] =	stream.indirect.gather [hbm4b:s16+s9], $0x60, s23, s9, $0xb8;
	[tilespmem:$0x1F100] =	vst v63  }
0x85: {  	_ =	swait.ge [sflag:s20], $0x1800  }
0x86: {  	[sflag:s20] =	ssyncset.done $0x0  }
0x87: {  	s24 =	simm.s32 $0x51C0;
	[sflag:s20] =	ssyncadd.s32 $0xFFFFE800  }
0x88: {  	[spmem:s14] =	stream.indirect.scatter.add.f32 [tilespmem:s15], [sflag:$0x5], $0x60, s24, s9, $0xb8;
	[tilespmem:$0x1F100] =	vst v63  }
0x89: {  	_ =	swait.ge [sflag:s8], $0x1800  }
0x8a: {  	[sflag:s8] =	ssyncset.done $0x0  }
0x8b: {  	s22 =	simm.s32 $0x400;
	s23 =	simm.s32 $0x1C0;
	[sflag:s8] =	ssyncadd.s32 $0xFFFFE800  }
.LBB2_2:
0x8c: {  	[tilespmem:s15], [sflag:$0x4] =	stream.indirect.gather [hbm4b:s16+s9], $0x60, s23, s9, $0xb8;
	[tilespmem:$0x1F100] =	vst v63  }
0x8d: {  	s23 =	smov.u32 s22  }
0x8e: {  	p0 =	sne.s32 s22, $0x13C00;
	s22 =	sadd.s32 $0x400, s22;
	_ =	swait.ge [sflag:s17], $0x1800  }
0x8f: {  	s23 =	sshra.s32 s23, $0x2;
	[sflag:s17] =	ssyncset.done $0x0  }
0x90: {  	s24 =	sadd.s32 $0x5100, s23;
	[sflag:s17] =	ssyncadd.s32 $0xFFFFE800  }
0x91: {  	[spmem:s14] =	stream.indirect.scatter.add.f32 [tilespmem:s7], [sflag:$0x5], $0x60, s24, s9, $0xb8;
	[tilespmem:$0x1F100] =	vst v63  }
0x92: {  	_ =	swait.ge [sflag:s8], $0x1800  }
0x93: {  	[sflag:s8] =	ssyncset.done $0x0  }
0x94: {  	s24 =	sadd.s32 $0x100, s23;
	[sflag:s8] =	ssyncadd.s32 $0xFFFFE800  }
0x95: {  	[tilespmem:s7], [sflag:$0x1] =	stream.indirect.gather [hbm4b:s16+s9], $0x60, s24, s9, $0xb8;
	[tilespmem:$0x1F100] =	vst v63  }
0x96: {  	_ =	swait.ge [sflag:s18], $0x1800  }
0x97: {  	[sflag:s18] =	ssyncset.done $0x0  }
0x98: {  	s24 =	sadd.s32 $0x5140, s23;
	[sflag:s18] =	ssyncadd.s32 $0xFFFFE800  }
0x99: {  	[spmem:s14] =	stream.indirect.scatter.add.f32 [tilespmem:s10], [sflag:$0x5], $0x60, s24, s9, $0xb8;
	[tilespmem:$0x1F100] =	vst v63  }
0x9a: {  	_ =	swait.ge [sflag:s8], $0x1800  }
0x9b: {  	[sflag:s8] =	ssyncset.done $0x0  }
0x9c: {  	s24 =	sadd.s32 $0x140, s23;
	[sflag:s8] =	ssyncadd.s32 $0xFFFFE800  }
0x9d: {  	[tilespmem:s10], [sflag:$0x2] =	stream.indirect.gather [hbm4b:s16+s9], $0x60, s24, s9, $0xb8;
	[tilespmem:$0x1F100] =	vst v63  }
0x9e: {  	_ =	swait.ge [sflag:s19], $0x1800  }
0x9f: {  	[sflag:s19] =	ssyncset.done $0x0  }
0xa0: {  	s24 =	sadd.s32 $0x5180, s23;
	[sflag:s19] =	ssyncadd.s32 $0xFFFFE800  }
0xa1: {  	[spmem:s14] =	stream.indirect.scatter.add.f32 [tilespmem:s13], [sflag:$0x5], $0x60, s24, s9, $0xb8;
	[tilespmem:$0x1F100] =	vst v63  }
0xa2: {  	_ =	swait.ge [sflag:s8], $0x1800  }
0xa3: {  	[sflag:s8] =	ssyncset.done $0x0  }
0xa4: {  	s24 =	sadd.s32 $0x180, s23;
	[sflag:s8] =	ssyncadd.s32 $0xFFFFE800  }
0xa5: {  	[tilespmem:s13], [sflag:$0x3] =	stream.indirect.gather [hbm4b:s16+s9], $0x60, s24, s9, $0xb8;
	[tilespmem:$0x1F100] =	vst v63  }
0xa6: {  	_ =	swait.ge [sflag:s20], $0x1800  }
0xa7: {  	[sflag:s20] =	ssyncset.done $0x0  }
.Ltmp0:
0xa8: {  	s24 =	sadd.s32 $0x51C0, s23;
	[sflag:s20] =	ssyncadd.s32 $0xFFFFE800;
	(pc) =	sbr.rel @p0 .LBB2_2-.Ltmp0, $4  }
0xa9: {  	[spmem:s14] =	stream.indirect.scatter.add.f32 [tilespmem:s15], [sflag:$0x5], $0x60, s24, s9, $0xb8;
	[tilespmem:$0x1F100] =	vst v63  }
0xaa: {  	_ =	swait.ge [sflag:s8], $0x1800  }
0xab: {  	[sflag:s8] =	ssyncset.done $0x0  }
0xac: {  	s23 =	sadd.s32 $0x1C0, s23;
	[sflag:s8] =	ssyncadd.s32 $0xFFFFE800  }
0xad: {  	[tilespmem:s15], [sflag:$0x4] =	stream.indirect.gather [hbm4b:s16+s9], $0x60, s23, s9, $0xb8;
	[tilespmem:$0x1F100] =	vst v63  }
0xae: {  	_ =	swait.ge [sflag:s17], $0x1800  }
0xaf: {  	[sflag:s17] =	ssyncset.done $0x0  }
0xb0: {  	[sflag:s17] =	ssyncadd.s32 $0xFFFFE800  }
0xb1: {  	_ =	swait.ge [sflag:s18], $0x1800  }
0xb2: {  	[sflag:s18] =	ssyncset.done $0x0  }
0xb3: {  	[sflag:s18] =	ssyncadd.s32 $0xFFFFE800  }
0xb4: {  	_ =	swait.ge [sflag:s19], $0x1800  }
0xb5: {  	[sflag:s19] =	ssyncset.done $0x0  }
0xb6: {  	[sflag:s19] =	ssyncadd.s32 $0xFFFFE800  }
0xb7: {  	_ =	swait.ge [sflag:s20], $0x1800  }
0xb8: {  	[sflag:s20] =	ssyncset.done $0x0  }
0xb9: {  	[sflag:s20] =	ssyncadd.s32 $0xFFFFE800  }
0xba: {  	[bflag:$0x0] =	sbarrier.arrive $0xFFFF  }
0xbb: {  	s22 =	rddreg [dreg:$0x11]  }
0xbc: {  	[tilespmem:s7], [sflag:$0x5] =	stream.linear.gather [spmem:s22], $0x1800, $0x38;
	[tilespmem:$0x1F100] =	vst v63  }
0xbd: {  	_ =	swait.ge [sflag:s8], $0x1800  }
0xbe: {  	[sflag:s8] =	ssyncset.done $0x0  }
0xbf: {  	s24 =	rddreg [dreg:$0x6];
	[sflag:s8] =	ssyncadd.s32 $0xFFFFE800  }
0xc0: {  	[hbm4b:s24+s1] =	stream.linear.scatter [tilespmem:s7], [sflag:$0x5], $0x1800, $0x38;
	[tilespmem:$0x1F100] =	vst v63  }
0xc1: {  	_ =	swait.ge [sflag:s8], $0x1800  }
0xc2: {  	[sflag:s8] =	ssyncset.done $0x0  }
0xc3: {  	[sflag:s8] =	ssyncadd.s32 $0xFFFFE800  }
0xc4: {  	[tilespmem:s7], [sflag:$0x5] =	stream.linear.gather [spmem:s31], $0x1800, $0x38;
	[tilespmem:$0x1F100] =	vst v63  }
0xc5: {  	_ =	swait.ge [sflag:s8], $0x1800  }
0xc6: {  	[sflag:s8] =	ssyncset.done $0x0  }
0xc7: {  	s23 =	rddreg [dreg:$0x7];
	[sflag:s8] =	ssyncadd.s32 $0xFFFFE800  }
0xc8: {  	[hbm4b:s23+s1] =	stream.linear.scatter [tilespmem:s7], [sflag:$0x5], $0x1800, $0x38;
	[tilespmem:$0x1F100] =	vst v63  }
0xc9: {  	_ =	swait.ge [sflag:s8], $0x1800  }
0xca: {  	[sflag:s8] =	ssyncset.done $0x0  }
0xcb: {  	[sflag:s8] =	ssyncadd.s32 $0xFFFFE800  }
0xcc: {  	[tilespmem:s7], [sflag:$0x5] =	stream.linear.gather [spmem:s11], $0x1800, $0x38;
	[tilespmem:$0x1F100] =	vst v63  }
0xcd: {  	_ =	swait.ge [sflag:s8], $0x1800  }
0xce: {  	[sflag:s8] =	ssyncset.done $0x0  }
0xcf: {  	s24 =	rddreg [dreg:$0x8];
	[sflag:s8] =	ssyncadd.s32 $0xFFFFE800  }
0xd0: {  	[hbm4b:s24+s1] =	stream.linear.scatter [tilespmem:s7], [sflag:$0x5], $0x1800, $0x38;
	[tilespmem:$0x1F100] =	vst v63  }
0xd1: {  	_ =	swait.ge [sflag:s8], $0x1800  }
0xd2: {  	[sflag:s8] =	ssyncset.done $0x0  }
0xd3: {  	[sflag:s8] =	ssyncadd.s32 $0xFFFFE800  }
0xd4: {  	[tilespmem:s7], [sflag:$0x5] =	stream.linear.gather [spmem:s0], $0x1800, $0x38;
	[tilespmem:$0x1F100] =	vst v63  }
0xd5: {  	_ =	swait.ge [sflag:s8], $0x1800  }
0xd6: {  	[sflag:s8] =	ssyncset.done $0x0  }
0xd7: {  	s23 =	rddreg [dreg:$0x9];
	[sflag:s8] =	ssyncadd.s32 $0xFFFFE800  }
0xd8: {  	[hbm4b:s23+s1] =	stream.linear.scatter [tilespmem:s7], [sflag:$0x5], $0x1800, $0x38;
	[tilespmem:$0x1F100] =	vst v63  }
0xd9: {  	_ =	swait.ge [sflag:s8], $0x1800  }
0xda: {  	[sflag:s8] =	ssyncset.done $0x0  }
0xdb: {  	[sflag:s8] =	ssyncadd.s32 $0xFFFFE800  }
0xdc: {  	[tilespmem:s7], [sflag:$0x5] =	stream.linear.gather [spmem:s12], $0x1800, $0x38;
	[tilespmem:$0x1F100] =	vst v63  }
0xdd: {  	_ =	swait.ge [sflag:s8], $0x1800  }
0xde: {  	[sflag:s8] =	ssyncset.done $0x0  }
0xdf: {  	s24 =	rddreg [dreg:$0xa];
	[sflag:s8] =	ssyncadd.s32 $0xFFFFE800  }
0xe0: {  	[hbm4b:s24+s1] =	stream.linear.scatter [tilespmem:s7], [sflag:$0x5], $0x1800, $0x38;
	[tilespmem:$0x1F100] =	vst v63  }
0xe1: {  	_ =	swait.ge [sflag:s8], $0x1800  }
0xe2: {  	[sflag:s8] =	ssyncset.done $0x0  }
0xe3: {  	[sflag:s8] =	ssyncadd.s32 $0xFFFFE800  }
0xe4: {  	[tilespmem:s7], [sflag:$0x5] =	stream.linear.gather [spmem:s2], $0x1800, $0x38;
	[tilespmem:$0x1F100] =	vst v63  }
0xe5: {  	_ =	swait.ge [sflag:s8], $0x1800  }
0xe6: {  	[sflag:s8] =	ssyncset.done $0x0  }
0xe7: {  	s23 =	rddreg [dreg:$0xb];
	[sflag:s8] =	ssyncadd.s32 $0xFFFFE800  }
0xe8: {  	[hbm4b:s23+s1] =	stream.linear.scatter [tilespmem:s7], [sflag:$0x5], $0x1800, $0x38;
	[tilespmem:$0x1F100] =	vst v63  }
0xe9: {  	_ =	swait.ge [sflag:s8], $0x1800  }
0xea: {  	[sflag:s8] =	ssyncset.done $0x0  }
0xeb: {  	[sflag:s8] =	ssyncadd.s32 $0xFFFFE800  }
0xec: {  	[tilespmem:s7], [sflag:$0x5] =	stream.linear.gather [spmem:s3], $0x1800, $0x38;
	[tilespmem:$0x1F100] =	vst v63  }
0xed: {  	_ =	swait.ge [sflag:s8], $0x1800  }
0xee: {  	[sflag:s8] =	ssyncset.done $0x0  }
0xef: {  	s24 =	rddreg [dreg:$0xc];
	[sflag:s8] =	ssyncadd.s32 $0xFFFFE800  }
0xf0: {  	[hbm4b:s24+s1] =	stream.linear.scatter [tilespmem:s7], [sflag:$0x5], $0x1800, $0x38;
	[tilespmem:$0x1F100] =	vst v63  }
0xf1: {  	_ =	swait.ge [sflag:s8], $0x1800  }
0xf2: {  	[sflag:s8] =	ssyncset.done $0x0  }
0xf3: {  	[sflag:s8] =	ssyncadd.s32 $0xFFFFE800  }
0xf4: {  	[tilespmem:s7], [sflag:$0x5] =	stream.linear.gather [spmem:s4], $0x1800, $0x38;
	[tilespmem:$0x1F100] =	vst v63  }
0xf5: {  	_ =	swait.ge [sflag:s8], $0x1800  }
0xf6: {  	[sflag:s8] =	ssyncset.done $0x0  }
0xf7: {  	s23 =	rddreg [dreg:$0xd];
	[sflag:s8] =	ssyncadd.s32 $0xFFFFE800  }
0xf8: {  	[hbm4b:s23+s1] =	stream.linear.scatter [tilespmem:s7], [sflag:$0x5], $0x1800, $0x38;
	[tilespmem:$0x1F100] =	vst v63  }
0xf9: {  	_ =	swait.ge [sflag:s8], $0x1800  }
0xfa: {  	[sflag:s8] =	ssyncset.done $0x0  }
0xfb: {  	[sflag:s8] =	ssyncadd.s32 $0xFFFFE800  }
0xfc: {  	[tilespmem:s7], [sflag:$0x5] =	stream.linear.gather [spmem:s5], $0x1800, $0x38;
	[tilespmem:$0x1F100] =	vst v63  }
0xfd: {  	_ =	swait.ge [sflag:s8], $0x1800  }
0xfe: {  	[sflag:s8] =	ssyncset.done $0x0  }
0xff: {  	s24 =	rddreg [dreg:$0xe];
	[sflag:s8] =	ssyncadd.s32 $0xFFFFE800  }
0x100: {  	[hbm4b:s24+s1] =	stream.linear.scatter [tilespmem:s7], [sflag:$0x5], $0x1800, $0x38;
	[tilespmem:$0x1F100] =	vst v63  }
0x101: {  	_ =	swait.ge [sflag:s8], $0x1800  }
0x102: {  	[sflag:s8] =	ssyncset.done $0x0  }
0x103: {  	[sflag:s8] =	ssyncadd.s32 $0xFFFFE800  }
0x104: {  	[tilespmem:s7], [sflag:$0x5] =	stream.linear.gather [spmem:s6], $0x1800, $0x38;
	[tilespmem:$0x1F100] =	vst v63  }
0x105: {  	_ =	swait.ge [sflag:s8], $0x1800  }
0x106: {  	[sflag:s8] =	ssyncset.done $0x0  }
0x107: {  	s23 =	rddreg [dreg:$0xf];
	[sflag:s8] =	ssyncadd.s32 $0xFFFFE800  }
0x108: {  	[hbm4b:s23+s1] =	stream.linear.scatter [tilespmem:s7], [sflag:$0x5], $0x1800, $0x38;
	[tilespmem:$0x1F100] =	vst v63  }
0x109: {  	_ =	swait.ge [sflag:s8], $0x1800  }
0x10a: {  	s21 =	sadd.s32 $0x1, s21;
	s24 =	rddreg [dreg:$0x12]  }
0x10b: {  	p0 =	sne.s32 s21, s24  }
.Ltmp1:
0x10c: {  	_ = 	snop;
	(pc) =	sbr.rel @p0 .LBB2_1-.Ltmp1, $3  }
0x10d: {  	_ =	sdelay $0x1  }
0x10e: {  	[sflag:s8] =	ssyncset.done $0x0  }
0x10f: {  	[sflag:s8] =	ssyncadd.s32 $0xFFFFE800  }
0x110: {  	_ =	sfence.sel $0x180000  }
0x111: {  	[bflag:$0x0] =	sbarrier.arrive $0xFFFF  }
0x112: {  	_ =	strace $0x9000004D  }
0x113: {  	s0 =	stileid.u32;
	[bflag:$0x2] =	sbarrier.arrive $0xFFFF  }
0x114: {  	p0 =	sne.s32 s0, $0x0;
	s0 =	rddreg [dreg:$0x4]  }
0x115: {  	s0 =	sadd.s32 @!p0 $0x100000, s0  }
0x116: {  	[sflag:s0] =	ssyncadd.tile.s32 @!p0 $0x1;
	_ =	shalt  }
.Lfunc_end2:
_tile_overlayer_lowered:
.L_overlay_start_2:
0x117: {  	(tag) =	ssettag $0x2  }
0x118: {  	s0 =	rddreg [dreg:$0x0];
	s2 =	stileid.u32  }
0x119: {  	s1 =	rddreg [dreg:$0x1];
	p0 =	sne.s32 s2, $0x0  }
0x11a: {  	s3 =	rddreg [dreg:$0x2];
	[bflag:$0x3] =	sbarrier.arrive $0xFFFF;
	s2 =	simm.s32 @!p0 $0x1C05  }
0x11b: {  	[timem:s3], [sflag:s2] =	dma.local @!p0 [hbm:s0], s1  }
0x11c: {  	s0 =	simm.s32 @!p0 $0x5  }
0x11d: {  	_ =	swait.ge @!p0 [sflag:s0], s1  }
0x11e: {  	s1 =	ssub.s32 @!p0 $0x0, s1;
	[sflag:s0] =	ssyncset.done @!p0 $0x0  }
0x11f: {  	[sflag:s0] =	ssyncadd.s32 @!p0 s1  }
0x120: {  	[bflag:$0x3] =	sbarrier.arrive $0xFFFF  }
0x121: {  	_ =	shalt  }

// kernel: kernel.9.cloned.1.call-start
scs
__scs_entry_jumppad:
0x0: {  	(pc) =	sbr.rel $0x88, $3  }
0x1: {  	(tag) =	ssettag $0x0;
	lr =	simm.s32 $0x1  }
0x2: {  	[smem:$0x3F84] =	sst lr;
	_ =	strace $0xD0000000  }
0x3: {  	_ = 	snop  }
0x4: {  	_ = 	snop  }
0x5: {  	_ = 	snop  }
0x6: {  	_ = 	snop  }
0x7: {  	_ = 	snop  }
__scs_overlays_trampoline_lowered:
0x8: {  	[smem:$0x3F93] =	sst s0  }
0x9: {  	[smem:$0x3F94] =	sst s1  }
0xa: {  	[smem:$0x3F95] =	sst s2  }
0xb: {  	[smem:$0x3F96] =	sst s3  }
0xc: {  	[smem:$0x3F97] =	sst s4  }
0xd: {  	[smem:$0x3F98] =	sst s5  }
0xe: {  	[smem:$0x3F99] =	sst s6  }
0xf: {  	[smem:$0x3F9A] =	sst s7  }
0x10: {  	[smem:$0x3F9B] =	sst s8  }
0x11: {  	[smem:$0x3F9C] =	sst s9;
	s0 =	simm.s32 @!p0 $0x0  }
0x12: {  	s1 =	sld [smem:$0x3F82];
	s0 =	simm.s32 @p0 $0x1  }
0x13: {  	[smem:$0x3F9D] =	sst s0;
	s0 =	simm.s32 @!p1 $0x0  }
0x14: {  	s2 =	sld [smem:$0x3F81];
	s0 =	simm.s32 @p1 $0x1  }
0x15: {  	[smem:$0x3F9E] =	sst s0;
	s0 =	simm.s32 @!p2 $0x0  }
0x16: {  	s3 =	sld [smem:$0x3FDB];
	s0 =	simm.s32 @p2 $0x1  }
0x17: {  	s4 =	simm.s32 $0x1BF5;
	[smem:$0x3FA0] =	sst s0  }
0x18: {  	s0 =	sld [smem:$0x3F83];
	_ =	swait.ge [sflag:s4], $0x0  }
0x19: {  	s7 =	sld [smem:$0x3F84]  }
0x1a: {  	s8 =	sadd.s32 $0xFFFFE003, lr  }
0x1b: {  	s9 =	sadd.s32 $0xFFFFFEF7, lr;
	s5 =	simm.s32 $0xFFFFFFFF;
	p2 =	slt.u32 s8, $0xFFFFF086  }
0x1c: {  	p1 =	slt.u32 s9, $0xF7A;
	s5 =	simm.s32 @!p2 $0x0  }
0x1d: {  	s5 =	simm.s32 @p1 $0x1;
	p0 =	seq.s32 s7, s2  }
0x1e: {  	s7 =	smul.u32 @!p0 $0xF7A, s2;
	p2 =	seq.s32 @!p0 s5, $0x0  }
0x1f: {  	s9 =	smul.u32 $0xF7A, s1;
	s8 =	simm.s32 @!p0 $0x1BF5;
	p2 =	por !p2, p0  }
0x20: {  	[sflag:s8] =	ssyncset.s32 @!p0 $0xFFFFF086;
	s6 =	sadd.s32 @!p0 s3, s7;
	s7 =	simm.s32 @!p0 $0x108  }
0x21: {  	s3 =	sadd.s32 s3, s9;
	s6 =	sadd.s32 @!p0 $0x88, s6;
	s7 =	simm.s32 @p2 $0x1082  }
0x22: {  	[simem:s7], [sflag:s8] =	dma.local @!p0 [hbm:s6], $0xF7A  }
0x23: {  	s9 =	sor.u32 $0xD0000000, s2;
	s6 =	simm.s32 $0x108;
	_ =	swait.ge @!p0 [sflag:s8], $0x0  }
0x24: {  	s3 =	sadd.s32 $0x88, s3;
	s6 =	simm.s32 @!p1 $0x1082;
	[sflag:s4] =	ssyncset.s32 $0xFFFFF086  }
0x25: {  	[simem:s6], [sflag:s4] =	dma.local [hbm:s3], $0xF7A  }
0x26: {  	[smem:$0x3F84] =	sst s1;
	(tag) =	ssettag s2;
	_ =	strace s9  }
0x27: {  	s1 =	sld [smem:$0x3F94]  }
0x28: {  	s2 =	sld [smem:$0x3F95]  }
0x29: {  	s4 =	sld [smem:$0x3F97]  }
0x2a: {  	p0 =	seq.s32 s5, $0x0;
	s5 =	sld [smem:$0x3F98]  }
0x2b: {  	s6 =	sld [smem:$0x3F99]  }
0x2c: {  	s7 =	sld [smem:$0x3F9A]  }
0x2d: {  	s3 =	simm.s32 $0x108;
	s8 =	sld [smem:$0x3F9B]  }
0x2e: {  	s3 =	simm.s32 @!p0 $0x1082;
	s9 =	sld [smem:$0x3F9C]  }
0x2f: {  	lr =	sadd.s32 s0, s3;
	s0 =	sld [smem:$0x3F93]  }
0x30: {  	s3 =	sld [smem:$0x3F96]  }
0x31: {  	[smem:$0x3F9F] =	sst s10  }
0x32: {  	s10 =	sld [smem:$0x3F9D];
	_ =	sdelay $0x3  }
0x33: {  	p0 =	seq.s32 s10, $0x1;
	s10 =	sld [smem:$0x3F9F];
	_ =	sdelay $0x3  }
0x34: {  	[smem:$0x3F9F] =	sst s10  }
0x35: {  	s10 =	sld [smem:$0x3F9E];
	_ =	sdelay $0x3  }
0x36: {  	p1 =	seq.s32 s10, $0x1;
	s10 =	sld [smem:$0x3F9F];
	_ =	sdelay $0x3  }
0x37: {  	[smem:$0x3F9F] =	sst s10  }
0x38: {  	s10 =	sld [smem:$0x3FA0]  }
0x39: {  	_ = 	snop;
	(pc) =	sbr.ind lr, $3  }
0x3a: {  	_ = 	snop  }
0x3b: {  	_ = 	snop  }
0x3c: {  	p2 =	seq.s32 s10, $0x1;
	s10 =	sld [smem:$0x3F9F]  }
0x3d: {  	_ =	shalt  }
0x3e: {  	_ =	shalt  }
0x3f: {  	_ =	shalt  }
0x40: {  	_ =	shalt  }
0x41: {  	_ =	shalt  }
0x42: {  	_ =	shalt  }
0x43: {  	_ =	shalt  }
0x44: {  	_ =	shalt  }
0x45: {  	_ =	shalt  }
0x46: {  	_ =	shalt  }
0x47: {  	_ =	shalt  }
0x48: {  	_ =	shalt  }
0x49: {  	_ =	shalt  }
0x4a: {  	_ =	shalt  }
0x4b: {  	_ =	shalt  }
0x4c: {  	_ =	shalt  }
0x4d: {  	_ =	shalt  }
0x4e: {  	_ =	shalt  }
0x4f: {  	_ =	shalt  }
0x50: {  	_ =	shalt  }
0x51: {  	_ =	shalt  }
0x52: {  	_ =	shalt  }
0x53: {  	_ =	shalt  }
0x54: {  	_ =	shalt  }
0x55: {  	_ =	shalt  }
0x56: {  	_ =	shalt  }
0x57: {  	_ =	shalt  }
0x58: {  	_ =	shalt  }
0x59: {  	_ =	shalt  }
0x5a: {  	_ =	shalt  }
0x5b: {  	_ =	shalt  }
0x5c: {  	_ =	shalt  }
0x5d: {  	_ =	shalt  }
0x5e: {  	_ =	shalt  }
0x5f: {  	_ =	shalt  }
0x60: {  	_ =	shalt  }
0x61: {  	_ =	shalt  }
0x62: {  	_ =	shalt  }
0x63: {  	_ =	shalt  }
0x64: {  	_ =	shalt  }
0x65: {  	_ =	shalt  }
0x66: {  	_ =	shalt  }
0x67: {  	_ =	shalt  }
0x68: {  	_ =	shalt  }
0x69: {  	_ =	shalt  }
0x6a: {  	_ =	shalt  }
0x6b: {  	_ =	shalt  }
0x6c: {  	_ =	shalt  }
0x6d: {  	_ =	shalt  }
0x6e: {  	_ =	shalt  }
0x6f: {  	_ =	shalt  }
0x70: {  	_ =	shalt  }
0x71: {  	_ =	shalt  }
0x72: {  	_ =	shalt  }
0x73: {  	_ =	shalt  }
0x74: {  	_ =	shalt  }
0x75: {  	_ =	shalt  }
0x76: {  	_ =	shalt  }
0x77: {  	_ =	shalt  }
0x78: {  	_ =	shalt  }
0x79: {  	_ =	shalt  }
0x7a: {  	_ =	shalt  }
0x7b: {  	_ =	shalt  }
0x7c: {  	_ =	shalt  }
0x7d: {  	_ =	shalt  }
0x7e: {  	_ =	shalt  }
0x7f: {  	_ =	shalt  }
0x80: {  	_ =	shalt  }
0x81: {  	_ =	shalt  }
0x82: {  	_ =	shalt  }
0x83: {  	_ =	shalt  }
0x84: {  	_ =	shalt  }
0x85: {  	_ =	shalt  }
0x86: {  	_ =	shalt  }
0x87: {  	_ =	shalt  }
.Lfunc_end0:
.L_simem_size_0:
called_computation_lowered:
.L_overlay_start_0:
0x88: {  	s2 =	sld [smem:$0x3FD9]  }
0x89: {  	s3 =	sld [smem:$0x3FFE];
	_ =	sdelay $0x1  }
0x8a: {  	s1 =	srdreg.scid  }
0x8b: {  	s0 =	sand.u32 $0x1, s1  }
0x8c: {  	s14 =	sshll.u32 s0, $0xA;
	s2 =	sadd.s32 s3, s2  }
0x8d: {  	s2 =	sadd.s32 s2, s14  }
0x8e: {  	[smem:$0x3FAB] =	sst s2  }
0x8f: {  	_ = 	snop  }
0x90: {  	s2 =	sld [smem:$0x3FD0];
	_ =	sdelay $0x2  }
0x91: {  	s15 =	simm.s32 $0xA;
	s4 =	simm.s32 $0x10  }
0x92: {  	[smem:s4], [sflag:s15] =	dma.local [hbm:s2], $0x1  }
0x93: {  	_ =	swait.eq [sflag:s15], $0x1  }
0x94: {  	[sflag:s15] =	ssyncset.done $0x0  }
0x95: {  	[sflag:s15] =	ssyncadd.s32 $0xFFFFFFFF  }
0x96: {  	s16 =	sld [smem:$0x10];
	(tm) =	ssettm $0x1  }
0x97: {  	s17 =	sld [smem:$0x3FFB];
	_ =	sdelay $0x3  }
0x98: {  	_ =	strace s17  }
0x99: {  	s3 =	sld [smem:$0x3FFC];
	_ =	sdelay $0x3  }
0x9a: {  	_ =	strace s3  }
0x9b: {  	s3 =	sld [smem:$0x3FFD];
	_ =	sdelay $0x3  }
0x9c: {  	_ =	strace s3  }
0x9d: {  	_ =	strace $0x8FFFFFFF  }
0x9e: {  	s18 =	sld [smem:$0x3FDB];
	_ =	sdelay $0x1  }
0x9f: {  	s19 =	simm.s32 $_scs_section_size  }
0xa0: {  	s5 =	simm.s32 $_size__tile_overlayer_lowered;
	s6 =	simm.s32 $_tile_overlayer_lowered  }
0xa1: {  	s22 =	simm.s32 $0x1BFF;
	s21 =	sshll.u32 s6, $0x1;
	s3 =	sadd.s32 s19, s18  }
0xa2: {  	s7 =	simm.s32 $0x0;
	s20 =	sshll.u32 s5, $0x1;
	s5 =	sadd.s32 s21, s3  }
0xa3: {  	[timem:s7], [sflag:s22] =	dma.local [hbm:s5], s20  }
0xa4: {  	_ =	swait.ge [sflag:s22], s20  }
0xa5: {  	s4 =	ssub.s32 $0x0, s20;
	[sflag:s22] =	ssyncset.done $0x0  }
0xa6: {  	[sflag:s22] =	ssyncadd.s32 s4;
	_ =	sdelay $0x1  }
0xa7: {  	s23 =	simm.s32 $0x1B8B  }
0xa8: {  	_ =	swait.ge [sflag:s23], $0x1  }
0xa9: {  	[sflag:s23] =	ssyncset.done $0x0  }
0xaa: {  	s25 =	simm.s32 $0x1B8E;
	s24 =	sld [smem:$0x3FFE];
	[sflag:s23] =	ssyncadd.s32 $0xFFFFFFFF  }
0xab: {  	s26 =	simm.s32 $execute0_lowered;
	[smem:$0x3FD2] =	sst s25  }
0xac: {  	s5 =	sshll.u32 s26, $0x1;
	_ =	strace $0x80000046;
	[dreg:$0x1] =	wrdreg $0xFFFFFFFF  }
0xad: {  	s28 =	simm.s32 $_size_execute0_lowered;
	s3 =	sadd.s32 s3, s5;
	[dreg:$0x0] =	wrdreg $0x0  }
0xae: {  	s5 =	sshll.u32 s28, $0x1;
	[dreg:$0x2] =	wrdreg s3  }
0xaf: {  	[dreg:$0x3] =	wrdreg s5  }
0xb0: {  	[dreg:$0x4] =	wrdreg $0xC0  }
0xb1: {  	_ =	task [dreg:s7], $0x5FFFF  }
0xb2: {  	[dreg:$0x1] =	wrdreg $0xFFFFFFFF  }
0xb3: {  	[dreg:$0x0] =	wrdreg $0x60  }
0xb4: {  	[dreg:$0x2] =	wrdreg s24  }
0xb5: {  	[dreg:$0x3] =	wrdreg s16  }
0xb6: {  	[dreg:$0x4] =	wrdreg $0x8400  }
0xb7: {  	[dreg:$0x5] =	wrdreg $0x9  }
0xb8: {  	_ =	task.clear_ibuf [dreg:s7], $0x6FFFF;
	_ =	strace $0x90000046  }
0xb9: {  	s29 =	simm.s32 $0x9;
	_ =	strace $0x80000048  }
0xba: {  	_ =	swait.ge [sflag:s29], $0x1  }
0xbb: {  	[sflag:s29] =	ssyncadd.s32 $0xFFFFFFFF  }
0xbc: {  	_ =	strace $0x90000048  }
0xbd: {  	_ =	sfence  }
0xbe: {  	s30 =	sld [smem:$0x0];
	_ =	sdelay $0x2  }
0xbf: {  	s31 =	sshll.u32 s1, $0xD;
	s1 =	sshrl.u32 s1, $0x2  }
0xc0: {  	s3 =	sand.u32 $0x4000, s31;
	s1 =	sadd.s32 s1, s30  }
0xc1: {  	s0 =	sor.u32 s3, s0;
	s1 =	sshll.u32 s1, $0x11  }
0xc2: {  	s0 =	sor.u32 s1, s0  }
0xc3: {  	s0 =	sadd.s32 $0x8F2B, s0  }
0xc4: {  	[sflag:s0] =	ssyncadd.remote.s32 $0x1  }
0xc5: {  	_ =	sfence.sel $0xFFFF  }
0xc6: {  	[dreg:$0x0] =	wrdreg $0xFFFFFFFF;
	(pc) =	sbr.abs _section_cstart, $3  }
0xc7: {  	[dreg:$0x1] =	wrdreg $0xFFFFFFFF  }
0xc8: {  	_ =	task.clear_ibuf [dreg:s7], $0x2FFFF;
	_ =	strace $0x9FFFFFFF  }
0xc9: {  	(tm) =	ssettm $0x7FFFFFFF  }
tec
execute0_lowered:
.L_overlay_start_1:
0x0: {  	(tag) =	ssettag $0x1  }
0x1: {  	s0 =	rddreg [dreg:$0x0];
	s1 =	srdreg.scid  }
0x2: {  	s17 =	stileid.u32;
	s3 =	rddreg [dreg:$0x2];
	s4 =	simm.s32 $0x0  }
0x3: {  	s1 =	sand.u32 $0x1, s1;
	s2 =	smul.u32 $0x2800, s17;
	[smem:$0x7FF] =	sst s4  }
0x4: {  	s8 =	sadd.s32 $0xDC00, s0;
	s5 =	smul.u32 $0x28000, s1;
	s1 =	ssub.s32 $0x2, s1  }
0x5: {  	s17 =	smul.u32 $0xA000, s17;
	_ =	strace $0x80000047;
	s7 =	sshrl.u32 s1, $0x1  }
0x6: {  	s10 =	sadd.s32 $0x800, s2;
	s11 =	sadd.s32 $0xC00, s2;
	s14 =	sadd.s32 $0x1800, s2  }
0x7: {  	s26 =	sadd.s32 $0x2000, s2;
	s28 =	sadd.s32 $0x2400, s2;
	s6 =	sadd.s32 s5, s2  }
0x8: {  	s1 =	ssub.s32 s1, s7;
	s7 =	sor.u32 $0x400, s2;
	s12 =	sadd.s32 s5, s10  }
0x9: {  	s13 =	sadd.s32 s5, s11;
	s24 =	sadd.s32 s5, s26;
	s26 =	sadd.s32 s26, s3  }
0xa: {  	s6 =	sshrl.u32 s6, $0x3;
	s9 =	sadd.s32 s5, s7;
	s15 =	sshrl.u32 s12, $0x3  }
0xb: {  	s16 =	sshrl.u32 s13, $0x3;
	s13 =	sadd.s32 $0x1400, s2;
	s9 =	sshrl.u32 s9, $0x3  }
0xc: {  	s18 =	sadd.s32 s8, s16;
	s16 =	sadd.s32 s5, s14;
	s9 =	sadd.s32 s8, s9  }
0xd: {  	[dreg:$0x6] =	wrdreg s18;
	s21 =	sshrl.u32 s16, $0x3;
	s16 =	sshrl.u32 s24, $0x3  }
0xe: {  	s24 =	sshrl.u32 s17, $0x2;
	s18 =	smax.u32 s1, $0x1;
	[dreg:$0x4] =	wrdreg s9  }
0xf: {  	s9 =	sadd.s32 s8, s15;
	s15 =	sadd.s32 s5, s13;
	s22 =	sadd.s32 s8, s21  }
0x10: {  	s25 =	sadd.s32 s8, s16;
	s16 =	sadd.s32 s24, s3;
	s21 =	sadd.s32 s11, s3  }
0x11: {  	s24 =	sadd.s32 s14, s3;
	s11 =	simm.s32 $0x440;
	[dreg:$0x5] =	wrdreg s9  }
0x12: {  	s9 =	sadd.s32 $0x1000, s2;
	s20 =	sshrl.u32 s15, $0x3;
	[dreg:$0x9] =	wrdreg s22  }
0x13: {  	[dreg:$0xb] =	wrdreg s25;
	s25 =	sadd.s32 s2, s3;
	s30 =	sadd.s32 $0x400, s16  }
0x14: {  	s31 =	sadd.s32 $0x800, s16;
	s1 =	sadd.s32 $0xC00, s16;
	s19 =	sadd.s32 s5, s9  }
0x15: {  	[dreg:$0xf] =	wrdreg s25;
	s22 =	sadd.s32 s9, s3;
	s12 =	sshrl.u32 s19, $0x3  }
0x16: {  	s9 =	simm.s32 $0x40;
	s19 =	sadd.s32 s7, s3;
	s12 =	sadd.s32 s8, s12  }
0x17: {  	s7 =	sadd.s32 $0x2000, s16;
	[dreg:$0x7] =	wrdreg s12;
	s12 =	sadd.s32 s8, s20  }
0x18: {  	s20 =	sadd.s32 s10, s3;
	[dreg:$0x8] =	wrdreg s12;
	s12 =	sadd.s32 $0x1C00, s2  }
0x19: {  	s10 =	simm.s32 $0x1;
	s2 =	sadd.s32 $0x1400, s16;
	s23 =	sadd.s32 s5, s12  }
0x1a: {  	s5 =	sadd.s32 s5, s28;
	s25 =	sadd.s32 s12, s3;
	s15 =	sshrl.u32 s23, $0x3  }
0x1b: {  	s28 =	sadd.s32 s28, s3;
	s5 =	sshrl.u32 s5, $0x3;
	s15 =	sadd.s32 s8, s15  }
0x1c: {  	s12 =	simm.s32 $0x0;
	s5 =	sadd.s32 s8, s5;
	[dreg:$0xa] =	wrdreg s15  }
0x1d: {  	s23 =	sadd.s32 s13, s3;
	s8 =	sadd.s32 s8, s6;
	[dreg:$0xc] =	wrdreg s5  }
0x1e: {  	[dreg:$0xd] =	wrdreg s8;
	s15 =	sadd.s32 s6, s0;
	s0 =	sadd.s32 $0xDA00, s0  }
0x1f: {  	s5 =	sadd.s32 $0x1800, s16;
	s6 =	sadd.s32 $0x1C00, s16;
	s8 =	sadd.s32 $0x2400, s16  }
0x20: {  	[dreg:$0xe] =	wrdreg s0;
	s29 =	sadd.s32 $0x3A00, s15;
	s0 =	sadd.s32 $0x1000, s16  }
.LBB2_1:
0x21: {  	s13 =	rddreg [dreg:$0x1]  }
0x22: {  	[tilespmem:s9], [sflag:$0x1] =	stream.linear.gather [hbm4b:s13+s4], $0x400, $0x38;
	[tilespmem:$0x3040] =	vst v63  }
0x23: {  	_ =	swait.ge [sflag:s10], $0x400  }
0x24: {  	[sflag:s10] =	ssyncset.done $0x0  }
0x25: {  	s15 =	rddreg [dreg:$0xe];
	[sflag:s10] =	ssyncadd.s32 $0xFFFFFC00  }
0x26: {  	[tilespmem:s11], [sflag:$0x1] =	stream.linear.gather [hbm4b:s15+s4], $0x400, $0x38;
	[tilespmem:$0x3040] =	vst v63  }
0x27: {  	_ =	swait.ge [sflag:s10], $0x400  }
0x28: {  	[sflag:s10] =	ssyncset.done $0x0  }
0x29: {  	[sflag:s10] =	ssyncadd.s32 $0xFFFFFC00  }
0x2a: {  	[spmem:s16] =	stream.linear.scatter [tilespmem:s11], [sflag:$0x1], $0x400, $0x38;
	[tilespmem:$0x3040] =	vst v63  }
0x2b: {  	_ =	swait.ge [sflag:s10], $0x400  }
0x2c: {  	[sflag:s10] =	ssyncset.done $0x0  }
0x2d: {  	[sflag:s10] =	ssyncadd.s32 $0xFFFFFC00  }
0x2e: {  	[spmem:s30] =	stream.linear.scatter [tilespmem:s11], [sflag:$0x1], $0x400, $0x38;
	[tilespmem:$0x3040] =	vst v63  }
0x2f: {  	_ =	swait.ge [sflag:s10], $0x400  }
0x30: {  	[sflag:s10] =	ssyncset.done $0x0  }
0x31: {  	[sflag:s10] =	ssyncadd.s32 $0xFFFFFC00  }
0x32: {  	[spmem:s31] =	stream.linear.scatter [tilespmem:s11], [sflag:$0x1], $0x400, $0x38;
	[tilespmem:$0x3040] =	vst v63  }
0x33: {  	_ =	swait.ge [sflag:s10], $0x400  }
0x34: {  	[sflag:s10] =	ssyncset.done $0x0  }
0x35: {  	[sflag:s10] =	ssyncadd.s32 $0xFFFFFC00  }
0x36: {  	[spmem:s1] =	stream.linear.scatter [tilespmem:s11], [sflag:$0x1], $0x400, $0x38;
	[tilespmem:$0x3040] =	vst v63  }
0x37: {  	_ =	swait.ge [sflag:s10], $0x400  }
0x38: {  	[sflag:s10] =	ssyncset.done $0x0  }
0x39: {  	[sflag:s10] =	ssyncadd.s32 $0xFFFFFC00  }
0x3a: {  	[spmem:s0] =	stream.linear.scatter [tilespmem:s11], [sflag:$0x1], $0x400, $0x38;
	[tilespmem:$0x3040] =	vst v63  }
0x3b: {  	_ =	swait.ge [sflag:s10], $0x400  }
0x3c: {  	[sflag:s10] =	ssyncset.done $0x0  }
0x3d: {  	[sflag:s10] =	ssyncadd.s32 $0xFFFFFC00  }
0x3e: {  	[spmem:s2] =	stream.linear.scatter [tilespmem:s11], [sflag:$0x1], $0x400, $0x38;
	[tilespmem:$0x3040] =	vst v63  }
0x3f: {  	_ =	swait.ge [sflag:s10], $0x400  }
0x40: {  	[sflag:s10] =	ssyncset.done $0x0  }
0x41: {  	[sflag:s10] =	ssyncadd.s32 $0xFFFFFC00  }
0x42: {  	[spmem:s5] =	stream.linear.scatter [tilespmem:s11], [sflag:$0x1], $0x400, $0x38;
	[tilespmem:$0x3040] =	vst v63  }
0x43: {  	_ =	swait.ge [sflag:s10], $0x400  }
0x44: {  	[sflag:s10] =	ssyncset.done $0x0  }
0x45: {  	[sflag:s10] =	ssyncadd.s32 $0xFFFFFC00  }
0x46: {  	[spmem:s6] =	stream.linear.scatter [tilespmem:s11], [sflag:$0x1], $0x400, $0x38;
	[tilespmem:$0x3040] =	vst v63  }
0x47: {  	_ =	swait.ge [sflag:s10], $0x400  }
0x48: {  	[sflag:s10] =	ssyncset.done $0x0  }
0x49: {  	[sflag:s10] =	ssyncadd.s32 $0xFFFFFC00  }
0x4a: {  	[spmem:s7] =	stream.linear.scatter [tilespmem:s11], [sflag:$0x1], $0x400, $0x38;
	[tilespmem:$0x3040] =	vst v63  }
0x4b: {  	_ =	swait.ge [sflag:s10], $0x400  }
0x4c: {  	[sflag:s10] =	ssyncset.done $0x0  }
0x4d: {  	[sflag:s10] =	ssyncadd.s32 $0xFFFFFC00  }
0x4e: {  	[spmem:s8] =	stream.linear.scatter [tilespmem:s11], [sflag:$0x1], $0x400, $0x38;
	[tilespmem:$0x3040] =	vst v63  }
0x4f: {  	_ =	swait.ge [sflag:s10], $0x400  }
0x50: {  	[sflag:s10] =	ssyncset.done $0x0  }
0x51: {  	[sflag:s10] =	ssyncadd.s32 $0xFFFFFC00  }
0x52: {  	s17 =	sadd.s32 $0x0, s29;
	[bflag:$0x0] =	sbarrier.arrive $0xFFFF  }
0x53: {  	[tilespmem:s4], [sflag:$0x1] =	stream.linear.gather [hbm4b:s17+s4], $0x40, $0x38;
	[tilespmem:$0x3040] =	vst v63  }
0x54: {  	_ =	swait.ge [sflag:s10], $0x40  }
0x55: {  	[sflag:s10] =	ssyncset.done $0x0  }
0x56: {  	[sflag:s10] =	ssyncadd.s32 $0xFFFFFFC0  }
0x57: {  	[spmem:s3] =	stream.indirect.scatter.add.f32 [tilespmem:s9], [sflag:$0x1], $0x10, s4, s9, $0xb8;
	[tilespmem:$0x3040] =	vst v63  }
0x58: {  	_ =	swait.ge [sflag:s10], $0x400  }
0x59: {  	s14 =	simm.s32 $0x10;
	s13 =	simm.s32 $0x8;
	[sflag:s10] =	ssyncset.done $0x0  }
.LBB2_2:
0x5a: {  	s15 =	sadd.s32 s13, s29  }
0x5b: {  	[sflag:s10] =	ssyncadd.s32 $0xFFFFFC00;
	s13 =	smov.u32 s14;
	s17 =	sadd.s32 $0x8, s14  }
0x5c: {  	[tilespmem:s4], [sflag:$0x1] =	stream.linear.gather [hbm4b:s15+s4], $0x40, $0x38;
	[tilespmem:$0x3040] =	vst v63  }
0x5d: {  	p0 =	sne.s32 s14, $0x4F8;
	_ =	swait.ge [sflag:s10], $0x40  }
.Ltmp0:
0x5e: {  	[sflag:s10] =	ssyncset.done $0x0;
	(pc) =	sbr.rel @p0 .LBB2_2-.Ltmp0, $4  }
0x5f: {  	[sflag:s10] =	ssyncadd.s32 $0xFFFFFFC0  }
0x60: {  	[spmem:s3] =	stream.indirect.scatter.add.f32 [tilespmem:s9], [sflag:$0x1], $0x10, s4, s9, $0xb8;
	[tilespmem:$0x3040] =	vst v63  }
0x61: {  	_ =	swait.ge [sflag:s10], $0x400  }
0x62: {  	s14 =	smov.u32 s17;
	[sflag:s10] =	ssyncset.done $0x0  }
0x63: {  	s13 =	sadd.s32 s13, s29;
	[sflag:s10] =	ssyncadd.s32 $0xFFFFFC00  }
0x64: {  	[tilespmem:s4], [sflag:$0x1] =	stream.linear.gather [hbm4b:s13+s4], $0x40, $0x38;
	[tilespmem:$0x3040] =	vst v63  }
0x65: {  	_ =	swait.ge [sflag:s10], $0x40  }
0x66: {  	[sflag:s10] =	ssyncset.done $0x0  }
0x67: {  	[sflag:s10] =	ssyncadd.s32 $0xFFFFFFC0  }
0x68: {  	[spmem:s3] =	stream.indirect.scatter.add.f32 [tilespmem:s9], [sflag:$0x1], $0x10, s4, s9, $0xb8;
	[tilespmem:$0x3040] =	vst v63  }
0x69: {  	_ =	swait.ge [sflag:s10], $0x400  }
0x6a: {  	[sflag:s10] =	ssyncset.done $0x0  }
0x6b: {  	[sflag:s10] =	ssyncadd.s32 $0xFFFFFC00  }
0x6c: {  	[bflag:$0x0] =	sbarrier.arrive $0xFFFF  }
0x6d: {  	s15 =	rddreg [dreg:$0xf]  }
0x6e: {  	[tilespmem:s11], [sflag:$0x1] =	stream.linear.gather [spmem:s15], $0x400, $0x38;
	[tilespmem:$0x3040] =	vst v63  }
0x6f: {  	_ =	swait.ge [sflag:s10], $0x400  }
0x70: {  	[sflag:s10] =	ssyncset.done $0x0  }
0x71: {  	s17 =	rddreg [dreg:$0xd];
	[sflag:s10] =	ssyncadd.s32 $0xFFFFFC00  }
0x72: {  	[hbm4b:s17+s4] =	stream.linear.scatter [tilespmem:s11], [sflag:$0x1], $0x400, $0x38;
	[tilespmem:$0x3040] =	vst v63  }
0x73: {  	_ =	swait.ge [sflag:s10], $0x400  }
0x74: {  	[sflag:s10] =	ssyncset.done $0x0  }
0x75: {  	[sflag:s10] =	ssyncadd.s32 $0xFFFFFC00  }
0x76: {  	[tilespmem:s11], [sflag:$0x1] =	stream.linear.gather [spmem:s19], $0x400, $0x38;
	[tilespmem:$0x3040] =	vst v63  }
0x77: {  	_ =	swait.ge [sflag:s10], $0x400  }
0x78: {  	[sflag:s10] =	ssyncset.done $0x0  }
0x79: {  	s14 =	rddreg [dreg:$0x4];
	[sflag:s10] =	ssyncadd.s32 $0xFFFFFC00  }
0x7a: {  	[hbm4b:s14+s4] =	stream.linear.scatter [tilespmem:s11], [sflag:$0x1], $0x400, $0x38;
	[tilespmem:$0x3040] =	vst v63  }
0x7b: {  	_ =	swait.ge [sflag:s10], $0x400  }
0x7c: {  	[sflag:s10] =	ssyncset.done $0x0  }
0x7d: {  	[sflag:s10] =	ssyncadd.s32 $0xFFFFFC00  }
0x7e: {  	[tilespmem:s11], [sflag:$0x1] =	stream.linear.gather [spmem:s20], $0x400, $0x38;
	[tilespmem:$0x3040] =	vst v63  }
0x7f: {  	_ =	swait.ge [sflag:s10], $0x400  }
0x80: {  	[sflag:s10] =	ssyncset.done $0x0  }
0x81: {  	s15 =	rddreg [dreg:$0x5];
	[sflag:s10] =	ssyncadd.s32 $0xFFFFFC00  }
0x82: {  	[hbm4b:s15+s4] =	stream.linear.scatter [tilespmem:s11], [sflag:$0x1], $0x400, $0x38;
	[tilespmem:$0x3040] =	vst v63  }
0x83: {  	_ =	swait.ge [sflag:s10], $0x400  }
0x84: {  	[sflag:s10] =	ssyncset.done $0x0  }
0x85: {  	[sflag:s10] =	ssyncadd.s32 $0xFFFFFC00  }
0x86: {  	[tilespmem:s11], [sflag:$0x1] =	stream.linear.gather [spmem:s21], $0x400, $0x38;
	[tilespmem:$0x3040] =	vst v63  }
0x87: {  	_ =	swait.ge [sflag:s10], $0x400  }
0x88: {  	[sflag:s10] =	ssyncset.done $0x0  }
0x89: {  	s17 =	rddreg [dreg:$0x6];
	[sflag:s10] =	ssyncadd.s32 $0xFFFFFC00  }
0x8a: {  	[hbm4b:s17+s4] =	stream.linear.scatter [tilespmem:s11], [sflag:$0x1], $0x400, $0x38;
	[tilespmem:$0x3040] =	vst v63  }
0x8b: {  	_ =	swait.ge [sflag:s10], $0x400  }
0x8c: {  	[sflag:s10] =	ssyncset.done $0x0  }
0x8d: {  	[sflag:s10] =	ssyncadd.s32 $0xFFFFFC00  }
0x8e: {  	[tilespmem:s11], [sflag:$0x1] =	stream.linear.gather [spmem:s22], $0x400, $0x38;
	[tilespmem:$0x3040] =	vst v63  }
0x8f: {  	_ =	swait.ge [sflag:s10], $0x400  }
0x90: {  	[sflag:s10] =	ssyncset.done $0x0  }
0x91: {  	s14 =	rddreg [dreg:$0x7];
	[sflag:s10] =	ssyncadd.s32 $0xFFFFFC00  }
0x92: {  	[hbm4b:s14+s4] =	stream.linear.scatter [tilespmem:s11], [sflag:$0x1], $0x400, $0x38;
	[tilespmem:$0x3040] =	vst v63  }
0x93: {  	_ =	swait.ge [sflag:s10], $0x400  }
0x94: {  	[sflag:s10] =	ssyncset.done $0x0  }
0x95: {  	[sflag:s10] =	ssyncadd.s32 $0xFFFFFC00  }
0x96: {  	[tilespmem:s11], [sflag:$0x1] =	stream.linear.gather [spmem:s23], $0x400, $0x38;
	[tilespmem:$0x3040] =	vst v63  }
0x97: {  	_ =	swait.ge [sflag:s10], $0x400  }
0x98: {  	[sflag:s10] =	ssyncset.done $0x0  }
0x99: {  	s15 =	rddreg [dreg:$0x8];
	[sflag:s10] =	ssyncadd.s32 $0xFFFFFC00  }
0x9a: {  	[hbm4b:s15+s4] =	stream.linear.scatter [tilespmem:s11], [sflag:$0x1], $0x400, $0x38;
	[tilespmem:$0x3040] =	vst v63  }
0x9b: {  	_ =	swait.ge [sflag:s10], $0x400  }
0x9c: {  	[sflag:s10] =	ssyncset.done $0x0  }
0x9d: {  	[sflag:s10] =	ssyncadd.s32 $0xFFFFFC00  }
0x9e: {  	[tilespmem:s11], [sflag:$0x1] =	stream.linear.gather [spmem:s24], $0x400, $0x38;
	[tilespmem:$0x3040] =	vst v63  }
0x9f: {  	_ =	swait.ge [sflag:s10], $0x400  }
0xa0: {  	[sflag:s10] =	ssyncset.done $0x0  }
0xa1: {  	s17 =	rddreg [dreg:$0x9];
	[sflag:s10] =	ssyncadd.s32 $0xFFFFFC00  }
0xa2: {  	[hbm4b:s17+s4] =	stream.linear.scatter [tilespmem:s11], [sflag:$0x1], $0x400, $0x38;
	[tilespmem:$0x3040] =	vst v63  }
0xa3: {  	_ =	swait.ge [sflag:s10], $0x400  }
0xa4: {  	[sflag:s10] =	ssyncset.done $0x0  }
0xa5: {  	[sflag:s10] =	ssyncadd.s32 $0xFFFFFC00  }
0xa6: {  	[tilespmem:s11], [sflag:$0x1] =	stream.linear.gather [spmem:s25], $0x400, $0x38;
	[tilespmem:$0x3040] =	vst v63  }
0xa7: {  	_ =	swait.ge [sflag:s10], $0x400  }
0xa8: {  	[sflag:s10] =	ssyncset.done $0x0  }
0xa9: {  	s14 =	rddreg [dreg:$0xa];
	[sflag:s10] =	ssyncadd.s32 $0xFFFFFC00  }
0xaa: {  	[hbm4b:s14+s4] =	stream.linear.scatter [tilespmem:s11], [sflag:$0x1], $0x400, $0x38;
	[tilespmem:$0x3040] =	vst v63  }
0xab: {  	_ =	swait.ge [sflag:s10], $0x400  }
0xac: {  	[sflag:s10] =	ssyncset.done $0x0  }
0xad: {  	[sflag:s10] =	ssyncadd.s32 $0xFFFFFC00  }
0xae: {  	[tilespmem:s11], [sflag:$0x1] =	stream.linear.gather [spmem:s26], $0x400, $0x38;
	[tilespmem:$0x3040] =	vst v63  }
0xaf: {  	_ =	swait.ge [sflag:s10], $0x400  }
0xb0: {  	[sflag:s10] =	ssyncset.done $0x0  }
0xb1: {  	s15 =	rddreg [dreg:$0xb];
	[sflag:s10] =	ssyncadd.s32 $0xFFFFFC00  }
0xb2: {  	[hbm4b:s15+s4] =	stream.linear.scatter [tilespmem:s11], [sflag:$0x1], $0x400, $0x38;
	[tilespmem:$0x3040] =	vst v63  }
0xb3: {  	_ =	swait.ge [sflag:s10], $0x400  }
0xb4: {  	[sflag:s10] =	ssyncset.done $0x0  }
0xb5: {  	[sflag:s10] =	ssyncadd.s32 $0xFFFFFC00  }
0xb6: {  	[tilespmem:s11], [sflag:$0x1] =	stream.linear.gather [spmem:s28], $0x400, $0x38;
	[tilespmem:$0x3040] =	vst v63  }
0xb7: {  	s12 =	sadd.s32 $0x1, s12;
	_ =	swait.ge [sflag:s10], $0x400  }
0xb8: {  	p0 =	sne.s32 s12, s18;
	[sflag:s10] =	ssyncset.done $0x0  }
.Ltmp1:
0xb9: {  	s17 =	rddreg [dreg:$0xc];
	[sflag:s10] =	ssyncadd.s32 $0xFFFFFC00;
	(pc) =	sbr.rel @p0 .LBB2_1-.Ltmp1, $4  }
0xba: {  	[hbm4b:s17+s4] =	stream.linear.scatter [tilespmem:s11], [sflag:$0x1], $0x400, $0x38;
	[tilespmem:$0x3040] =	vst v63  }
0xbb: {  	_ =	swait.ge [sflag:s10], $0x400  }
0xbc: {  	[sflag:s10] =	ssyncset.done $0x0  }
0xbd: {  	[sflag:s10] =	ssyncadd.s32 $0xFFFFFC00  }
0xbe: {  	_ =	sfence.sel $0x180000  }
0xbf: {  	[bflag:$0x0] =	sbarrier.arrive $0xFFFF  }
0xc0: {  	_ =	strace $0x90000047  }
0xc1: {  	s0 =	stileid.u32;
	[bflag:$0x2] =	sbarrier.arrive $0xFFFF  }
0xc2: {  	p0 =	sne.s32 s0, $0x0;
	s0 =	rddreg [dreg:$0x3]  }
0xc3: {  	s0 =	sadd.s32 @!p0 $0x100000, s0  }
0xc4: {  	[sflag:s0] =	ssyncadd.tile.s32 @!p0 $0x1;
	_ =	shalt  }
.Lfunc_end2:
_tile_overlayer_lowered:
.L_overlay_start_2:
0xc5: {  	(tag) =	ssettag $0x2  }
0xc6: {  	s0 =	rddreg [dreg:$0x0];
	s2 =	stileid.u32  }
0xc7: {  	s1 =	rddreg [dreg:$0x1];
	p0 =	sne.s32 s2, $0x0  }
0xc8: {  	s3 =	rddreg [dreg:$0x2];
	[bflag:$0x3] =	sbarrier.arrive $0xFFFF;
	s2 =	simm.s32 @!p0 $0x1C01  }
0xc9: {  	[timem:s3], [sflag:s2] =	dma.local @!p0 [hbm:s0], s1  }
0xca: {  	s0 =	simm.s32 @!p0 $0x1  }
0xcb: {  	_ =	swait.ge @!p0 [sflag:s0], s1  }
0xcc: {  	s1 =	ssub.s32 @!p0 $0x0, s1;
	[sflag:s0] =	ssyncset.done @!p0 $0x0  }
0xcd: {  	[sflag:s0] =	ssyncadd.s32 @!p0 s1  }
0xce: {  	[bflag:$0x3] =	sbarrier.arrive $0xFFFF  }
0xcf: {  	_ =	shalt  }

</sc_bundles>
